<compile_context>
chip_gen: v7x
topology: tpu7x:2x2x1
jax: 0.10.2.dev20260603
libtpu: 0.0.44.dev20260713+nightly
codegen_flags: <defaults>
</compile_context>

<pallas_src>
import jax
import jax.numpy as jnp
from jax import lax
from jax.experimental import pallas as pl
from jax.experimental.pallas import tpu as pltpu
from jax.experimental.pallas import tpu_sc as plsc

D = 64
BATCH = 4096
T = 200
B = BATCH * T
LM = 128
MROWS = B // LM
NC, NS = 2, 16
NW = NC * NS
K = 4
NB = 2
ROWS_PER_W = MROWS // NW
CHUNKS = ROWS_PER_W // K
G = CHUNKS // NB


def _dst(out_hbm, r):
    t = r // 32
    m = r % 32
    h = m // 16
    j0 = t * (BATCH // 2) + (m % 16) * LM
    return out_hbm.at[pl.ds(j0, LM), pl.ds(h * D, D)]


def _sc_body(idx_hbm, table_hbm, out_hbm, idx_all, rows_v, gsem, ssem0, ssem1):
    wid = lax.axis_index("s") * NC + lax.axis_index("c")
    wbase = wid * ROWS_PER_W
    pltpu.sync_copy(idx_hbm.at[pl.ds(wbase, ROWS_PER_W)], idx_all)
    ssems = (ssem0, ssem1)

    def outer(g, carry):
        for b in range(NB):
            c = g * NB + b
            base = c * K

            @pl.when(g > 0)
            def _():
                for j in range(K):
                    pltpu.make_async_copy(
                        rows_v.at[b, j],
                        _dst(out_hbm, wbase + base - NB * K + j),
                        ssems[b],
                    ).wait()

            cps = [
                pltpu.async_copy(
                    table_hbm.at[idx_all.at[base + j]], rows_v.at[b, j], gsem
                )
                for j in range(K)
            ]
            for cp in cps:
                cp.wait()
            for j in range(K):
                pltpu.async_copy(
                    rows_v.at[b, j], _dst(out_hbm, wbase + base + j), ssems[b]
                )
        return carry

    lax.fori_loop(0, G, outer, 0)
    for b in range(NB):
        base = (G - 1) * NB * K + b * K
        for j in range(K):
            pltpu.make_async_copy(
                rows_v.at[b, j], _dst(out_hbm, wbase + base + j), ssems[b]
            ).wait()


def _sc_gather(idx, table):
    return pl.kernel(
        _sc_body,
        out_type=jax.ShapeDtypeStruct((B // 2, 2 * D), jnp.float32),
        mesh=plsc.VectorSubcoreMesh(core_axis_name="c", subcore_axis_name="s"),
        compiler_params=pltpu.CompilerParams(use_tc_tiling_on_sc=False),
        scratch_types=[
            pltpu.VMEM((ROWS_PER_W, LM), jnp.int32),
            pltpu.VMEM((NB, K, LM, D), jnp.float32),
            pltpu.SemaphoreType.DMA,
            pltpu.SemaphoreType.DMA,
            pltpu.SemaphoreType.DMA,
        ],
    )(idx, table)


TBLK = 8


def _tc_transpose_body(y_ref, out_ref):
    for t in range(TBLK):
        yt = y_ref[t * (BATCH // 2) : (t + 1) * (BATCH // 2), :].T
        out_ref[t, :, : BATCH // 2] = yt[:D]
        out_ref[t, :, BATCH // 2 :] = yt[D:]


def _tc_transpose(y2):
    return pl.pallas_call(
        _tc_transpose_body,
        out_shape=jax.ShapeDtypeStruct((T, D, BATCH), jnp.float32),
        grid=(T // TBLK,),
        in_specs=[pl.BlockSpec((TBLK * BATCH // 2, 128), lambda i: (i, 0))],
        out_specs=pl.BlockSpec((TBLK, D, BATCH), lambda i: (i, 0, 0)),
    )(y2)


@jax.jit
def kernel(inputs, table):
    idx = jnp.transpose(jnp.squeeze(inputs, -1)).reshape(MROWS, LM)
    y = _sc_gather(idx, table)
    out_t = _tc_transpose(y)
    return jnp.transpose(out_t, (2, 0, 1))

# --- scband reference (transcript-rebuilt; emitter-appended) ---
"""Pipeline reference for scband-sequence-encoder-26723286516011 (READ-ONLY COPY).

The authoritative reference and input builder live on the scoring server;
editing this copy changes nothing except your own understanding.
"""

import jax, jax.numpy as jnp
import numpy as np

VOCAB = 100000
EMBED_DIM = 64
BATCH = 4096
HIST_LEN = 200


def setup_inputs(seed: int = 0) -> dict:
    key = jax.random.key(seed)
    k_idx, k_tab = jax.random.split(key)
    inputs = jax.random.randint(k_idx, (BATCH, HIST_LEN, 1), 0, VOCAB, dtype=jnp.int64 if jax.config.jax_enable_x64 else jnp.int32)
    table = jax.random.normal(k_tab, (VOCAB, EMBED_DIM), dtype=jnp.float32) * 0.02
    return {"inputs": inputs, "table": table}


def reference(inputs, table):
    # SequenceEncoder.call with an Embedding layer:
    #   inputs = squeeze(inputs, axis=-1)  (Embedding path)
    #   embedded_seq = embedding_layer(inputs)
    #   return self.encode(embedded_seq)   -- abstract in base class; identity passthrough here
    idx = jnp.squeeze(inputs, axis=-1)
    embedded_seq = jnp.take(table, idx, axis=0)
    return embedded_seq

if __name__ == "__main__":
    import jax
    _d = setup_inputs()
    print(jax.jit(kernel)(*tuple(_d.values())))

</pallas_src>

<mosaic_0001>
#map = affine_map<(d0, d1) -> (0, 0)>
module attributes {stable_mosaic.version = 14 : i64} {
  func.func @_sc_body(%arg0: i32, %arg1: i32, %arg2: memref<6400x128xi32, #tpu.memory_space<hbm>>, %arg3: memref<100000x64xf32, #tpu.memory_space<hbm>>, %arg4: memref<409600x128xf32, #tpu.memory_space<hbm>>, %arg5: memref<200x128xi32, #tpu.memory_space<vmem>>, %arg6: memref<2x4x128x64xf32, #tpu.memory_space<vmem>>, %arg7: memref<!tpu.dma_semaphore, #tpu.memory_space<semaphore_mem>>, %arg8: memref<!tpu.dma_semaphore, #tpu.memory_space<semaphore_mem>>, %arg9: memref<!tpu.dma_semaphore, #tpu.memory_space<semaphore_mem>>) attributes {dimension_semantics = [#tpu.dimension_semantics<core_parallel>, #tpu.dimension_semantics<subcore_parallel>], iteration_bounds = array<i64: 2, 16>, scalar_prefetch = 0 : i64, scratch_operands = 5 : i64, tpu.core_type = #tpu.core_type<sc_vector_subcore>, window_params = [{transform_indices = #map}, {transform_indices = #map}, {transform_indices = #map}]} {
    %mul3A = arith.constant 2 : i32
    %mul3A_0 = arith.muli %arg1, %mul3A : i32
    %add3A = arith.addi %mul3A_0, %arg0 : i32
    %mul3A_1 = arith.constant 200 : i32
    %mul3A_2 = arith.muli %add3A, %mul3A_1 : i32
    "tpu.region"() ({
      %run_scoped3A = tpu.sem_alloc : memref<!tpu.dma_semaphore, #tpu.memory_space<semaphore_mem>>
      %dma_start3A = arith.constant 0 : i32
      %dma_start3A_821 = tpu.memref_slice %arg2[%mul3A_2, %dma_start3A] : memref<6400x128xi32, #tpu.memory_space<hbm>> -> memref<200x128xi32, #tpu.memory_space<hbm>>
      %dma_start3A_822 = arith.constant 0 : i32
      %dma_start3A_823 = tpu.memref_slice %arg2[%mul3A_2, %dma_start3A_822] : memref<6400x128xi32, #tpu.memory_space<hbm>> -> memref<200x128xi32, #tpu.memory_space<hbm>>
      tpu.enqueue_dma source(%dma_start3A_823 : memref<200x128xi32, #tpu.memory_space<hbm>>) target(%arg5 : memref<200x128xi32, #tpu.memory_space<vmem>>) target_semaphore(%run_scoped3A : memref<!tpu.dma_semaphore, #tpu.memory_space<semaphore_mem>>)
      %dma_wait3A_824 = arith.constant 0 : i32
      %dma_wait3A_825 = tpu.memref_slice %arg2[%mul3A_2, %dma_wait3A_824] : memref<6400x128xi32, #tpu.memory_space<hbm>> -> memref<200x128xi32, #tpu.memory_space<hbm>>
      %dma_wait3A_826 = arith.constant 0 : i32
      %dma_wait3A_827 = tpu.memref_slice %arg2[%mul3A_2, %dma_wait3A_826] : memref<6400x128xi32, #tpu.memory_space<hbm>> -> memref<200x128xi32, #tpu.memory_space<hbm>>
      tpu.wait_dma2 semaphore(%run_scoped3A : memref<!tpu.dma_semaphore, #tpu.memory_space<semaphore_mem>>) src(%dma_wait3A_827 : memref<200x128xi32, #tpu.memory_space<hbm>>) dst(%arg5 : memref<200x128xi32, #tpu.memory_space<vmem>>)
      tpu.yield
    }) : () -> ()
    %scan3A = arith.constant 0 : i32
    %scan3A_3 = arith.constant 0 : i32
    %scan3A_4 = arith.constant 25 : i32
    %scan3A_5 = arith.addi %scan3A_3, %scan3A_4 : i32
    %scan3A_6 = arith.constant 1 : i32
    scf.for %scan3A_821 = %scan3A_3 to %scan3A_5 step %scan3A_6  : i32 {
      %mul3A_822 = arith.constant 2 : i32
      %mul3A_823 = arith.muli %scan3A_821, %mul3A_822 : i32
      %add3A_824 = arith.constant 0 : i32
      %add3A_825 = arith.addi %mul3A_823, %add3A_824 : i32
      %mul3A_826 = arith.constant 4 : i32
      %mul3A_827 = arith.muli %add3A_825, %mul3A_826 : i32
      %gt3A = arith.constant 0 : i32
      %gt3A_828 = arith.cmpi sgt, %scan3A_821, %gt3A : i32
      %convert_element_type3A = arith.extui %gt3A_828 : i1 to i32
      %cond3A = arith.constant 0 : i32
      %cond3A_829 = arith.cmpi ne, %convert_element_type3A, %cond3A : i32
      scf.if %cond3A_829 {
        %add3A_1864 = arith.addi %mul3A_2, %mul3A_827 : i32
        %sub3A_1865 = arith.constant 8 : i32
        %sub3A_1866 = arith.subi %add3A_1864, %sub3A_1865 : i32
        %add3A_1867 = arith.constant 0 : i32
        %add3A_1868 = arith.addi %sub3A_1866, %add3A_1867 : i32
        %jit3A_1869 = arith.constant 32 : i32
        %div3A_1870 = arith.divsi %add3A_1868, %jit3A_1869 : i32
        %sign3A_1871 = arith.constant 0 : i32
        %sign3A_1872 = arith.cmpi sgt, %add3A_1868, %sign3A_1871 : i32
        %sign3A_1873 = arith.extui %sign3A_1872 : i1 to i32
        %sign3A_1874 = arith.constant 0 : i32
        %sign3A_1875 = arith.cmpi slt, %add3A_1868, %sign3A_1874 : i32
        %sign3A_1876 = arith.extui %sign3A_1875 : i1 to i32
        %sign3A_1877 = arith.subi %sign3A_1873, %sign3A_1876 : i32
        %sign3A_1878 = arith.constant 0 : i32
        %sign3A_1879 = arith.cmpi sgt, %jit3A_1869, %sign3A_1878 : i32
        %sign3A_1880 = arith.extui %sign3A_1879 : i1 to i32
        %sign3A_1881 = arith.constant 0 : i32
        %sign3A_1882 = arith.cmpi slt, %jit3A_1869, %sign3A_1881 : i32
        %sign3A_1883 = arith.extui %sign3A_1882 : i1 to i32
        %sign3A_1884 = arith.subi %sign3A_1880, %sign3A_1883 : i32
        %ne3A_1885 = arith.cmpi ne, %sign3A_1877, %sign3A_1884 : i32
        %rem3A_1886 = arith.remsi %add3A_1868, %jit3A_1869 : i32
        %ne3A_1887 = arith.constant 0 : i32
        %ne3A_1888 = arith.cmpi ne, %rem3A_1886, %ne3A_1887 : i32
        %and3A_1889 = arith.andi %ne3A_1885, %ne3A_1888 : i1
        %sub3A_1890 = arith.constant 1 : i32
        %sub3A_1891 = arith.subi %div3A_1870, %sub3A_1890 : i32
        %select_n3A_1892 = arith.select %and3A_1889, %sub3A_1891, %div3A_1870 : i32
        %jit3A_1893 = arith.constant 32 : i32
        %eq3A_1894 = arith.constant 0 : i32
        %eq3A_1895 = arith.cmpi eq, %jit3A_1893, %eq3A_1894 : i32
        %jit3A_1896 = arith.constant 1 : i32
        %select_n3A_1897 = arith.select %eq3A_1895, %jit3A_1896, %jit3A_1893 : i32
        %rem3A_1898 = arith.remsi %add3A_1868, %select_n3A_1897 : i32
        %ne3A_1899 = arith.constant 0 : i32
        %ne3A_1900 = arith.cmpi ne, %rem3A_1898, %ne3A_1899 : i32
        %lt3A_1901 = arith.constant 0 : i32
        %lt3A_1902 = arith.cmpi slt, %rem3A_1898, %lt3A_1901 : i32
        %lt3A_1903 = arith.constant 0 : i32
        %lt3A_1904 = arith.cmpi slt, %select_n3A_1897, %lt3A_1903 : i32
        %ne3A_1905 = arith.xori %lt3A_1902, %lt3A_1904 : i1
        %and3A_1906 = arith.andi %ne3A_1905, %ne3A_1900 : i1
        %add3A_1907 = arith.addi %rem3A_1898, %select_n3A_1897 : i32
        %select_n3A_1908 = arith.select %and3A_1906, %add3A_1907, %rem3A_1898 : i32
        %jit3A_1909 = arith.constant 16 : i32
        %div3A_1910 = arith.divsi %select_n3A_1908, %jit3A_1909 : i32
        %sign3A_1911 = arith.constant 0 : i32
        %sign3A_1912 = arith.cmpi sgt, %select_n3A_1908, %sign3A_1911 : i32
        %sign3A_1913 = arith.extui %sign3A_1912 : i1 to i32
        %sign3A_1914 = arith.constant 0 : i32
        %sign3A_1915 = arith.cmpi slt, %select_n3A_1908, %sign3A_1914 : i32
        %sign3A_1916 = arith.extui %sign3A_1915 : i1 to i32
        %sign3A_1917 = arith.subi %sign3A_1913, %sign3A_1916 : i32
        %sign3A_1918 = arith.constant 0 : i32
        %sign3A_1919 = arith.cmpi sgt, %jit3A_1909, %sign3A_1918 : i32
        %sign3A_1920 = arith.extui %sign3A_1919 : i1 to i32
        %sign3A_1921 = arith.constant 0 : i32
        %sign3A_1922 = arith.cmpi slt, %jit3A_1909, %sign3A_1921 : i32
        %sign3A_1923 = arith.extui %sign3A_1922 : i1 to i32
        %sign3A_1924 = arith.subi %sign3A_1920, %sign3A_1923 : i32
        %ne3A_1925 = arith.cmpi ne, %sign3A_1917, %sign3A_1924 : i32
        %rem3A_1926 = arith.remsi %select_n3A_1908, %jit3A_1909 : i32
        %ne3A_1927 = arith.constant 0 : i32
        %ne3A_1928 = arith.cmpi ne, %rem3A_1926, %ne3A_1927 : i32
        %and3A_1929 = arith.andi %ne3A_1925, %ne3A_1928 : i1
        %sub3A_1930 = arith.constant 1 : i32
        %sub3A_1931 = arith.subi %div3A_1910, %sub3A_1930 : i32
        %select_n3A_1932 = arith.select %and3A_1929, %sub3A_1931, %div3A_1910 : i32
        %mul3A_1933 = arith.constant 2048 : i32
        %mul3A_1934 = arith.muli %select_n3A_1892, %mul3A_1933 : i32
        %jit3A_1935 = arith.constant 16 : i32
        %eq3A_1936 = arith.constant 0 : i32
        %eq3A_1937 = arith.cmpi eq, %jit3A_1935, %eq3A_1936 : i32
        %jit3A_1938 = arith.constant 1 : i32
        %select_n3A_1939 = arith.select %eq3A_1937, %jit3A_1938, %jit3A_1935 : i32
        %rem3A_1940 = arith.remsi %select_n3A_1908, %select_n3A_1939 : i32
        %ne3A_1941 = arith.constant 0 : i32
        %ne3A_1942 = arith.cmpi ne, %rem3A_1940, %ne3A_1941 : i32
        %lt3A_1943 = arith.constant 0 : i32
        %lt3A_1944 = arith.cmpi slt, %rem3A_1940, %lt3A_1943 : i32
        %lt3A_1945 = arith.constant 0 : i32
        %lt3A_1946 = arith.cmpi slt, %select_n3A_1939, %lt3A_1945 : i32
        %ne3A_1947 = arith.xori %lt3A_1944, %lt3A_1946 : i1
        %and3A_1948 = arith.andi %ne3A_1947, %ne3A_1942 : i1
        %add3A_1949 = arith.addi %rem3A_1940, %select_n3A_1939 : i32
        %select_n3A_1950 = arith.select %and3A_1948, %add3A_1949, %rem3A_1940 : i32
        %mul3A_1951 = arith.constant 128 : i32
        %mul3A_1952 = arith.muli %select_n3A_1950, %mul3A_1951 : i32
        %add3A_1953 = arith.addi %mul3A_1934, %mul3A_1952 : i32
        %mul3A_1954 = arith.constant 64 : i32
        %mul3A_1955 = arith.muli %select_n3A_1932, %mul3A_1954 : i32
        %dma_wait3A_1956 = arith.constant 0 : i32
        %dma_wait3A_1957 = arith.constant 0 : i32
        %dma_wait3A_1958 = arith.constant 0 : i32
        %dma_wait3A_1959 = arith.constant 0 : i32
        %dma_wait3A_1960 = tpu.memref_slice %arg6[%dma_wait3A_1956, %dma_wait3A_1957, %dma_wait3A_1958, %dma_wait3A_1959] : memref<2x4x128x64xf32, #tpu.memory_space<vmem>> -> memref<1x1x128x64xf32, #tpu.memory_space<vmem>>
        %dma_wait3A_1961 = tpu.memref_squeeze %dma_wait3A_1960 : memref<1x1x128x64xf32, #tpu.memory_space<vmem>> -> memref<128x64xf32, #tpu.memory_space<vmem>>
        %dma_wait3A_1962 = tpu.memref_slice %arg4[%add3A_1953, %mul3A_1955] : memref<409600x128xf32, #tpu.memory_space<hbm>> -> memref<128x64xf32, #tpu.memory_space<hbm>>
        %dma_wait3A_1963 = tpu.memref_slice %arg4[%add3A_1953, %mul3A_1955] : memref<409600x128xf32, #tpu.memory_space<hbm>> -> memref<128x64xf32, #tpu.memory_space<hbm>>
        %dma_wait3A_1964 = arith.constant 0 : i32
        %dma_wait3A_1965 = arith.constant 0 : i32
        %dma_wait3A_1966 = tpu.memref_slice %arg6[%dma_wait3A_1956, %dma_wait3A_1957, %dma_wait3A_1964, %dma_wait3A_1965] : memref<2x4x128x64xf32, #tpu.memory_space<vmem>> -> memref<1x1x128x64xf32, #tpu.memory_space<vmem>>
        %dma_wait3A_1967 = tpu.memref_squeeze %dma_wait3A_1966 : memref<1x1x128x64xf32, #tpu.memory_space<vmem>> -> memref<128x64xf32, #tpu.memory_space<vmem>>
        tpu.wait_dma2 semaphore(%arg8 : memref<!tpu.dma_semaphore, #tpu.memory_space<semaphore_mem>>) src(%dma_wait3A_1967 : memref<128x64xf32, #tpu.memory_space<vmem>>) dst(%dma_wait3A_1963 : memref<128x64xf32, #tpu.memory_space<hbm>>)
        %add3A_1968 = arith.addi %mul3A_2, %mul3A_827 : i32
        %sub3A_1969 = arith.constant 8 : i32
        %sub3A_1970 = arith.subi %add3A_1968, %sub3A_1969 : i32
        %add3A_1971 = arith.constant 1 : i32
        %add3A_1972 = arith.addi %sub3A_1970, %add3A_1971 : i32
        %jit3A_1973 = arith.constant 32 : i32
        %div3A_1974 = arith.divsi %add3A_1972, %jit3A_1973 : i32
        %sign3A_1975 = arith.constant 0 : i32
        %sign3A_1976 = arith.cmpi sgt, %add3A_1972, %sign3A_1975 : i32
        %sign3A_1977 = arith.extui %sign3A_1976 : i1 to i32
        %sign3A_1978 = arith.constant 0 : i32
        %sign3A_1979 = arith.cmpi slt, %add3A_1972, %sign3A_1978 : i32
        %sign3A_1980 = arith.extui %sign3A_1979 : i1 to i32
        %sign3A_1981 = arith.subi %sign3A_1977, %sign3A_1980 : i32
        %sign3A_1982 = arith.constant 0 : i32
        %sign3A_1983 = arith.cmpi sgt, %jit3A_1973, %sign3A_1982 : i32
        %sign3A_1984 = arith.extui %sign3A_1983 : i1 to i32
        %sign3A_1985 = arith.constant 0 : i32
        %sign3A_1986 = arith.cmpi slt, %jit3A_1973, %sign3A_1985 : i32
        %sign3A_1987 = arith.extui %sign3A_1986 : i1 to i32
        %sign3A_1988 = arith.subi %sign3A_1984, %sign3A_1987 : i32
        %ne3A_1989 = arith.cmpi ne, %sign3A_1981, %sign3A_1988 : i32
        %rem3A_1990 = arith.remsi %add3A_1972, %jit3A_1973 : i32
        %ne3A_1991 = arith.constant 0 : i32
        %ne3A_1992 = arith.cmpi ne, %rem3A_1990, %ne3A_1991 : i32
        %and3A_1993 = arith.andi %ne3A_1989, %ne3A_1992 : i1
        %sub3A_1994 = arith.constant 1 : i32
        %sub3A_1995 = arith.subi %div3A_1974, %sub3A_1994 : i32
        %select_n3A_1996 = arith.select %and3A_1993, %sub3A_1995, %div3A_1974 : i32
        %jit3A_1997 = arith.constant 32 : i32
        %eq3A_1998 = arith.constant 0 : i32
        %eq3A_1999 = arith.cmpi eq, %jit3A_1997, %eq3A_1998 : i32
        %jit3A_2000 = arith.constant 1 : i32
        %select_n3A_2001 = arith.select %eq3A_1999, %jit3A_2000, %jit3A_1997 : i32
        %rem3A_2002 = arith.remsi %add3A_1972, %select_n3A_2001 : i32
        %ne3A_2003 = arith.constant 0 : i32
        %ne3A_2004 = arith.cmpi ne, %rem3A_2002, %ne3A_2003 : i32
        %lt3A_2005 = arith.constant 0 : i32
        %lt3A_2006 = arith.cmpi slt, %rem3A_2002, %lt3A_2005 : i32
        %lt3A_2007 = arith.constant 0 : i32
        %lt3A_2008 = arith.cmpi slt, %select_n3A_2001, %lt3A_2007 : i32
        %ne3A_2009 = arith.xori %lt3A_2006, %lt3A_2008 : i1
        %and3A_2010 = arith.andi %ne3A_2009, %ne3A_2004 : i1
        %add3A_2011 = arith.addi %rem3A_2002, %select_n3A_2001 : i32
        %select_n3A_2012 = arith.select %and3A_2010, %add3A_2011, %rem3A_2002 : i32
        %jit3A_2013 = arith.constant 16 : i32
        %div3A_2014 = arith.divsi %select_n3A_2012, %jit3A_2013 : i32
        %sign3A_2015 = arith.constant 0 : i32
        %sign3A_2016 = arith.cmpi sgt, %select_n3A_2012, %sign3A_2015 : i32
        %sign3A_2017 = arith.extui %sign3A_2016 : i1 to i32
        %sign3A_2018 = arith.constant 0 : i32
        %sign3A_2019 = arith.cmpi slt, %select_n3A_2012, %sign3A_2018 : i32
        %sign3A_2020 = arith.extui %sign3A_2019 : i1 to i32
        %sign3A_2021 = arith.subi %sign3A_2017, %sign3A_2020 : i32
        %sign3A_2022 = arith.constant 0 : i32
        %sign3A_2023 = arith.cmpi sgt, %jit3A_2013, %sign3A_2022 : i32
        %sign3A_2024 = arith.extui %sign3A_2023 : i1 to i32
        %sign3A_2025 = arith.constant 0 : i32
        %sign3A_2026 = arith.cmpi slt, %jit3A_2013, %sign3A_2025 : i32
        %sign3A_2027 = arith.extui %sign3A_2026 : i1 to i32
        %sign3A_2028 = arith.subi %sign3A_2024, %sign3A_2027 : i32
        %ne3A_2029 = arith.cmpi ne, %sign3A_2021, %sign3A_2028 : i32
        %rem3A_2030 = arith.remsi %select_n3A_2012, %jit3A_2013 : i32
        %ne3A_2031 = arith.constant 0 : i32
        %ne3A_2032 = arith.cmpi ne, %rem3A_2030, %ne3A_2031 : i32
        %and3A_2033 = arith.andi %ne3A_2029, %ne3A_2032 : i1
        %sub3A_2034 = arith.constant 1 : i32
        %sub3A_2035 = arith.subi %div3A_2014, %sub3A_2034 : i32
        %select_n3A_2036 = arith.select %and3A_2033, %sub3A_2035, %div3A_2014 : i32
        %mul3A_2037 = arith.constant 2048 : i32
        %mul3A_2038 = arith.muli %select_n3A_1996, %mul3A_2037 : i32
        %jit3A_2039 = arith.constant 16 : i32
        %eq3A_2040 = arith.constant 0 : i32
        %eq3A_2041 = arith.cmpi eq, %jit3A_2039, %eq3A_2040 : i32
        %jit3A_2042 = arith.constant 1 : i32
        %select_n3A_2043 = arith.select %eq3A_2041, %jit3A_2042, %jit3A_2039 : i32
        %rem3A_2044 = arith.remsi %select_n3A_2012, %select_n3A_2043 : i32
        %ne3A_2045 = arith.constant 0 : i32
        %ne3A_2046 = arith.cmpi ne, %rem3A_2044, %ne3A_2045 : i32
        %lt3A_2047 = arith.constant 0 : i32
        %lt3A_2048 = arith.cmpi slt, %rem3A_2044, %lt3A_2047 : i32
        %lt3A_2049 = arith.constant 0 : i32
        %lt3A_2050 = arith.cmpi slt, %select_n3A_2043, %lt3A_2049 : i32
        %ne3A_2051 = arith.xori %lt3A_2048, %lt3A_2050 : i1
        %and3A_2052 = arith.andi %ne3A_2051, %ne3A_2046 : i1
        %add3A_2053 = arith.addi %rem3A_2044, %select_n3A_2043 : i32
        %select_n3A_2054 = arith.select %and3A_2052, %add3A_2053, %rem3A_2044 : i32
        %mul3A_2055 = arith.constant 128 : i32
        %mul3A_2056 = arith.muli %select_n3A_2054, %mul3A_2055 : i32
        %add3A_2057 = arith.addi %mul3A_2038, %mul3A_2056 : i32
        %mul3A_2058 = arith.constant 64 : i32
        %mul3A_2059 = arith.muli %select_n3A_2036, %mul3A_2058 : i32
        %dma_wait3A_2060 = arith.constant 0 : i32
        %dma_wait3A_2061 = arith.constant 1 : i32
        %dma_wait3A_2062 = arith.constant 0 : i32
        %dma_wait3A_2063 = arith.constant 0 : i32
        %dma_wait3A_2064 = tpu.memref_slice %arg6[%dma_wait3A_2060, %dma_wait3A_2061, %dma_wait3A_2062, %dma_wait3A_2063] : memref<2x4x128x64xf32, #tpu.memory_space<vmem>> -> memref<1x1x128x64xf32, #tpu.memory_space<vmem>>
        %dma_wait3A_2065 = tpu.memref_squeeze %dma_wait3A_2064 : memref<1x1x128x64xf32, #tpu.memory_space<vmem>> -> memref<128x64xf32, #tpu.memory_space<vmem>>
        %dma_wait3A_2066 = tpu.memref_slice %arg4[%add3A_2057, %mul3A_2059] : memref<409600x128xf32, #tpu.memory_space<hbm>> -> memref<128x64xf32, #tpu.memory_space<hbm>>
        %dma_wait3A_2067 = tpu.memref_slice %arg4[%add3A_2057, %mul3A_2059] : memref<409600x128xf32, #tpu.memory_space<hbm>> -> memref<128x64xf32, #tpu.memory_space<hbm>>
        %dma_wait3A_2068 = arith.constant 0 : i32
        %dma_wait3A_2069 = arith.constant 0 : i32
        %dma_wait3A_2070 = tpu.memref_slice %arg6[%dma_wait3A_2060, %dma_wait3A_2061, %dma_wait3A_2068, %dma_wait3A_2069] : memref<2x4x128x64xf32, #tpu.memory_space<vmem>> -> memref<1x1x128x64xf32, #tpu.memory_space<vmem>>
        %dma_wait3A_2071 = tpu.memref_squeeze %dma_wait3A_2070 : memref<1x1x128x64xf32, #tpu.memory_space<vmem>> -> memref<128x64xf32, #tpu.memory_space<vmem>>
        tpu.wait_dma2 semaphore(%arg8 : memref<!tpu.dma_semaphore, #tpu.memory_space<semaphore_mem>>) src(%dma_wait3A_2071 : memref<128x64xf32, #tpu.memory_space<vmem>>) dst(%dma_wait3A_2067 : memref<128x64xf32, #tpu.memory_space<hbm>>)
        %add3A_2072 = arith.addi %mul3A_2, %mul3A_827 : i32
        %sub3A_2073 = arith.constant 8 : i32
        %sub3A_2074 = arith.subi %add3A_2072, %sub3A_2073 : i32
        %add3A_2075 = arith.constant 2 : i32
        %add3A_2076 = arith.addi %sub3A_2074, %add3A_2075 : i32
        %jit3A_2077 = arith.constant 32 : i32
        %div3A_2078 = arith.divsi %add3A_2076, %jit3A_2077 : i32
        %sign3A_2079 = arith.constant 0 : i32
        %sign3A_2080 = arith.cmpi sgt, %add3A_2076, %sign3A_2079 : i32
        %sign3A_2081 = arith.extui %sign3A_2080 : i1 to i32
        %sign3A_2082 = arith.constant 0 : i32
        %sign3A_2083 = arith.cmpi slt, %add3A_2076, %sign3A_2082 : i32
        %sign3A_2084 = arith.extui %sign3A_2083 : i1 to i32
        %sign3A_2085 = arith.subi %sign3A_2081, %sign3A_2084 : i32
        %sign3A_2086 = arith.constant 0 : i32
        %sign3A_2087 = arith.cmpi sgt, %jit3A_2077, %sign3A_2086 : i32
        %sign3A_2088 = arith.extui %sign3A_2087 : i1 to i32
        %sign3A_2089 = arith.constant 0 : i32
        %sign3A_2090 = arith.cmpi slt, %jit3A_2077, %sign3A_2089 : i32
        %sign3A_2091 = arith.extui %sign3A_2090 : i1 to i32
        %sign3A_2092 = arith.subi %sign3A_2088, %sign3A_2091 : i32
        %ne3A_2093 = arith.cmpi ne, %sign3A_2085, %sign3A_2092 : i32
        %rem3A_2094 = arith.remsi %add3A_2076, %jit3A_2077 : i32
        %ne3A_2095 = arith.constant 0 : i32
        %ne3A_2096 = arith.cmpi ne, %rem3A_2094, %ne3A_2095 : i32
        %and3A_2097 = arith.andi %ne3A_2093, %ne3A_2096 : i1
        %sub3A_2098 = arith.constant 1 : i32
        %sub3A_2099 = arith.subi %div3A_2078, %sub3A_2098 : i32
        %select_n3A_2100 = arith.select %and3A_2097, %sub3A_2099, %div3A_2078 : i32
        %jit3A_2101 = arith.constant 32 : i32
        %eq3A_2102 = arith.constant 0 : i32
        %eq3A_2103 = arith.cmpi eq, %jit3A_2101, %eq3A_2102 : i32
        %jit3A_2104 = arith.constant 1 : i32
        %select_n3A_2105 = arith.select %eq3A_2103, %jit3A_2104, %jit3A_2101 : i32
        %rem3A_2106 = arith.remsi %add3A_2076, %select_n3A_2105 : i32
        %ne3A_2107 = arith.constant 0 : i32
        %ne3A_2108 = arith.cmpi ne, %rem3A_2106, %ne3A_2107 : i32
        %lt3A_2109 = arith.constant 0 : i32
        %lt3A_2110 = arith.cmpi slt, %rem3A_2106, %lt3A_2109 : i32
        %lt3A_2111 = arith.constant 0 : i32
        %lt3A_2112 = arith.cmpi slt, %select_n3A_2105, %lt3A_2111 : i32
        %ne3A_2113 = arith.xori %lt3A_2110, %lt3A_2112 : i1
        %and3A_2114 = arith.andi %ne3A_2113, %ne3A_2108 : i1
        %add3A_2115 = arith.addi %rem3A_2106, %select_n3A_2105 : i32
        %select_n3A_2116 = arith.select %and3A_2114, %add3A_2115, %rem3A_2106 : i32
        %jit3A_2117 = arith.constant 16 : i32
        %div3A_2118 = arith.divsi %select_n3A_2116, %jit3A_2117 : i32
        %sign3A_2119 = arith.constant 0 : i32
        %sign3A_2120 = arith.cmpi sgt, %select_n3A_2116, %sign3A_2119 : i32
        %sign3A_2121 = arith.extui %sign3A_2120 : i1 to i32
        %sign3A_2122 = arith.constant 0 : i32
        %sign3A_2123 = arith.cmpi slt, %select_n3A_2116, %sign3A_2122 : i32
        %sign3A_2124 = arith.extui %sign3A_2123 : i1 to i32
        %sign3A_2125 = arith.subi %sign3A_2121, %sign3A_2124 : i32
        %sign3A_2126 = arith.constant 0 : i32
        %sign3A_2127 = arith.cmpi sgt, %jit3A_2117, %sign3A_2126 : i32
        %sign3A_2128 = arith.extui %sign3A_2127 : i1 to i32
        %sign3A_2129 = arith.constant 0 : i32
        %sign3A_2130 = arith.cmpi slt, %jit3A_2117, %sign3A_2129 : i32
        %sign3A_2131 = arith.extui %sign3A_2130 : i1 to i32
        %sign3A_2132 = arith.subi %sign3A_2128, %sign3A_2131 : i32
        %ne3A_2133 = arith.cmpi ne, %sign3A_2125, %sign3A_2132 : i32
        %rem3A_2134 = arith.remsi %select_n3A_2116, %jit3A_2117 : i32
        %ne3A_2135 = arith.constant 0 : i32
        %ne3A_2136 = arith.cmpi ne, %rem3A_2134, %ne3A_2135 : i32
        %and3A_2137 = arith.andi %ne3A_2133, %ne3A_2136 : i1
        %sub3A_2138 = arith.constant 1 : i32
        %sub3A_2139 = arith.subi %div3A_2118, %sub3A_2138 : i32
        %select_n3A_2140 = arith.select %and3A_2137, %sub3A_2139, %div3A_2118 : i32
        %mul3A_2141 = arith.constant 2048 : i32
        %mul3A_2142 = arith.muli %select_n3A_2100, %mul3A_2141 : i32
        %jit3A_2143 = arith.constant 16 : i32
        %eq3A_2144 = arith.constant 0 : i32
        %eq3A_2145 = arith.cmpi eq, %jit3A_2143, %eq3A_2144 : i32
        %jit3A_2146 = arith.constant 1 : i32
        %select_n3A_2147 = arith.select %eq3A_2145, %jit3A_2146, %jit3A_2143 : i32
        %rem3A_2148 = arith.remsi %select_n3A_2116, %select_n3A_2147 : i32
        %ne3A_2149 = arith.constant 0 : i32
        %ne3A_2150 = arith.cmpi ne, %rem3A_2148, %ne3A_2149 : i32
        %lt3A_2151 = arith.constant 0 : i32
        %lt3A_2152 = arith.cmpi slt, %rem3A_2148, %lt3A_2151 : i32
        %lt3A_2153 = arith.constant 0 : i32
        %lt3A_2154 = arith.cmpi slt, %select_n3A_2147, %lt3A_2153 : i32
        %ne3A_2155 = arith.xori %lt3A_2152, %lt3A_2154 : i1
        %and3A_2156 = arith.andi %ne3A_2155, %ne3A_2150 : i1
        %add3A_2157 = arith.addi %rem3A_2148, %select_n3A_2147 : i32
        %select_n3A_2158 = arith.select %and3A_2156, %add3A_2157, %rem3A_2148 : i32
        %mul3A_2159 = arith.constant 128 : i32
        %mul3A_2160 = arith.muli %select_n3A_2158, %mul3A_2159 : i32
        %add3A_2161 = arith.addi %mul3A_2142, %mul3A_2160 : i32
        %mul3A_2162 = arith.constant 64 : i32
        %mul3A_2163 = arith.muli %select_n3A_2140, %mul3A_2162 : i32
        %dma_wait3A_2164 = arith.constant 0 : i32
        %dma_wait3A_2165 = arith.constant 2 : i32
        %dma_wait3A_2166 = arith.constant 0 : i32
        %dma_wait3A_2167 = arith.constant 0 : i32
        %dma_wait3A_2168 = tpu.memref_slice %arg6[%dma_wait3A_2164, %dma_wait3A_2165, %dma_wait3A_2166, %dma_wait3A_2167] : memref<2x4x128x64xf32, #tpu.memory_space<vmem>> -> memref<1x1x128x64xf32, #tpu.memory_space<vmem>>
        %dma_wait3A_2169 = tpu.memref_squeeze %dma_wait3A_2168 : memref<1x1x128x64xf32, #tpu.memory_space<vmem>> -> memref<128x64xf32, #tpu.memory_space<vmem>>
        %dma_wait3A_2170 = tpu.memref_slice %arg4[%add3A_2161, %mul3A_2163] : memref<409600x128xf32, #tpu.memory_space<hbm>> -> memref<128x64xf32, #tpu.memory_space<hbm>>
        %dma_wait3A_2171 = tpu.memref_slice %arg4[%add3A_2161, %mul3A_2163] : memref<409600x128xf32, #tpu.memory_space<hbm>> -> memref<128x64xf32, #tpu.memory_space<hbm>>
        %dma_wait3A_2172 = arith.constant 0 : i32
        %dma_wait3A_2173 = arith.constant 0 : i32
        %dma_wait3A_2174 = tpu.memref_slice %arg6[%dma_wait3A_2164, %dma_wait3A_2165, %dma_wait3A_2172, %dma_wait3A_2173] : memref<2x4x128x64xf32, #tpu.memory_space<vmem>> -> memref<1x1x128x64xf32, #tpu.memory_space<vmem>>
        %dma_wait3A_2175 = tpu.memref_squeeze %dma_wait3A_2174 : memref<1x1x128x64xf32, #tpu.memory_space<vmem>> -> memref<128x64xf32, #tpu.memory_space<vmem>>
        tpu.wait_dma2 semaphore(%arg8 : memref<!tpu.dma_semaphore, #tpu.memory_space<semaphore_mem>>) src(%dma_wait3A_2175 : memref<128x64xf32, #tpu.memory_space<vmem>>) dst(%dma_wait3A_2171 : memref<128x64xf32, #tpu.memory_space<hbm>>)
        %add3A_2176 = arith.addi %mul3A_2, %mul3A_827 : i32
        %sub3A_2177 = arith.constant 8 : i32
        %sub3A_2178 = arith.subi %add3A_2176, %sub3A_2177 : i32
        %add3A_2179 = arith.constant 3 : i32
        %add3A_2180 = arith.addi %sub3A_2178, %add3A_2179 : i32
        %jit3A_2181 = arith.constant 32 : i32
        %div3A_2182 = arith.divsi %add3A_2180, %jit3A_2181 : i32
        %sign3A_2183 = arith.constant 0 : i32
        %sign3A_2184 = arith.cmpi sgt, %add3A_2180, %sign3A_2183 : i32
        %sign3A_2185 = arith.extui %sign3A_2184 : i1 to i32
        %sign3A_2186 = arith.constant 0 : i32
        %sign3A_2187 = arith.cmpi slt, %add3A_2180, %sign3A_2186 : i32
        %sign3A_2188 = arith.extui %sign3A_2187 : i1 to i32
        %sign3A_2189 = arith.subi %sign3A_2185, %sign3A_2188 : i32
        %sign3A_2190 = arith.constant 0 : i32
        %sign3A_2191 = arith.cmpi sgt, %jit3A_2181, %sign3A_2190 : i32
        %sign3A_2192 = arith.extui %sign3A_2191 : i1 to i32
        %sign3A_2193 = arith.constant 0 : i32
        %sign3A_2194 = arith.cmpi slt, %jit3A_2181, %sign3A_2193 : i32
        %sign3A_2195 = arith.extui %sign3A_2194 : i1 to i32
        %sign3A_2196 = arith.subi %sign3A_2192, %sign3A_2195 : i32
        %ne3A_2197 = arith.cmpi ne, %sign3A_2189, %sign3A_2196 : i32
        %rem3A_2198 = arith.remsi %add3A_2180, %jit3A_2181 : i32
        %ne3A_2199 = arith.constant 0 : i32
        %ne3A_2200 = arith.cmpi ne, %rem3A_2198, %ne3A_2199 : i32
        %and3A_2201 = arith.andi %ne3A_2197, %ne3A_2200 : i1
        %sub3A_2202 = arith.constant 1 : i32
        %sub3A_2203 = arith.subi %div3A_2182, %sub3A_2202 : i32
        %select_n3A_2204 = arith.select %and3A_2201, %sub3A_2203, %div3A_2182 : i32
        %jit3A_2205 = arith.constant 32 : i32
        %eq3A_2206 = arith.constant 0 : i32
        %eq3A_2207 = arith.cmpi eq, %jit3A_2205, %eq3A_2206 : i32
        %jit3A_2208 = arith.constant 1 : i32
        %select_n3A_2209 = arith.select %eq3A_2207, %jit3A_2208, %jit3A_2205 : i32
        %rem3A_2210 = arith.remsi %add3A_2180, %select_n3A_2209 : i32
        %ne3A_2211 = arith.constant 0 : i32
        %ne3A_2212 = arith.cmpi ne, %rem3A_2210, %ne3A_2211 : i32
        %lt3A_2213 = arith.constant 0 : i32
        %lt3A_2214 = arith.cmpi slt, %rem3A_2210, %lt3A_2213 : i32
        %lt3A_2215 = arith.constant 0 : i32
        %lt3A_2216 = arith.cmpi slt, %select_n3A_2209, %lt3A_2215 : i32
        %ne3A_2217 = arith.xori %lt3A_2214, %lt3A_2216 : i1
        %and3A_2218 = arith.andi %ne3A_2217, %ne3A_2212 : i1
        %add3A_2219 = arith.addi %rem3A_2210, %select_n3A_2209 : i32
        %select_n3A_2220 = arith.select %and3A_2218, %add3A_2219, %rem3A_2210 : i32
        %jit3A_2221 = arith.constant 16 : i32
        %div3A_2222 = arith.divsi %select_n3A_2220, %jit3A_2221 : i32
        %sign3A_2223 = arith.constant 0 : i32
        %sign3A_2224 = arith.cmpi sgt, %select_n3A_2220, %sign3A_2223 : i32
        %sign3A_2225 = arith.extui %sign3A_2224 : i1 to i32
        %sign3A_2226 = arith.constant 0 : i32
        %sign3A_2227 = arith.cmpi slt, %select_n3A_2220, %sign3A_2226 : i32
        %sign3A_2228 = arith.extui %sign3A_2227 : i1 to i32
        %sign3A_2229 = arith.subi %sign3A_2225, %sign3A_2228 : i32
        %sign3A_2230 = arith.constant 0 : i32
        %sign3A_2231 = arith.cmpi sgt, %jit3A_2221, %sign3A_2230 : i32
        %sign3A_2232 = arith.extui %sign3A_2231 : i1 to i32
        %sign3A_2233 = arith.constant 0 : i32
        %sign3A_2234 = arith.cmpi slt, %jit3A_2221, %sign3A_2233 : i32
        %sign3A_2235 = arith.extui %sign3A_2234 : i1 to i32
        %sign3A_2236 = arith.subi %sign3A_2232, %sign3A_2235 : i32
        %ne3A_2237 = arith.cmpi ne, %sign3A_2229, %sign3A_2236 : i32
        %rem3A_2238 = arith.remsi %select_n3A_2220, %jit3A_2221 : i32
        %ne3A_2239 = arith.constant 0 : i32
        %ne3A_2240 = arith.cmpi ne, %rem3A_2238, %ne3A_2239 : i32
        %and3A_2241 = arith.andi %ne3A_2237, %ne3A_2240 : i1
        %sub3A_2242 = arith.constant 1 : i32
        %sub3A_2243 = arith.subi %div3A_2222, %sub3A_2242 : i32
        %select_n3A_2244 = arith.select %and3A_2241, %sub3A_2243, %div3A_2222 : i32
        %mul3A_2245 = arith.constant 2048 : i32
        %mul3A_2246 = arith.muli %select_n3A_2204, %mul3A_2245 : i32
        %jit3A_2247 = arith.constant 16 : i32
        %eq3A_2248 = arith.constant 0 : i32
        %eq3A_2249 = arith.cmpi eq, %jit3A_2247, %eq3A_2248 : i32
        %jit3A_2250 = arith.constant 1 : i32
        %select_n3A_2251 = arith.select %eq3A_2249, %jit3A_2250, %jit3A_2247 : i32
        %rem3A_2252 = arith.remsi %select_n3A_2220, %select_n3A_2251 : i32
        %ne3A_2253 = arith.constant 0 : i32
        %ne3A_2254 = arith.cmpi ne, %rem3A_2252, %ne3A_2253 : i32
        %lt3A_2255 = arith.constant 0 : i32
        %lt3A_2256 = arith.cmpi slt, %rem3A_2252, %lt3A_2255 : i32
        %lt3A_2257 = arith.constant 0 : i32
        %lt3A_2258 = arith.cmpi slt, %select_n3A_2251, %lt3A_2257 : i32
        %ne3A_2259 = arith.xori %lt3A_2256, %lt3A_2258 : i1
        %and3A_2260 = arith.andi %ne3A_2259, %ne3A_2254 : i1
        %add3A_2261 = arith.addi %rem3A_2252, %select_n3A_2251 : i32
        %select_n3A_2262 = arith.select %and3A_2260, %add3A_2261, %rem3A_2252 : i32
        %mul3A_2263 = arith.constant 128 : i32
        %mul3A_2264 = arith.muli %select_n3A_2262, %mul3A_2263 : i32
        %add3A_2265 = arith.addi %mul3A_2246, %mul3A_2264 : i32
        %mul3A_2266 = arith.constant 64 : i32
        %mul3A_2267 = arith.muli %select_n3A_2244, %mul3A_2266 : i32
        %dma_wait3A_2268 = arith.constant 0 : i32
        %dma_wait3A_2269 = arith.constant 3 : i32
        %dma_wait3A_2270 = arith.constant 0 : i32
        %dma_wait3A_2271 = arith.constant 0 : i32
        %dma_wait3A_2272 = tpu.memref_slice %arg6[%dma_wait3A_2268, %dma_wait3A_2269, %dma_wait3A_2270, %dma_wait3A_2271] : memref<2x4x128x64xf32, #tpu.memory_space<vmem>> -> memref<1x1x128x64xf32, #tpu.memory_space<vmem>>
        %dma_wait3A_2273 = tpu.memref_squeeze %dma_wait3A_2272 : memref<1x1x128x64xf32, #tpu.memory_space<vmem>> -> memref<128x64xf32, #tpu.memory_space<vmem>>
        %dma_wait3A_2274 = tpu.memref_slice %arg4[%add3A_2265, %mul3A_2267] : memref<409600x128xf32, #tpu.memory_space<hbm>> -> memref<128x64xf32, #tpu.memory_space<hbm>>
        %dma_wait3A_2275 = tpu.memref_slice %arg4[%add3A_2265, %mul3A_2267] : memref<409600x128xf32, #tpu.memory_space<hbm>> -> memref<128x64xf32, #tpu.memory_space<hbm>>
        %dma_wait3A_2276 = arith.constant 0 : i32
        %dma_wait3A_2277 = arith.constant 0 : i32
        %dma_wait3A_2278 = tpu.memref_slice %arg6[%dma_wait3A_2268, %dma_wait3A_2269, %dma_wait3A_2276, %dma_wait3A_2277] : memref<2x4x128x64xf32, #tpu.memory_space<vmem>> -> memref<1x1x128x64xf32, #tpu.memory_space<vmem>>
        %dma_wait3A_2279 = tpu.memref_squeeze %dma_wait3A_2278 : memref<1x1x128x64xf32, #tpu.memory_space<vmem>> -> memref<128x64xf32, #tpu.memory_space<vmem>>
        tpu.wait_dma2 semaphore(%arg8 : memref<!tpu.dma_semaphore, #tpu.memory_space<semaphore_mem>>) src(%dma_wait3A_2279 : memref<128x64xf32, #tpu.memory_space<vmem>>) dst(%dma_wait3A_2275 : memref<128x64xf32, #tpu.memory_space<hbm>>)
      } else {
      }
      %add3A_830 = arith.constant 0 : i32
      %add3A_831 = arith.addi %mul3A_827, %add3A_830 : i32
      %dma_start3A = arith.constant 0 : i32
      %dma_start3A_832 = arith.constant 0 : i32
      %dma_start3A_833 = arith.constant 0 : i32
      %dma_start3A_834 = arith.constant 0 : i32
      %dma_start3A_835 = tpu.memref_slice %arg6[%dma_start3A, %dma_start3A_832, %dma_start3A_833, %dma_start3A_834] : memref<2x4x128x64xf32, #tpu.memory_space<vmem>> -> memref<1x1x128x64xf32, #tpu.memory_space<vmem>>
      %dma_start3A_836 = tpu.memref_squeeze %dma_start3A_835 : memref<1x1x128x64xf32, #tpu.memory_space<vmem>> -> memref<128x64xf32, #tpu.memory_space<vmem>>
      %dma_start3A_837 = arith.constant 0 : i32
      %dma_start3A_838 = tpu.memref_slice %arg5[%add3A_831, %dma_start3A_837] : memref<200x128xi32, #tpu.memory_space<vmem>> -> memref<1x128xi32, #tpu.memory_space<vmem>>
      %dma_start3A_839 = tpu.memref_squeeze %dma_start3A_838 : memref<1x128xi32, #tpu.memory_space<vmem>> -> memref<128xi32, #tpu.memory_space<vmem>>
      %dma_start3A_840 = arith.constant 0 : i32
      %dma_start3A_841 = arith.constant 0 : i32
      %dma_start3A_842 = tpu.memref_slice %arg3[%dma_start3A_840, %dma_start3A_841] : memref<100000x64xf32, #tpu.memory_space<hbm>> -> memref<100000x64xf32, #tpu.memory_space<hbm>>
      tpu.enqueue_indirect_dma source(%dma_start3A_842 : memref<100000x64xf32, #tpu.memory_space<hbm>>) target(%dma_start3A_836 : memref<128x64xf32, #tpu.memory_space<vmem>>) offsets(%dma_start3A_839 : memref<128xi32, #tpu.memory_space<vmem>>) semaphore(%arg7 : memref<!tpu.dma_semaphore, #tpu.memory_space<semaphore_mem>>)
      %add3A_843 = arith.constant 1 : i32
      %add3A_844 = arith.addi %mul3A_827, %add3A_843 : i32
      %dma_start3A_845 = arith.constant 0 : i32
      %dma_start3A_846 = arith.constant 1 : i32
      %dma_start3A_847 = arith.constant 0 : i32
      %dma_start3A_848 = arith.constant 0 : i32
      %dma_start3A_849 = tpu.memref_slice %arg6[%dma_start3A_845, %dma_start3A_846, %dma_start3A_847, %dma_start3A_848] : memref<2x4x128x64xf32, #tpu.memory_space<vmem>> -> memref<1x1x128x64xf32, #tpu.memory_space<vmem>>
      %dma_start3A_850 = tpu.memref_squeeze %dma_start3A_849 : memref<1x1x128x64xf32, #tpu.memory_space<vmem>> -> memref<128x64xf32, #tpu.memory_space<vmem>>
      %dma_start3A_851 = arith.constant 0 : i32
      %dma_start3A_852 = tpu.memref_slice %arg5[%add3A_844, %dma_start3A_851] : memref<200x128xi32, #tpu.memory_space<vmem>> -> memref<1x128xi32, #tpu.memory_space<vmem>>
      %dma_start3A_853 = tpu.memref_squeeze %dma_start3A_852 : memref<1x128xi32, #tpu.memory_space<vmem>> -> memref<128xi32, #tpu.memory_space<vmem>>
      %dma_start3A_854 = arith.constant 0 : i32
      %dma_start3A_855 = arith.constant 0 : i32
      %dma_start3A_856 = tpu.memref_slice %arg3[%dma_start3A_854, %dma_start3A_855] : memref<100000x64xf32, #tpu.memory_space<hbm>> -> memref<100000x64xf32, #tpu.memory_space<hbm>>
      tpu.enqueue_indirect_dma source(%dma_start3A_856 : memref<100000x64xf32, #tpu.memory_space<hbm>>) target(%dma_start3A_850 : memref<128x64xf32, #tpu.memory_space<vmem>>) offsets(%dma_start3A_853 : memref<128xi32, #tpu.memory_space<vmem>>) semaphore(%arg7 : memref<!tpu.dma_semaphore, #tpu.memory_space<semaphore_mem>>)
      %add3A_857 = arith.constant 2 : i32
      %add3A_858 = arith.addi %mul3A_827, %add3A_857 : i32
      %dma_start3A_859 = arith.constant 0 : i32
      %dma_start3A_860 = arith.constant 2 : i32
      %dma_start3A_861 = arith.constant 0 : i32
      %dma_start3A_862 = arith.constant 0 : i32
      %dma_start3A_863 = tpu.memref_slice %arg6[%dma_start3A_859, %dma_start3A_860, %dma_start3A_861, %dma_start3A_862] : memref<2x4x128x64xf32, #tpu.memory_space<vmem>> -> memref<1x1x128x64xf32, #tpu.memory_space<vmem>>
      %dma_start3A_864 = tpu.memref_squeeze %dma_start3A_863 : memref<1x1x128x64xf32, #tpu.memory_space<vmem>> -> memref<128x64xf32, #tpu.memory_space<vmem>>
      %dma_start3A_865 = arith.constant 0 : i32
      %dma_start3A_866 = tpu.memref_slice %arg5[%add3A_858, %dma_start3A_865] : memref<200x128xi32, #tpu.memory_space<vmem>> -> memref<1x128xi32, #tpu.memory_space<vmem>>
      %dma_start3A_867 = tpu.memref_squeeze %dma_start3A_866 : memref<1x128xi32, #tpu.memory_space<vmem>> -> memref<128xi32, #tpu.memory_space<vmem>>
      %dma_start3A_868 = arith.constant 0 : i32
      %dma_start3A_869 = arith.constant 0 : i32
      %dma_start3A_870 = tpu.memref_slice %arg3[%dma_start3A_868, %dma_start3A_869] : memref<100000x64xf32, #tpu.memory_space<hbm>> -> memref<100000x64xf32, #tpu.memory_space<hbm>>
      tpu.enqueue_indirect_dma source(%dma_start3A_870 : memref<100000x64xf32, #tpu.memory_space<hbm>>) target(%dma_start3A_864 : memref<128x64xf32, #tpu.memory_space<vmem>>) offsets(%dma_start3A_867 : memref<128xi32, #tpu.memory_space<vmem>>) semaphore(%arg7 : memref<!tpu.dma_semaphore, #tpu.memory_space<semaphore_mem>>)
      %add3A_871 = arith.constant 3 : i32
      %add3A_872 = arith.addi %mul3A_827, %add3A_871 : i32
      %dma_start3A_873 = arith.constant 0 : i32
      %dma_start3A_874 = arith.constant 3 : i32
      %dma_start3A_875 = arith.constant 0 : i32
      %dma_start3A_876 = arith.constant 0 : i32
      %dma_start3A_877 = tpu.memref_slice %arg6[%dma_start3A_873, %dma_start3A_874, %dma_start3A_875, %dma_start3A_876] : memref<2x4x128x64xf32, #tpu.memory_space<vmem>> -> memref<1x1x128x64xf32, #tpu.memory_space<vmem>>
      %dma_start3A_878 = tpu.memref_squeeze %dma_start3A_877 : memref<1x1x128x64xf32, #tpu.memory_space<vmem>> -> memref<128x64xf32, #tpu.memory_space<vmem>>
      %dma_start3A_879 = arith.constant 0 : i32
      %dma_start3A_880 = tpu.memref_slice %arg5[%add3A_872, %dma_start3A_879] : memref<200x128xi32, #tpu.memory_space<vmem>> -> memref<1x128xi32, #tpu.memory_space<vmem>>
      %dma_start3A_881 = tpu.memref_squeeze %dma_start3A_880 : memref<1x128xi32, #tpu.memory_space<vmem>> -> memref<128xi32, #tpu.memory_space<vmem>>
      %dma_start3A_882 = arith.constant 0 : i32
      %dma_start3A_883 = arith.constant 0 : i32
      %dma_start3A_884 = tpu.memref_slice %arg3[%dma_start3A_882, %dma_start3A_883] : memref<100000x64xf32, #tpu.memory_space<hbm>> -> memref<100000x64xf32, #tpu.memory_space<hbm>>
      tpu.enqueue_indirect_dma source(%dma_start3A_884 : memref<100000x64xf32, #tpu.memory_space<hbm>>) target(%dma_start3A_878 : memref<128x64xf32, #tpu.memory_space<vmem>>) offsets(%dma_start3A_881 : memref<128xi32, #tpu.memory_space<vmem>>) semaphore(%arg7 : memref<!tpu.dma_semaphore, #tpu.memory_space<semaphore_mem>>)
      %dma_wait3A_885 = arith.constant 0 : i32
      %dma_wait3A_886 = arith.constant 0 : i32
      %dma_wait3A_887 = arith.constant 0 : i32
      %dma_wait3A_888 = arith.constant 0 : i32
      %dma_wait3A_889 = tpu.memref_slice %arg6[%dma_wait3A_885, %dma_wait3A_886, %dma_wait3A_887, %dma_wait3A_888] : memref<2x4x128x64xf32, #tpu.memory_space<vmem>> -> memref<1x1x128x64xf32, #tpu.memory_space<vmem>>
      %dma_wait3A_890 = tpu.memref_squeeze %dma_wait3A_889 : memref<1x1x128x64xf32, #tpu.memory_space<vmem>> -> memref<128x64xf32, #tpu.memory_space<vmem>>
      %dma_wait3A_891 = arith.constant 0 : i32
      %dma_wait3A_892 = tpu.memref_slice %arg5[%add3A_831, %dma_wait3A_891] : memref<200x128xi32, #tpu.memory_space<vmem>> -> memref<1x128xi32, #tpu.memory_space<vmem>>
      %dma_wait3A_893 = tpu.memref_squeeze %dma_wait3A_892 : memref<1x128xi32, #tpu.memory_space<vmem>> -> memref<128xi32, #tpu.memory_space<vmem>>
      %dma_wait3A_894 = arith.constant 0 : i32
      %dma_wait3A_895 = arith.constant 0 : i32
      %dma_wait3A_896 = tpu.memref_slice %arg3[%dma_wait3A_894, %dma_wait3A_895] : memref<100000x64xf32, #tpu.memory_space<hbm>> -> memref<100000x64xf32, #tpu.memory_space<hbm>>
      tpu.wait_indirect_dma semaphore(%arg7 : memref<!tpu.dma_semaphore, #tpu.memory_space<semaphore_mem>>) src(%dma_wait3A_896 : memref<100000x64xf32, #tpu.memory_space<hbm>>) dst(%dma_wait3A_890 : memref<128x64xf32, #tpu.memory_space<vmem>>)
      %dma_wait3A_897 = arith.constant 0 : i32
      %dma_wait3A_898 = arith.constant 1 : i32
      %dma_wait3A_899 = arith.constant 0 : i32
      %dma_wait3A_900 = arith.constant 0 : i32
      %dma_wait3A_901 = tpu.memref_slice %arg6[%dma_wait3A_897, %dma_wait3A_898, %dma_wait3A_899, %dma_wait3A_900] : memref<2x4x128x64xf32, #tpu.memory_space<vmem>> -> memref<1x1x128x64xf32, #tpu.memory_space<vmem>>
      %dma_wait3A_902 = tpu.memref_squeeze %dma_wait3A_901 : memref<1x1x128x64xf32, #tpu.memory_space<vmem>> -> memref<128x64xf32, #tpu.memory_space<vmem>>
      %dma_wait3A_903 = arith.constant 0 : i32
      %dma_wait3A_904 = tpu.memref_slice %arg5[%add3A_844, %dma_wait3A_903] : memref<200x128xi32, #tpu.memory_space<vmem>> -> memref<1x128xi32, #tpu.memory_space<vmem>>
      %dma_wait3A_905 = tpu.memref_squeeze %dma_wait3A_904 : memref<1x128xi32, #tpu.memory_space<vmem>> -> memref<128xi32, #tpu.memory_space<vmem>>
      %dma_wait3A_906 = arith.constant 0 : i32
      %dma_wait3A_907 = arith.constant 0 : i32
      %dma_wait3A_908 = tpu.memref_slice %arg3[%dma_wait3A_906, %dma_wait3A_907] : memref<100000x64xf32, #tpu.memory_space<hbm>> -> memref<100000x64xf32, #tpu.memory_space<hbm>>
      tpu.wait_indirect_dma semaphore(%arg7 : memref<!tpu.dma_semaphore, #tpu.memory_space<semaphore_mem>>) src(%dma_wait3A_908 : memref<100000x64xf32, #tpu.memory_space<hbm>>) dst(%dma_wait3A_902 : memref<128x64xf32, #tpu.memory_space<vmem>>)
      %dma_wait3A_909 = arith.constant 0 : i32
      %dma_wait3A_910 = arith.constant 2 : i32
      %dma_wait3A_911 = arith.constant 0 : i32
      %dma_wait3A_912 = arith.constant 0 : i32
      %dma_wait3A_913 = tpu.memref_slice %arg6[%dma_wait3A_909, %dma_wait3A_910, %dma_wait3A_911, %dma_wait3A_912] : memref<2x4x128x64xf32, #tpu.memory_space<vmem>> -> memref<1x1x128x64xf32, #tpu.memory_space<vmem>>
      %dma_wait3A_914 = tpu.memref_squeeze %dma_wait3A_913 : memref<1x1x128x64xf32, #tpu.memory_space<vmem>> -> memref<128x64xf32, #tpu.memory_space<vmem>>
      %dma_wait3A_915 = arith.constant 0 : i32
      %dma_wait3A_916 = tpu.memref_slice %arg5[%add3A_858, %dma_wait3A_915] : memref<200x128xi32, #tpu.memory_space<vmem>> -> memref<1x128xi32, #tpu.memory_space<vmem>>
      %dma_wait3A_917 = tpu.memref_squeeze %dma_wait3A_916 : memref<1x128xi32, #tpu.memory_space<vmem>> -> memref<128xi32, #tpu.memory_space<vmem>>
      %dma_wait3A_918 = arith.constant 0 : i32
      %dma_wait3A_919 = arith.constant 0 : i32
      %dma_wait3A_920 = tpu.memref_slice %arg3[%dma_wait3A_918, %dma_wait3A_919] : memref<100000x64xf32, #tpu.memory_space<hbm>> -> memref<100000x64xf32, #tpu.memory_space<hbm>>
      tpu.wait_indirect_dma semaphore(%arg7 : memref<!tpu.dma_semaphore, #tpu.memory_space<semaphore_mem>>) src(%dma_wait3A_920 : memref<100000x64xf32, #tpu.memory_space<hbm>>) dst(%dma_wait3A_914 : memref<128x64xf32, #tpu.memory_space<vmem>>)
      %dma_wait3A_921 = arith.constant 0 : i32
      %dma_wait3A_922 = arith.constant 3 : i32
      %dma_wait3A_923 = arith.constant 0 : i32
      %dma_wait3A_924 = arith.constant 0 : i32
      %dma_wait3A_925 = tpu.memref_slice %arg6[%dma_wait3A_921, %dma_wait3A_922, %dma_wait3A_923, %dma_wait3A_924] : memref<2x4x128x64xf32, #tpu.memory_space<vmem>> -> memref<1x1x128x64xf32, #tpu.memory_space<vmem>>
      %dma_wait3A_926 = tpu.memref_squeeze %dma_wait3A_925 : memref<1x1x128x64xf32, #tpu.memory_space<vmem>> -> memref<128x64xf32, #tpu.memory_space<vmem>>
      %dma_wait3A_927 = arith.constant 0 : i32
      %dma_wait3A_928 = tpu.memref_slice %arg5[%add3A_872, %dma_wait3A_927] : memref<200x128xi32, #tpu.memory_space<vmem>> -> memref<1x128xi32, #tpu.memory_space<vmem>>
      %dma_wait3A_929 = tpu.memref_squeeze %dma_wait3A_928 : memref<1x128xi32, #tpu.memory_space<vmem>> -> memref<128xi32, #tpu.memory_space<vmem>>
      %dma_wait3A_930 = arith.constant 0 : i32
      %dma_wait3A_931 = arith.constant 0 : i32
      %dma_wait3A_932 = tpu.memref_slice %arg3[%dma_wait3A_930, %dma_wait3A_931] : memref<100000x64xf32, #tpu.memory_space<hbm>> -> memref<100000x64xf32, #tpu.memory_space<hbm>>
      tpu.wait_indirect_dma semaphore(%arg7 : memref<!tpu.dma_semaphore, #tpu.memory_space<semaphore_mem>>) src(%dma_wait3A_932 : memref<100000x64xf32, #tpu.memory_space<hbm>>) dst(%dma_wait3A_926 : memref<128x64xf32, #tpu.memory_space<vmem>>)
      %add3A_933 = arith.addi %mul3A_2, %mul3A_827 : i32
      %add3A_934 = arith.constant 0 : i32
      %add3A_935 = arith.addi %add3A_933, %add3A_934 : i32
      %jit3A_936 = arith.constant 32 : i32
      %div3A_937 = arith.divsi %add3A_935, %jit3A_936 : i32
      %sign3A_938 = arith.constant 0 : i32
      %sign3A_939 = arith.cmpi sgt, %add3A_935, %sign3A_938 : i32
      %sign3A_940 = arith.extui %sign3A_939 : i1 to i32
      %sign3A_941 = arith.constant 0 : i32
      %sign3A_942 = arith.cmpi slt, %add3A_935, %sign3A_941 : i32
      %sign3A_943 = arith.extui %sign3A_942 : i1 to i32
      %sign3A_944 = arith.subi %sign3A_940, %sign3A_943 : i32
      %sign3A_945 = arith.constant 0 : i32
      %sign3A_946 = arith.cmpi sgt, %jit3A_936, %sign3A_945 : i32
      %sign3A_947 = arith.extui %sign3A_946 : i1 to i32
      %sign3A_948 = arith.constant 0 : i32
      %sign3A_949 = arith.cmpi slt, %jit3A_936, %sign3A_948 : i32
      %sign3A_950 = arith.extui %sign3A_949 : i1 to i32
      %sign3A_951 = arith.subi %sign3A_947, %sign3A_950 : i32
      %ne3A_952 = arith.cmpi ne, %sign3A_944, %sign3A_951 : i32
      %rem3A_953 = arith.remsi %add3A_935, %jit3A_936 : i32
      %ne3A_954 = arith.constant 0 : i32
      %ne3A_955 = arith.cmpi ne, %rem3A_953, %ne3A_954 : i32
      %and3A_956 = arith.andi %ne3A_952, %ne3A_955 : i1
      %sub3A_957 = arith.constant 1 : i32
      %sub3A_958 = arith.subi %div3A_937, %sub3A_957 : i32
      %select_n3A_959 = arith.select %and3A_956, %sub3A_958, %div3A_937 : i32
      %jit3A_960 = arith.constant 32 : i32
      %eq3A_961 = arith.constant 0 : i32
      %eq3A_962 = arith.cmpi eq, %jit3A_960, %eq3A_961 : i32
      %jit3A_963 = arith.constant 1 : i32
      %select_n3A_964 = arith.select %eq3A_962, %jit3A_963, %jit3A_960 : i32
      %rem3A_965 = arith.remsi %add3A_935, %select_n3A_964 : i32
      %ne3A_966 = arith.constant 0 : i32
      %ne3A_967 = arith.cmpi ne, %rem3A_965, %ne3A_966 : i32
      %lt3A_968 = arith.constant 0 : i32
      %lt3A_969 = arith.cmpi slt, %rem3A_965, %lt3A_968 : i32
      %lt3A_970 = arith.constant 0 : i32
      %lt3A_971 = arith.cmpi slt, %select_n3A_964, %lt3A_970 : i32
      %ne3A_972 = arith.xori %lt3A_969, %lt3A_971 : i1
      %and3A_973 = arith.andi %ne3A_972, %ne3A_967 : i1
      %add3A_974 = arith.addi %rem3A_965, %select_n3A_964 : i32
      %select_n3A_975 = arith.select %and3A_973, %add3A_974, %rem3A_965 : i32
      %jit3A_976 = arith.constant 16 : i32
      %div3A_977 = arith.divsi %select_n3A_975, %jit3A_976 : i32
      %sign3A_978 = arith.constant 0 : i32
      %sign3A_979 = arith.cmpi sgt, %select_n3A_975, %sign3A_978 : i32
      %sign3A_980 = arith.extui %sign3A_979 : i1 to i32
      %sign3A_981 = arith.constant 0 : i32
      %sign3A_982 = arith.cmpi slt, %select_n3A_975, %sign3A_981 : i32
      %sign3A_983 = arith.extui %sign3A_982 : i1 to i32
      %sign3A_984 = arith.subi %sign3A_980, %sign3A_983 : i32
      %sign3A_985 = arith.constant 0 : i32
      %sign3A_986 = arith.cmpi sgt, %jit3A_976, %sign3A_985 : i32
      %sign3A_987 = arith.extui %sign3A_986 : i1 to i32
      %sign3A_988 = arith.constant 0 : i32
      %sign3A_989 = arith.cmpi slt, %jit3A_976, %sign3A_988 : i32
      %sign3A_990 = arith.extui %sign3A_989 : i1 to i32
      %sign3A_991 = arith.subi %sign3A_987, %sign3A_990 : i32
      %ne3A_992 = arith.cmpi ne, %sign3A_984, %sign3A_991 : i32
      %rem3A_993 = arith.remsi %select_n3A_975, %jit3A_976 : i32
      %ne3A_994 = arith.constant 0 : i32
      %ne3A_995 = arith.cmpi ne, %rem3A_993, %ne3A_994 : i32
      %and3A_996 = arith.andi %ne3A_992, %ne3A_995 : i1
      %sub3A_997 = arith.constant 1 : i32
      %sub3A_998 = arith.subi %div3A_977, %sub3A_997 : i32
      %select_n3A_999 = arith.select %and3A_996, %sub3A_998, %div3A_977 : i32
      %mul3A_1000 = arith.constant 2048 : i32
      %mul3A_1001 = arith.muli %select_n3A_959, %mul3A_1000 : i32
      %jit3A_1002 = arith.constant 16 : i32
      %eq3A_1003 = arith.constant 0 : i32
      %eq3A_1004 = arith.cmpi eq, %jit3A_1002, %eq3A_1003 : i32
      %jit3A_1005 = arith.constant 1 : i32
      %select_n3A_1006 = arith.select %eq3A_1004, %jit3A_1005, %jit3A_1002 : i32
      %rem3A_1007 = arith.remsi %select_n3A_975, %select_n3A_1006 : i32
      %ne3A_1008 = arith.constant 0 : i32
      %ne3A_1009 = arith.cmpi ne, %rem3A_1007, %ne3A_1008 : i32
      %lt3A_1010 = arith.constant 0 : i32
      %lt3A_1011 = arith.cmpi slt, %rem3A_1007, %lt3A_1010 : i32
      %lt3A_1012 = arith.constant 0 : i32
      %lt3A_1013 = arith.cmpi slt, %select_n3A_1006, %lt3A_1012 : i32
      %ne3A_1014 = arith.xori %lt3A_1011, %lt3A_1013 : i1
      %and3A_1015 = arith.andi %ne3A_1014, %ne3A_1009 : i1
      %add3A_1016 = arith.addi %rem3A_1007, %select_n3A_1006 : i32
      %select_n3A_1017 = arith.select %and3A_1015, %add3A_1016, %rem3A_1007 : i32
      %mul3A_1018 = arith.constant 128 : i32
      %mul3A_1019 = arith.muli %select_n3A_1017, %mul3A_1018 : i32
      %add3A_1020 = arith.addi %mul3A_1001, %mul3A_1019 : i32
      %mul3A_1021 = arith.constant 64 : i32
      %mul3A_1022 = arith.muli %select_n3A_999, %mul3A_1021 : i32
      %dma_start3A_1023 = arith.constant 0 : i32
      %dma_start3A_1024 = arith.constant 0 : i32
      %dma_start3A_1025 = arith.constant 0 : i32
      %dma_start3A_1026 = arith.constant 0 : i32
      %dma_start3A_1027 = tpu.memref_slice %arg6[%dma_start3A_1023, %dma_start3A_1024, %dma_start3A_1025, %dma_start3A_1026] : memref<2x4x128x64xf32, #tpu.memory_space<vmem>> -> memref<1x1x128x64xf32, #tpu.memory_space<vmem>>
      %dma_start3A_1028 = tpu.memref_squeeze %dma_start3A_1027 : memref<1x1x128x64xf32, #tpu.memory_space<vmem>> -> memref<128x64xf32, #tpu.memory_space<vmem>>
      %dma_start3A_1029 = tpu.memref_slice %arg4[%add3A_1020, %mul3A_1022] : memref<409600x128xf32, #tpu.memory_space<hbm>> -> memref<128x64xf32, #tpu.memory_space<hbm>>
      %dma_start3A_1030 = tpu.memref_slice %arg4[%add3A_1020, %mul3A_1022] : memref<409600x128xf32, #tpu.memory_space<hbm>> -> memref<128x64xf32, #tpu.memory_space<hbm>>
      %dma_start3A_1031 = arith.constant 0 : i32
      %dma_start3A_1032 = arith.constant 0 : i32
      %dma_start3A_1033 = tpu.memref_slice %arg6[%dma_start3A_1023, %dma_start3A_1024, %dma_start3A_1031, %dma_start3A_1032] : memref<2x4x128x64xf32, #tpu.memory_space<vmem>> -> memref<1x1x128x64xf32, #tpu.memory_space<vmem>>
      %dma_start3A_1034 = tpu.memref_squeeze %dma_start3A_1033 : memref<1x1x128x64xf32, #tpu.memory_space<vmem>> -> memref<128x64xf32, #tpu.memory_space<vmem>>
      tpu.enqueue_dma source(%dma_start3A_1034 : memref<128x64xf32, #tpu.memory_space<vmem>>) target(%dma_start3A_1030 : memref<128x64xf32, #tpu.memory_space<hbm>>) target_semaphore(%arg8 : memref<!tpu.dma_semaphore, #tpu.memory_space<semaphore_mem>>)
      %add3A_1035 = arith.addi %mul3A_2, %mul3A_827 : i32
      %add3A_1036 = arith.constant 1 : i32
      %add3A_1037 = arith.addi %add3A_1035, %add3A_1036 : i32
      %jit3A_1038 = arith.constant 32 : i32
      %div3A_1039 = arith.divsi %add3A_1037, %jit3A_1038 : i32
      %sign3A_1040 = arith.constant 0 : i32
      %sign3A_1041 = arith.cmpi sgt, %add3A_1037, %sign3A_1040 : i32
      %sign3A_1042 = arith.extui %sign3A_1041 : i1 to i32
      %sign3A_1043 = arith.constant 0 : i32
      %sign3A_1044 = arith.cmpi slt, %add3A_1037, %sign3A_1043 : i32
      %sign3A_1045 = arith.extui %sign3A_1044 : i1 to i32
      %sign3A_1046 = arith.subi %sign3A_1042, %sign3A_1045 : i32
      %sign3A_1047 = arith.constant 0 : i32
      %sign3A_1048 = arith.cmpi sgt, %jit3A_1038, %sign3A_1047 : i32
      %sign3A_1049 = arith.extui %sign3A_1048 : i1 to i32
      %sign3A_1050 = arith.constant 0 : i32
      %sign3A_1051 = arith.cmpi slt, %jit3A_1038, %sign3A_1050 : i32
      %sign3A_1052 = arith.extui %sign3A_1051 : i1 to i32
      %sign3A_1053 = arith.subi %sign3A_1049, %sign3A_1052 : i32
      %ne3A_1054 = arith.cmpi ne, %sign3A_1046, %sign3A_1053 : i32
      %rem3A_1055 = arith.remsi %add3A_1037, %jit3A_1038 : i32
      %ne3A_1056 = arith.constant 0 : i32
      %ne3A_1057 = arith.cmpi ne, %rem3A_1055, %ne3A_1056 : i32
      %and3A_1058 = arith.andi %ne3A_1054, %ne3A_1057 : i1
      %sub3A_1059 = arith.constant 1 : i32
      %sub3A_1060 = arith.subi %div3A_1039, %sub3A_1059 : i32
      %select_n3A_1061 = arith.select %and3A_1058, %sub3A_1060, %div3A_1039 : i32
      %jit3A_1062 = arith.constant 32 : i32
      %eq3A_1063 = arith.constant 0 : i32
      %eq3A_1064 = arith.cmpi eq, %jit3A_1062, %eq3A_1063 : i32
      %jit3A_1065 = arith.constant 1 : i32
      %select_n3A_1066 = arith.select %eq3A_1064, %jit3A_1065, %jit3A_1062 : i32
      %rem3A_1067 = arith.remsi %add3A_1037, %select_n3A_1066 : i32
      %ne3A_1068 = arith.constant 0 : i32
      %ne3A_1069 = arith.cmpi ne, %rem3A_1067, %ne3A_1068 : i32
      %lt3A_1070 = arith.constant 0 : i32
      %lt3A_1071 = arith.cmpi slt, %rem3A_1067, %lt3A_1070 : i32
      %lt3A_1072 = arith.constant 0 : i32
      %lt3A_1073 = arith.cmpi slt, %select_n3A_1066, %lt3A_1072 : i32
      %ne3A_1074 = arith.xori %lt3A_1071, %lt3A_1073 : i1
      %and3A_1075 = arith.andi %ne3A_1074, %ne3A_1069 : i1
      %add3A_1076 = arith.addi %rem3A_1067, %select_n3A_1066 : i32
      %select_n3A_1077 = arith.select %and3A_1075, %add3A_1076, %rem3A_1067 : i32
      %jit3A_1078 = arith.constant 16 : i32
      %div3A_1079 = arith.divsi %select_n3A_1077, %jit3A_1078 : i32
      %sign3A_1080 = arith.constant 0 : i32
      %sign3A_1081 = arith.cmpi sgt, %select_n3A_1077, %sign3A_1080 : i32
      %sign3A_1082 = arith.extui %sign3A_1081 : i1 to i32
      %sign3A_1083 = arith.constant 0 : i32
      %sign3A_1084 = arith.cmpi slt, %select_n3A_1077, %sign3A_1083 : i32
      %sign3A_1085 = arith.extui %sign3A_1084 : i1 to i32
      %sign3A_1086 = arith.subi %sign3A_1082, %sign3A_1085 : i32
      %sign3A_1087 = arith.constant 0 : i32
      %sign3A_1088 = arith.cmpi sgt, %jit3A_1078, %sign3A_1087 : i32
      %sign3A_1089 = arith.extui %sign3A_1088 : i1 to i32
      %sign3A_1090 = arith.constant 0 : i32
      %sign3A_1091 = arith.cmpi slt, %jit3A_1078, %sign3A_1090 : i32
      %sign3A_1092 = arith.extui %sign3A_1091 : i1 to i32
      %sign3A_1093 = arith.subi %sign3A_1089, %sign3A_1092 : i32
      %ne3A_1094 = arith.cmpi ne, %sign3A_1086, %sign3A_1093 : i32
      %rem3A_1095 = arith.remsi %select_n3A_1077, %jit3A_1078 : i32
      %ne3A_1096 = arith.constant 0 : i32
      %ne3A_1097 = arith.cmpi ne, %rem3A_1095, %ne3A_1096 : i32
      %and3A_1098 = arith.andi %ne3A_1094, %ne3A_1097 : i1
      %sub3A_1099 = arith.constant 1 : i32
      %sub3A_1100 = arith.subi %div3A_1079, %sub3A_1099 : i32
      %select_n3A_1101 = arith.select %and3A_1098, %sub3A_1100, %div3A_1079 : i32
      %mul3A_1102 = arith.constant 2048 : i32
      %mul3A_1103 = arith.muli %select_n3A_1061, %mul3A_1102 : i32
      %jit3A_1104 = arith.constant 16 : i32
      %eq3A_1105 = arith.constant 0 : i32
      %eq3A_1106 = arith.cmpi eq, %jit3A_1104, %eq3A_1105 : i32
      %jit3A_1107 = arith.constant 1 : i32
      %select_n3A_1108 = arith.select %eq3A_1106, %jit3A_1107, %jit3A_1104 : i32
      %rem3A_1109 = arith.remsi %select_n3A_1077, %select_n3A_1108 : i32
      %ne3A_1110 = arith.constant 0 : i32
      %ne3A_1111 = arith.cmpi ne, %rem3A_1109, %ne3A_1110 : i32
      %lt3A_1112 = arith.constant 0 : i32
      %lt3A_1113 = arith.cmpi slt, %rem3A_1109, %lt3A_1112 : i32
      %lt3A_1114 = arith.constant 0 : i32
      %lt3A_1115 = arith.cmpi slt, %select_n3A_1108, %lt3A_1114 : i32
      %ne3A_1116 = arith.xori %lt3A_1113, %lt3A_1115 : i1
      %and3A_1117 = arith.andi %ne3A_1116, %ne3A_1111 : i1
      %add3A_1118 = arith.addi %rem3A_1109, %select_n3A_1108 : i32
      %select_n3A_1119 = arith.select %and3A_1117, %add3A_1118, %rem3A_1109 : i32
      %mul3A_1120 = arith.constant 128 : i32
      %mul3A_1121 = arith.muli %select_n3A_1119, %mul3A_1120 : i32
      %add3A_1122 = arith.addi %mul3A_1103, %mul3A_1121 : i32
      %mul3A_1123 = arith.constant 64 : i32
      %mul3A_1124 = arith.muli %select_n3A_1101, %mul3A_1123 : i32
      %dma_start3A_1125 = arith.constant 0 : i32
      %dma_start3A_1126 = arith.constant 1 : i32
      %dma_start3A_1127 = arith.constant 0 : i32
      %dma_start3A_1128 = arith.constant 0 : i32
      %dma_start3A_1129 = tpu.memref_slice %arg6[%dma_start3A_1125, %dma_start3A_1126, %dma_start3A_1127, %dma_start3A_1128] : memref<2x4x128x64xf32, #tpu.memory_space<vmem>> -> memref<1x1x128x64xf32, #tpu.memory_space<vmem>>
      %dma_start3A_1130 = tpu.memref_squeeze %dma_start3A_1129 : memref<1x1x128x64xf32, #tpu.memory_space<vmem>> -> memref<128x64xf32, #tpu.memory_space<vmem>>
      %dma_start3A_1131 = tpu.memref_slice %arg4[%add3A_1122, %mul3A_1124] : memref<409600x128xf32, #tpu.memory_space<hbm>> -> memref<128x64xf32, #tpu.memory_space<hbm>>
      %dma_start3A_1132 = tpu.memref_slice %arg4[%add3A_1122, %mul3A_1124] : memref<409600x128xf32, #tpu.memory_space<hbm>> -> memref<128x64xf32, #tpu.memory_space<hbm>>
      %dma_start3A_1133 = arith.constant 0 : i32
      %dma_start3A_1134 = arith.constant 0 : i32
      %dma_start3A_1135 = tpu.memref_slice %arg6[%dma_start3A_1125, %dma_start3A_1126, %dma_start3A_1133, %dma_start3A_1134] : memref<2x4x128x64xf32, #tpu.memory_space<vmem>> -> memref<1x1x128x64xf32, #tpu.memory_space<vmem>>
      %dma_start3A_1136 = tpu.memref_squeeze %dma_start3A_1135 : memref<1x1x128x64xf32, #tpu.memory_space<vmem>> -> memref<128x64xf32, #tpu.memory_space<vmem>>
      tpu.enqueue_dma source(%dma_start3A_1136 : memref<128x64xf32, #tpu.memory_space<vmem>>) target(%dma_start3A_1132 : memref<128x64xf32, #tpu.memory_space<hbm>>) target_semaphore(%arg8 : memref<!tpu.dma_semaphore, #tpu.memory_space<semaphore_mem>>)
      %add3A_1137 = arith.addi %mul3A_2, %mul3A_827 : i32
      %add3A_1138 = arith.constant 2 : i32
      %add3A_1139 = arith.addi %add3A_1137, %add3A_1138 : i32
      %jit3A_1140 = arith.constant 32 : i32
      %div3A_1141 = arith.divsi %add3A_1139, %jit3A_1140 : i32
      %sign3A_1142 = arith.constant 0 : i32
      %sign3A_1143 = arith.cmpi sgt, %add3A_1139, %sign3A_1142 : i32
      %sign3A_1144 = arith.extui %sign3A_1143 : i1 to i32
      %sign3A_1145 = arith.constant 0 : i32
      %sign3A_1146 = arith.cmpi slt, %add3A_1139, %sign3A_1145 : i32
      %sign3A_1147 = arith.extui %sign3A_1146 : i1 to i32
      %sign3A_1148 = arith.subi %sign3A_1144, %sign3A_1147 : i32
      %sign3A_1149 = arith.constant 0 : i32
      %sign3A_1150 = arith.cmpi sgt, %jit3A_1140, %sign3A_1149 : i32
      %sign3A_1151 = arith.extui %sign3A_1150 : i1 to i32
      %sign3A_1152 = arith.constant 0 : i32
      %sign3A_1153 = arith.cmpi slt, %jit3A_1140, %sign3A_1152 : i32
      %sign3A_1154 = arith.extui %sign3A_1153 : i1 to i32
      %sign3A_1155 = arith.subi %sign3A_1151, %sign3A_1154 : i32
      %ne3A_1156 = arith.cmpi ne, %sign3A_1148, %sign3A_1155 : i32
      %rem3A_1157 = arith.remsi %add3A_1139, %jit3A_1140 : i32
      %ne3A_1158 = arith.constant 0 : i32
      %ne3A_1159 = arith.cmpi ne, %rem3A_1157, %ne3A_1158 : i32
      %and3A_1160 = arith.andi %ne3A_1156, %ne3A_1159 : i1
      %sub3A_1161 = arith.constant 1 : i32
      %sub3A_1162 = arith.subi %div3A_1141, %sub3A_1161 : i32
      %select_n3A_1163 = arith.select %and3A_1160, %sub3A_1162, %div3A_1141 : i32
      %jit3A_1164 = arith.constant 32 : i32
      %eq3A_1165 = arith.constant 0 : i32
      %eq3A_1166 = arith.cmpi eq, %jit3A_1164, %eq3A_1165 : i32
      %jit3A_1167 = arith.constant 1 : i32
      %select_n3A_1168 = arith.select %eq3A_1166, %jit3A_1167, %jit3A_1164 : i32
      %rem3A_1169 = arith.remsi %add3A_1139, %select_n3A_1168 : i32
      %ne3A_1170 = arith.constant 0 : i32
      %ne3A_1171 = arith.cmpi ne, %rem3A_1169, %ne3A_1170 : i32
      %lt3A_1172 = arith.constant 0 : i32
      %lt3A_1173 = arith.cmpi slt, %rem3A_1169, %lt3A_1172 : i32
      %lt3A_1174 = arith.constant 0 : i32
      %lt3A_1175 = arith.cmpi slt, %select_n3A_1168, %lt3A_1174 : i32
      %ne3A_1176 = arith.xori %lt3A_1173, %lt3A_1175 : i1
      %and3A_1177 = arith.andi %ne3A_1176, %ne3A_1171 : i1
      %add3A_1178 = arith.addi %rem3A_1169, %select_n3A_1168 : i32
      %select_n3A_1179 = arith.select %and3A_1177, %add3A_1178, %rem3A_1169 : i32
      %jit3A_1180 = arith.constant 16 : i32
      %div3A_1181 = arith.divsi %select_n3A_1179, %jit3A_1180 : i32
      %sign3A_1182 = arith.constant 0 : i32
      %sign3A_1183 = arith.cmpi sgt, %select_n3A_1179, %sign3A_1182 : i32
      %sign3A_1184 = arith.extui %sign3A_1183 : i1 to i32
      %sign3A_1185 = arith.constant 0 : i32
      %sign3A_1186 = arith.cmpi slt, %select_n3A_1179, %sign3A_1185 : i32
      %sign3A_1187 = arith.extui %sign3A_1186 : i1 to i32
      %sign3A_1188 = arith.subi %sign3A_1184, %sign3A_1187 : i32
      %sign3A_1189 = arith.constant 0 : i32
      %sign3A_1190 = arith.cmpi sgt, %jit3A_1180, %sign3A_1189 : i32
      %sign3A_1191 = arith.extui %sign3A_1190 : i1 to i32
      %sign3A_1192 = arith.constant 0 : i32
      %sign3A_1193 = arith.cmpi slt, %jit3A_1180, %sign3A_1192 : i32
      %sign3A_1194 = arith.extui %sign3A_1193 : i1 to i32
      %sign3A_1195 = arith.subi %sign3A_1191, %sign3A_1194 : i32
      %ne3A_1196 = arith.cmpi ne, %sign3A_1188, %sign3A_1195 : i32
      %rem3A_1197 = arith.remsi %select_n3A_1179, %jit3A_1180 : i32
      %ne3A_1198 = arith.constant 0 : i32
      %ne3A_1199 = arith.cmpi ne, %rem3A_1197, %ne3A_1198 : i32
      %and3A_1200 = arith.andi %ne3A_1196, %ne3A_1199 : i1
      %sub3A_1201 = arith.constant 1 : i32
      %sub3A_1202 = arith.subi %div3A_1181, %sub3A_1201 : i32
      %select_n3A_1203 = arith.select %and3A_1200, %sub3A_1202, %div3A_1181 : i32
      %mul3A_1204 = arith.constant 2048 : i32
      %mul3A_1205 = arith.muli %select_n3A_1163, %mul3A_1204 : i32
      %jit3A_1206 = arith.constant 16 : i32
      %eq3A_1207 = arith.constant 0 : i32
      %eq3A_1208 = arith.cmpi eq, %jit3A_1206, %eq3A_1207 : i32
      %jit3A_1209 = arith.constant 1 : i32
      %select_n3A_1210 = arith.select %eq3A_1208, %jit3A_1209, %jit3A_1206 : i32
      %rem3A_1211 = arith.remsi %select_n3A_1179, %select_n3A_1210 : i32
      %ne3A_1212 = arith.constant 0 : i32
      %ne3A_1213 = arith.cmpi ne, %rem3A_1211, %ne3A_1212 : i32
      %lt3A_1214 = arith.constant 0 : i32
      %lt3A_1215 = arith.cmpi slt, %rem3A_1211, %lt3A_1214 : i32
      %lt3A_1216 = arith.constant 0 : i32
      %lt3A_1217 = arith.cmpi slt, %select_n3A_1210, %lt3A_1216 : i32
      %ne3A_1218 = arith.xori %lt3A_1215, %lt3A_1217 : i1
      %and3A_1219 = arith.andi %ne3A_1218, %ne3A_1213 : i1
      %add3A_1220 = arith.addi %rem3A_1211, %select_n3A_1210 : i32
      %select_n3A_1221 = arith.select %and3A_1219, %add3A_1220, %rem3A_1211 : i32
      %mul3A_1222 = arith.constant 128 : i32
      %mul3A_1223 = arith.muli %select_n3A_1221, %mul3A_1222 : i32
      %add3A_1224 = arith.addi %mul3A_1205, %mul3A_1223 : i32
      %mul3A_1225 = arith.constant 64 : i32
      %mul3A_1226 = arith.muli %select_n3A_1203, %mul3A_1225 : i32
      %dma_start3A_1227 = arith.constant 0 : i32
      %dma_start3A_1228 = arith.constant 2 : i32
      %dma_start3A_1229 = arith.constant 0 : i32
      %dma_start3A_1230 = arith.constant 0 : i32
      %dma_start3A_1231 = tpu.memref_slice %arg6[%dma_start3A_1227, %dma_start3A_1228, %dma_start3A_1229, %dma_start3A_1230] : memref<2x4x128x64xf32, #tpu.memory_space<vmem>> -> memref<1x1x128x64xf32, #tpu.memory_space<vmem>>
      %dma_start3A_1232 = tpu.memref_squeeze %dma_start3A_1231 : memref<1x1x128x64xf32, #tpu.memory_space<vmem>> -> memref<128x64xf32, #tpu.memory_space<vmem>>
      %dma_start3A_1233 = tpu.memref_slice %arg4[%add3A_1224, %mul3A_1226] : memref<409600x128xf32, #tpu.memory_space<hbm>> -> memref<128x64xf32, #tpu.memory_space<hbm>>
      %dma_start3A_1234 = tpu.memref_slice %arg4[%add3A_1224, %mul3A_1226] : memref<409600x128xf32, #tpu.memory_space<hbm>> -> memref<128x64xf32, #tpu.memory_space<hbm>>
      %dma_start3A_1235 = arith.constant 0 : i32
      %dma_start3A_1236 = arith.constant 0 : i32
      %dma_start3A_1237 = tpu.memref_slice %arg6[%dma_start3A_1227, %dma_start3A_1228, %dma_start3A_1235, %dma_start3A_1236] : memref<2x4x128x64xf32, #tpu.memory_space<vmem>> -> memref<1x1x128x64xf32, #tpu.memory_space<vmem>>
      %dma_start3A_1238 = tpu.memref_squeeze %dma_start3A_1237 : memref<1x1x128x64xf32, #tpu.memory_space<vmem>> -> memref<128x64xf32, #tpu.memory_space<vmem>>
      tpu.enqueue_dma source(%dma_start3A_1238 : memref<128x64xf32, #tpu.memory_space<vmem>>) target(%dma_start3A_1234 : memref<128x64xf32, #tpu.memory_space<hbm>>) target_semaphore(%arg8 : memref<!tpu.dma_semaphore, #tpu.memory_space<semaphore_mem>>)
      %add3A_1239 = arith.addi %mul3A_2, %mul3A_827 : i32
      %add3A_1240 = arith.constant 3 : i32
      %add3A_1241 = arith.addi %add3A_1239, %add3A_1240 : i32
      %jit3A_1242 = arith.constant 32 : i32
      %div3A_1243 = arith.divsi %add3A_1241, %jit3A_1242 : i32
      %sign3A_1244 = arith.constant 0 : i32
      %sign3A_1245 = arith.cmpi sgt, %add3A_1241, %sign3A_1244 : i32
      %sign3A_1246 = arith.extui %sign3A_1245 : i1 to i32
      %sign3A_1247 = arith.constant 0 : i32
      %sign3A_1248 = arith.cmpi slt, %add3A_1241, %sign3A_1247 : i32
      %sign3A_1249 = arith.extui %sign3A_1248 : i1 to i32
      %sign3A_1250 = arith.subi %sign3A_1246, %sign3A_1249 : i32
      %sign3A_1251 = arith.constant 0 : i32
      %sign3A_1252 = arith.cmpi sgt, %jit3A_1242, %sign3A_1251 : i32
      %sign3A_1253 = arith.extui %sign3A_1252 : i1 to i32
      %sign3A_1254 = arith.constant 0 : i32
      %sign3A_1255 = arith.cmpi slt, %jit3A_1242, %sign3A_1254 : i32
      %sign3A_1256 = arith.extui %sign3A_1255 : i1 to i32
      %sign3A_1257 = arith.subi %sign3A_1253, %sign3A_1256 : i32
      %ne3A_1258 = arith.cmpi ne, %sign3A_1250, %sign3A_1257 : i32
      %rem3A_1259 = arith.remsi %add3A_1241, %jit3A_1242 : i32
      %ne3A_1260 = arith.constant 0 : i32
      %ne3A_1261 = arith.cmpi ne, %rem3A_1259, %ne3A_1260 : i32
      %and3A_1262 = arith.andi %ne3A_1258, %ne3A_1261 : i1
      %sub3A_1263 = arith.constant 1 : i32
      %sub3A_1264 = arith.subi %div3A_1243, %sub3A_1263 : i32
      %select_n3A_1265 = arith.select %and3A_1262, %sub3A_1264, %div3A_1243 : i32
      %jit3A_1266 = arith.constant 32 : i32
      %eq3A_1267 = arith.constant 0 : i32
      %eq3A_1268 = arith.cmpi eq, %jit3A_1266, %eq3A_1267 : i32
      %jit3A_1269 = arith.constant 1 : i32
      %select_n3A_1270 = arith.select %eq3A_1268, %jit3A_1269, %jit3A_1266 : i32
      %rem3A_1271 = arith.remsi %add3A_1241, %select_n3A_1270 : i32
      %ne3A_1272 = arith.constant 0 : i32
      %ne3A_1273 = arith.cmpi ne, %rem3A_1271, %ne3A_1272 : i32
      %lt3A_1274 = arith.constant 0 : i32
      %lt3A_1275 = arith.cmpi slt, %rem3A_1271, %lt3A_1274 : i32
      %lt3A_1276 = arith.constant 0 : i32
      %lt3A_1277 = arith.cmpi slt, %select_n3A_1270, %lt3A_1276 : i32
      %ne3A_1278 = arith.xori %lt3A_1275, %lt3A_1277 : i1
      %and3A_1279 = arith.andi %ne3A_1278, %ne3A_1273 : i1
      %add3A_1280 = arith.addi %rem3A_1271, %select_n3A_1270 : i32
      %select_n3A_1281 = arith.select %and3A_1279, %add3A_1280, %rem3A_1271 : i32
      %jit3A_1282 = arith.constant 16 : i32
      %div3A_1283 = arith.divsi %select_n3A_1281, %jit3A_1282 : i32
      %sign3A_1284 = arith.constant 0 : i32
      %sign3A_1285 = arith.cmpi sgt, %select_n3A_1281, %sign3A_1284 : i32
      %sign3A_1286 = arith.extui %sign3A_1285 : i1 to i32
      %sign3A_1287 = arith.constant 0 : i32
      %sign3A_1288 = arith.cmpi slt, %select_n3A_1281, %sign3A_1287 : i32
      %sign3A_1289 = arith.extui %sign3A_1288 : i1 to i32
      %sign3A_1290 = arith.subi %sign3A_1286, %sign3A_1289 : i32
      %sign3A_1291 = arith.constant 0 : i32
      %sign3A_1292 = arith.cmpi sgt, %jit3A_1282, %sign3A_1291 : i32
      %sign3A_1293 = arith.extui %sign3A_1292 : i1 to i32
      %sign3A_1294 = arith.constant 0 : i32
      %sign3A_1295 = arith.cmpi slt, %jit3A_1282, %sign3A_1294 : i32
      %sign3A_1296 = arith.extui %sign3A_1295 : i1 to i32
      %sign3A_1297 = arith.subi %sign3A_1293, %sign3A_1296 : i32
      %ne3A_1298 = arith.cmpi ne, %sign3A_1290, %sign3A_1297 : i32
      %rem3A_1299 = arith.remsi %select_n3A_1281, %jit3A_1282 : i32
      %ne3A_1300 = arith.constant 0 : i32
      %ne3A_1301 = arith.cmpi ne, %rem3A_1299, %ne3A_1300 : i32
      %and3A_1302 = arith.andi %ne3A_1298, %ne3A_1301 : i1
      %sub3A_1303 = arith.constant 1 : i32
      %sub3A_1304 = arith.subi %div3A_1283, %sub3A_1303 : i32
      %select_n3A_1305 = arith.select %and3A_1302, %sub3A_1304, %div3A_1283 : i32
      %mul3A_1306 = arith.constant 2048 : i32
      %mul3A_1307 = arith.muli %select_n3A_1265, %mul3A_1306 : i32
      %jit3A_1308 = arith.constant 16 : i32
      %eq3A_1309 = arith.constant 0 : i32
      %eq3A_1310 = arith.cmpi eq, %jit3A_1308, %eq3A_1309 : i32
      %jit3A_1311 = arith.constant 1 : i32
      %select_n3A_1312 = arith.select %eq3A_1310, %jit3A_1311, %jit3A_1308 : i32
      %rem3A_1313 = arith.remsi %select_n3A_1281, %select_n3A_1312 : i32
      %ne3A_1314 = arith.constant 0 : i32
      %ne3A_1315 = arith.cmpi ne, %rem3A_1313, %ne3A_1314 : i32
      %lt3A_1316 = arith.constant 0 : i32
      %lt3A_1317 = arith.cmpi slt, %rem3A_1313, %lt3A_1316 : i32
      %lt3A_1318 = arith.constant 0 : i32
      %lt3A_1319 = arith.cmpi slt, %select_n3A_1312, %lt3A_1318 : i32
      %ne3A_1320 = arith.xori %lt3A_1317, %lt3A_1319 : i1
      %and3A_1321 = arith.andi %ne3A_1320, %ne3A_1315 : i1
      %add3A_1322 = arith.addi %rem3A_1313, %select_n3A_1312 : i32
      %select_n3A_1323 = arith.select %and3A_1321, %add3A_1322, %rem3A_1313 : i32
      %mul3A_1324 = arith.constant 128 : i32
      %mul3A_1325 = arith.muli %select_n3A_1323, %mul3A_1324 : i32
      %add3A_1326 = arith.addi %mul3A_1307, %mul3A_1325 : i32
      %mul3A_1327 = arith.constant 64 : i32
      %mul3A_1328 = arith.muli %select_n3A_1305, %mul3A_1327 : i32
      %dma_start3A_1329 = arith.constant 0 : i32
      %dma_start3A_1330 = arith.constant 3 : i32
      %dma_start3A_1331 = arith.constant 0 : i32
      %dma_start3A_1332 = arith.constant 0 : i32
      %dma_start3A_1333 = tpu.memref_slice %arg6[%dma_start3A_1329, %dma_start3A_1330, %dma_start3A_1331, %dma_start3A_1332] : memref<2x4x128x64xf32, #tpu.memory_space<vmem>> -> memref<1x1x128x64xf32, #tpu.memory_space<vmem>>
      %dma_start3A_1334 = tpu.memref_squeeze %dma_start3A_1333 : memref<1x1x128x64xf32, #tpu.memory_space<vmem>> -> memref<128x64xf32, #tpu.memory_space<vmem>>
      %dma_start3A_1335 = tpu.memref_slice %arg4[%add3A_1326, %mul3A_1328] : memref<409600x128xf32, #tpu.memory_space<hbm>> -> memref<128x64xf32, #tpu.memory_space<hbm>>
      %dma_start3A_1336 = tpu.memref_slice %arg4[%add3A_1326, %mul3A_1328] : memref<409600x128xf32, #tpu.memory_space<hbm>> -> memref<128x64xf32, #tpu.memory_space<hbm>>
      %dma_start3A_1337 = arith.constant 0 : i32
      %dma_start3A_1338 = arith.constant 0 : i32
      %dma_start3A_1339 = tpu.memref_slice %arg6[%dma_start3A_1329, %dma_start3A_1330, %dma_start3A_1337, %dma_start3A_1338] : memref<2x4x128x64xf32, #tpu.memory_space<vmem>> -> memref<1x1x128x64xf32, #tpu.memory_space<vmem>>
      %dma_start3A_1340 = tpu.memref_squeeze %dma_start3A_1339 : memref<1x1x128x64xf32, #tpu.memory_space<vmem>> -> memref<128x64xf32, #tpu.memory_space<vmem>>
      tpu.enqueue_dma source(%dma_start3A_1340 : memref<128x64xf32, #tpu.memory_space<vmem>>) target(%dma_start3A_1336 : memref<128x64xf32, #tpu.memory_space<hbm>>) target_semaphore(%arg8 : memref<!tpu.dma_semaphore, #tpu.memory_space<semaphore_mem>>)
      %mul3A_1341 = arith.constant 2 : i32
      %mul3A_1342 = arith.muli %scan3A_821, %mul3A_1341 : i32
      %add3A_1343 = arith.constant 1 : i32
      %add3A_1344 = arith.addi %mul3A_1342, %add3A_1343 : i32
      %mul3A_1345 = arith.constant 4 : i32
      %mul3A_1346 = arith.muli %add3A_1344, %mul3A_1345 : i32
      %gt3A_1347 = arith.constant 0 : i32
      %gt3A_1348 = arith.cmpi sgt, %scan3A_821, %gt3A_1347 : i32
      %convert_element_type3A_1349 = arith.extui %gt3A_1348 : i1 to i32
      %cond3A_1350 = arith.constant 0 : i32
      %cond3A_1351 = arith.cmpi ne, %convert_element_type3A_1349, %cond3A_1350 : i32
      scf.if %cond3A_1351 {
        %add3A_1864 = arith.addi %mul3A_2, %mul3A_1346 : i32
        %sub3A_1865 = arith.constant 8 : i32
        %sub3A_1866 = arith.subi %add3A_1864, %sub3A_1865 : i32
        %add3A_1867 = arith.constant 0 : i32
        %add3A_1868 = arith.addi %sub3A_1866, %add3A_1867 : i32
        %jit3A_1869 = arith.constant 32 : i32
        %div3A_1870 = arith.divsi %add3A_1868, %jit3A_1869 : i32
        %sign3A_1871 = arith.constant 0 : i32
        %sign3A_1872 = arith.cmpi sgt, %add3A_1868, %sign3A_1871 : i32
        %sign3A_1873 = arith.extui %sign3A_1872 : i1 to i32
        %sign3A_1874 = arith.constant 0 : i32
        %sign3A_1875 = arith.cmpi slt, %add3A_1868, %sign3A_1874 : i32
        %sign3A_1876 = arith.extui %sign3A_1875 : i1 to i32
        %sign3A_1877 = arith.subi %sign3A_1873, %sign3A_1876 : i32
        %sign3A_1878 = arith.constant 0 : i32
        %sign3A_1879 = arith.cmpi sgt, %jit3A_1869, %sign3A_1878 : i32
        %sign3A_1880 = arith.extui %sign3A_1879 : i1 to i32
        %sign3A_1881 = arith.constant 0 : i32
        %sign3A_1882 = arith.cmpi slt, %jit3A_1869, %sign3A_1881 : i32
        %sign3A_1883 = arith.extui %sign3A_1882 : i1 to i32
        %sign3A_1884 = arith.subi %sign3A_1880, %sign3A_1883 : i32
        %ne3A_1885 = arith.cmpi ne, %sign3A_1877, %sign3A_1884 : i32
        %rem3A_1886 = arith.remsi %add3A_1868, %jit3A_1869 : i32
        %ne3A_1887 = arith.constant 0 : i32
        %ne3A_1888 = arith.cmpi ne, %rem3A_1886, %ne3A_1887 : i32
        %and3A_1889 = arith.andi %ne3A_1885, %ne3A_1888 : i1
        %sub3A_1890 = arith.constant 1 : i32
        %sub3A_1891 = arith.subi %div3A_1870, %sub3A_1890 : i32
        %select_n3A_1892 = arith.select %and3A_1889, %sub3A_1891, %div3A_1870 : i32
        %jit3A_1893 = arith.constant 32 : i32
        %eq3A_1894 = arith.constant 0 : i32
        %eq3A_1895 = arith.cmpi eq, %jit3A_1893, %eq3A_1894 : i32
        %jit3A_1896 = arith.constant 1 : i32
        %select_n3A_1897 = arith.select %eq3A_1895, %jit3A_1896, %jit3A_1893 : i32
        %rem3A_1898 = arith.remsi %add3A_1868, %select_n3A_1897 : i32
        %ne3A_1899 = arith.constant 0 : i32
        %ne3A_1900 = arith.cmpi ne, %rem3A_1898, %ne3A_1899 : i32
        %lt3A_1901 = arith.constant 0 : i32
        %lt3A_1902 = arith.cmpi slt, %rem3A_1898, %lt3A_1901 : i32
        %lt3A_1903 = arith.constant 0 : i32
        %lt3A_1904 = arith.cmpi slt, %select_n3A_1897, %lt3A_1903 : i32
        %ne3A_1905 = arith.xori %lt3A_1902, %lt3A_1904 : i1
        %and3A_1906 = arith.andi %ne3A_1905, %ne3A_1900 : i1
        %add3A_1907 = arith.addi %rem3A_1898, %select_n3A_1897 : i32
        %select_n3A_1908 = arith.select %and3A_1906, %add3A_1907, %rem3A_1898 : i32
        %jit3A_1909 = arith.constant 16 : i32
        %div3A_1910 = arith.divsi %select_n3A_1908, %jit3A_1909 : i32
        %sign3A_1911 = arith.constant 0 : i32
        %sign3A_1912 = arith.cmpi sgt, %select_n3A_1908, %sign3A_1911 : i32
        %sign3A_1913 = arith.extui %sign3A_1912 : i1 to i32
        %sign3A_1914 = arith.constant 0 : i32
        %sign3A_1915 = arith.cmpi slt, %select_n3A_1908, %sign3A_1914 : i32
        %sign3A_1916 = arith.extui %sign3A_1915 : i1 to i32
        %sign3A_1917 = arith.subi %sign3A_1913, %sign3A_1916 : i32
        %sign3A_1918 = arith.constant 0 : i32
        %sign3A_1919 = arith.cmpi sgt, %jit3A_1909, %sign3A_1918 : i32
        %sign3A_1920 = arith.extui %sign3A_1919 : i1 to i32
        %sign3A_1921 = arith.constant 0 : i32
        %sign3A_1922 = arith.cmpi slt, %jit3A_1909, %sign3A_1921 : i32
        %sign3A_1923 = arith.extui %sign3A_1922 : i1 to i32
        %sign3A_1924 = arith.subi %sign3A_1920, %sign3A_1923 : i32
        %ne3A_1925 = arith.cmpi ne, %sign3A_1917, %sign3A_1924 : i32
        %rem3A_1926 = arith.remsi %select_n3A_1908, %jit3A_1909 : i32
        %ne3A_1927 = arith.constant 0 : i32
        %ne3A_1928 = arith.cmpi ne, %rem3A_1926, %ne3A_1927 : i32
        %and3A_1929 = arith.andi %ne3A_1925, %ne3A_1928 : i1
        %sub3A_1930 = arith.constant 1 : i32
        %sub3A_1931 = arith.subi %div3A_1910, %sub3A_1930 : i32
        %select_n3A_1932 = arith.select %and3A_1929, %sub3A_1931, %div3A_1910 : i32
        %mul3A_1933 = arith.constant 2048 : i32
        %mul3A_1934 = arith.muli %select_n3A_1892, %mul3A_1933 : i32
        %jit3A_1935 = arith.constant 16 : i32
        %eq3A_1936 = arith.constant 0 : i32
        %eq3A_1937 = arith.cmpi eq, %jit3A_1935, %eq3A_1936 : i32
        %jit3A_1938 = arith.constant 1 : i32
        %select_n3A_1939 = arith.select %eq3A_1937, %jit3A_1938, %jit3A_1935 : i32
        %rem3A_1940 = arith.remsi %select_n3A_1908, %select_n3A_1939 : i32
        %ne3A_1941 = arith.constant 0 : i32
        %ne3A_1942 = arith.cmpi ne, %rem3A_1940, %ne3A_1941 : i32
        %lt3A_1943 = arith.constant 0 : i32
        %lt3A_1944 = arith.cmpi slt, %rem3A_1940, %lt3A_1943 : i32
        %lt3A_1945 = arith.constant 0 : i32
        %lt3A_1946 = arith.cmpi slt, %select_n3A_1939, %lt3A_1945 : i32
        %ne3A_1947 = arith.xori %lt3A_1944, %lt3A_1946 : i1
        %and3A_1948 = arith.andi %ne3A_1947, %ne3A_1942 : i1
        %add3A_1949 = arith.addi %rem3A_1940, %select_n3A_1939 : i32
        %select_n3A_1950 = arith.select %and3A_1948, %add3A_1949, %rem3A_1940 : i32
        %mul3A_1951 = arith.constant 128 : i32
        %mul3A_1952 = arith.muli %select_n3A_1950, %mul3A_1951 : i32
        %add3A_1953 = arith.addi %mul3A_1934, %mul3A_1952 : i32
        %mul3A_1954 = arith.constant 64 : i32
        %mul3A_1955 = arith.muli %select_n3A_1932, %mul3A_1954 : i32
        %dma_wait3A_1956 = arith.constant 1 : i32
        %dma_wait3A_1957 = arith.constant 0 : i32
        %dma_wait3A_1958 = arith.constant 0 : i32
        %dma_wait3A_1959 = arith.constant 0 : i32
        %dma_wait3A_1960 = tpu.memref_slice %arg6[%dma_wait3A_1956, %dma_wait3A_1957, %dma_wait3A_1958, %dma_wait3A_1959] : memref<2x4x128x64xf32, #tpu.memory_space<vmem>> -> memref<1x1x128x64xf32, #tpu.memory_space<vmem>>
        %dma_wait3A_1961 = tpu.memref_squeeze %dma_wait3A_1960 : memref<1x1x128x64xf32, #tpu.memory_space<vmem>> -> memref<128x64xf32, #tpu.memory_space<vmem>>
        %dma_wait3A_1962 = tpu.memref_slice %arg4[%add3A_1953, %mul3A_1955] : memref<409600x128xf32, #tpu.memory_space<hbm>> -> memref<128x64xf32, #tpu.memory_space<hbm>>
        %dma_wait3A_1963 = tpu.memref_slice %arg4[%add3A_1953, %mul3A_1955] : memref<409600x128xf32, #tpu.memory_space<hbm>> -> memref<128x64xf32, #tpu.memory_space<hbm>>
        %dma_wait3A_1964 = arith.constant 0 : i32
        %dma_wait3A_1965 = arith.constant 0 : i32
        %dma_wait3A_1966 = tpu.memref_slice %arg6[%dma_wait3A_1956, %dma_wait3A_1957, %dma_wait3A_1964, %dma_wait3A_1965] : memref<2x4x128x64xf32, #tpu.memory_space<vmem>> -> memref<1x1x128x64xf32, #tpu.memory_space<vmem>>
        %dma_wait3A_1967 = tpu.memref_squeeze %dma_wait3A_1966 : memref<1x1x128x64xf32, #tpu.memory_space<vmem>> -> memref<128x64xf32, #tpu.memory_space<vmem>>
        tpu.wait_dma2 semaphore(%arg9 : memref<!tpu.dma_semaphore, #tpu.memory_space<semaphore_mem>>) src(%dma_wait3A_1967 : memref<128x64xf32, #tpu.memory_space<vmem>>) dst(%dma_wait3A_1963 : memref<128x64xf32, #tpu.memory_space<hbm>>)
        %add3A_1968 = arith.addi %mul3A_2, %mul3A_1346 : i32
        %sub3A_1969 = arith.constant 8 : i32
        %sub3A_1970 = arith.subi %add3A_1968, %sub3A_1969 : i32
        %add3A_1971 = arith.constant 1 : i32
        %add3A_1972 = arith.addi %sub3A_1970, %add3A_1971 : i32
        %jit3A_1973 = arith.constant 32 : i32
        %div3A_1974 = arith.divsi %add3A_1972, %jit3A_1973 : i32
        %sign3A_1975 = arith.constant 0 : i32
        %sign3A_1976 = arith.cmpi sgt, %add3A_1972, %sign3A_1975 : i32
        %sign3A_1977 = arith.extui %sign3A_1976 : i1 to i32
        %sign3A_1978 = arith.constant 0 : i32
        %sign3A_1979 = arith.cmpi slt, %add3A_1972, %sign3A_1978 : i32
        %sign3A_1980 = arith.extui %sign3A_1979 : i1 to i32
        %sign3A_1981 = arith.subi %sign3A_1977, %sign3A_1980 : i32
        %sign3A_1982 = arith.constant 0 : i32
        %sign3A_1983 = arith.cmpi sgt, %jit3A_1973, %sign3A_1982 : i32
        %sign3A_1984 = arith.extui %sign3A_1983 : i1 to i32
        %sign3A_1985 = arith.constant 0 : i32
        %sign3A_1986 = arith.cmpi slt, %jit3A_1973, %sign3A_1985 : i32
        %sign3A_1987 = arith.extui %sign3A_1986 : i1 to i32
        %sign3A_1988 = arith.subi %sign3A_1984, %sign3A_1987 : i32
        %ne3A_1989 = arith.cmpi ne, %sign3A_1981, %sign3A_1988 : i32
        %rem3A_1990 = arith.remsi %add3A_1972, %jit3A_1973 : i32
        %ne3A_1991 = arith.constant 0 : i32
        %ne3A_1992 = arith.cmpi ne, %rem3A_1990, %ne3A_1991 : i32
        %and3A_1993 = arith.andi %ne3A_1989, %ne3A_1992 : i1
        %sub3A_1994 = arith.constant 1 : i32
        %sub3A_1995 = arith.subi %div3A_1974, %sub3A_1994 : i32
        %select_n3A_1996 = arith.select %and3A_1993, %sub3A_1995, %div3A_1974 : i32
        %jit3A_1997 = arith.constant 32 : i32
        %eq3A_1998 = arith.constant 0 : i32
        %eq3A_1999 = arith.cmpi eq, %jit3A_1997, %eq3A_1998 : i32
        %jit3A_2000 = arith.constant 1 : i32
        %select_n3A_2001 = arith.select %eq3A_1999, %jit3A_2000, %jit3A_1997 : i32
        %rem3A_2002 = arith.remsi %add3A_1972, %select_n3A_2001 : i32
        %ne3A_2003 = arith.constant 0 : i32
        %ne3A_2004 = arith.cmpi ne, %rem3A_2002, %ne3A_2003 : i32
        %lt3A_2005 = arith.constant 0 : i32
        %lt3A_2006 = arith.cmpi slt, %rem3A_2002, %lt3A_2005 : i32
        %lt3A_2007 = arith.constant 0 : i32
        %lt3A_2008 = arith.cmpi slt, %select_n3A_2001, %lt3A_2007 : i32
        %ne3A_2009 = arith.xori %lt3A_2006, %lt3A_2008 : i1
        %and3A_2010 = arith.andi %ne3A_2009, %ne3A_2004 : i1
        %add3A_2011 = arith.addi %rem3A_2002, %select_n3A_2001 : i32
        %select_n3A_2012 = arith.select %and3A_2010, %add3A_2011, %rem3A_2002 : i32
        %jit3A_2013 = arith.constant 16 : i32
        %div3A_2014 = arith.divsi %select_n3A_2012, %jit3A_2013 : i32
        %sign3A_2015 = arith.constant 0 : i32
        %sign3A_2016 = arith.cmpi sgt, %select_n3A_2012, %sign3A_2015 : i32
        %sign3A_2017 = arith.extui %sign3A_2016 : i1 to i32
        %sign3A_2018 = arith.constant 0 : i32
        %sign3A_2019 = arith.cmpi slt, %select_n3A_2012, %sign3A_2018 : i32
        %sign3A_2020 = arith.extui %sign3A_2019 : i1 to i32
        %sign3A_2021 = arith.subi %sign3A_2017, %sign3A_2020 : i32
        %sign3A_2022 = arith.constant 0 : i32
        %sign3A_2023 = arith.cmpi sgt, %jit3A_2013, %sign3A_2022 : i32
        %sign3A_2024 = arith.extui %sign3A_2023 : i1 to i32
        %sign3A_2025 = arith.constant 0 : i32
        %sign3A_2026 = arith.cmpi slt, %jit3A_2013, %sign3A_2025 : i32
        %sign3A_2027 = arith.extui %sign3A_2026 : i1 to i32
        %sign3A_2028 = arith.subi %sign3A_2024, %sign3A_2027 : i32
        %ne3A_2029 = arith.cmpi ne, %sign3A_2021, %sign3A_2028 : i32
        %rem3A_2030 = arith.remsi %select_n3A_2012, %jit3A_2013 : i32
        %ne3A_2031 = arith.constant 0 : i32
        %ne3A_2032 = arith.cmpi ne, %rem3A_2030, %ne3A_2031 : i32
        %and3A_2033 = arith.andi %ne3A_2029, %ne3A_2032 : i1
        %sub3A_2034 = arith.constant 1 : i32
        %sub3A_2035 = arith.subi %div3A_2014, %sub3A_2034 : i32
        %select_n3A_2036 = arith.select %and3A_2033, %sub3A_2035, %div3A_2014 : i32
        %mul3A_2037 = arith.constant 2048 : i32
        %mul3A_2038 = arith.muli %select_n3A_1996, %mul3A_2037 : i32
        %jit3A_2039 = arith.constant 16 : i32
        %eq3A_2040 = arith.constant 0 : i32
        %eq3A_2041 = arith.cmpi eq, %jit3A_2039, %eq3A_2040 : i32
        %jit3A_2042 = arith.constant 1 : i32
        %select_n3A_2043 = arith.select %eq3A_2041, %jit3A_2042, %jit3A_2039 : i32
        %rem3A_2044 = arith.remsi %select_n3A_2012, %select_n3A_2043 : i32
        %ne3A_2045 = arith.constant 0 : i32
        %ne3A_2046 = arith.cmpi ne, %rem3A_2044, %ne3A_2045 : i32
        %lt3A_2047 = arith.constant 0 : i32
        %lt3A_2048 = arith.cmpi slt, %rem3A_2044, %lt3A_2047 : i32
        %lt3A_2049 = arith.constant 0 : i32
        %lt3A_2050 = arith.cmpi slt, %select_n3A_2043, %lt3A_2049 : i32
        %ne3A_2051 = arith.xori %lt3A_2048, %lt3A_2050 : i1
        %and3A_2052 = arith.andi %ne3A_2051, %ne3A_2046 : i1
        %add3A_2053 = arith.addi %rem3A_2044, %select_n3A_2043 : i32
        %select_n3A_2054 = arith.select %and3A_2052, %add3A_2053, %rem3A_2044 : i32
        %mul3A_2055 = arith.constant 128 : i32
        %mul3A_2056 = arith.muli %select_n3A_2054, %mul3A_2055 : i32
        %add3A_2057 = arith.addi %mul3A_2038, %mul3A_2056 : i32
        %mul3A_2058 = arith.constant 64 : i32
        %mul3A_2059 = arith.muli %select_n3A_2036, %mul3A_2058 : i32
        %dma_wait3A_2060 = arith.constant 1 : i32
        %dma_wait3A_2061 = arith.constant 1 : i32
        %dma_wait3A_2062 = arith.constant 0 : i32
        %dma_wait3A_2063 = arith.constant 0 : i32
        %dma_wait3A_2064 = tpu.memref_slice %arg6[%dma_wait3A_2060, %dma_wait3A_2061, %dma_wait3A_2062, %dma_wait3A_2063] : memref<2x4x128x64xf32, #tpu.memory_space<vmem>> -> memref<1x1x128x64xf32, #tpu.memory_space<vmem>>
        %dma_wait3A_2065 = tpu.memref_squeeze %dma_wait3A_2064 : memref<1x1x128x64xf32, #tpu.memory_space<vmem>> -> memref<128x64xf32, #tpu.memory_space<vmem>>
        %dma_wait3A_2066 = tpu.memref_slice %arg4[%add3A_2057, %mul3A_2059] : memref<409600x128xf32, #tpu.memory_space<hbm>> -> memref<128x64xf32, #tpu.memory_space<hbm>>
        %dma_wait3A_2067 = tpu.memref_slice %arg4[%add3A_2057, %mul3A_2059] : memref<409600x128xf32, #tpu.memory_space<hbm>> -> memref<128x64xf32, #tpu.memory_space<hbm>>
        %dma_wait3A_2068 = arith.constant 0 : i32
        %dma_wait3A_2069 = arith.constant 0 : i32
        %dma_wait3A_2070 = tpu.memref_slice %arg6[%dma_wait3A_2060, %dma_wait3A_2061, %dma_wait3A_2068, %dma_wait3A_2069] : memref<2x4x128x64xf32, #tpu.memory_space<vmem>> -> memref<1x1x128x64xf32, #tpu.memory_space<vmem>>
        %dma_wait3A_2071 = tpu.memref_squeeze %dma_wait3A_2070 : memref<1x1x128x64xf32, #tpu.memory_space<vmem>> -> memref<128x64xf32, #tpu.memory_space<vmem>>
        tpu.wait_dma2 semaphore(%arg9 : memref<!tpu.dma_semaphore, #tpu.memory_space<semaphore_mem>>) src(%dma_wait3A_2071 : memref<128x64xf32, #tpu.memory_space<vmem>>) dst(%dma_wait3A_2067 : memref<128x64xf32, #tpu.memory_space<hbm>>)
        %add3A_2072 = arith.addi %mul3A_2, %mul3A_1346 : i32
        %sub3A_2073 = arith.constant 8 : i32
        %sub3A_2074 = arith.subi %add3A_2072, %sub3A_2073 : i32
        %add3A_2075 = arith.constant 2 : i32
        %add3A_2076 = arith.addi %sub3A_2074, %add3A_2075 : i32
        %jit3A_2077 = arith.constant 32 : i32
        %div3A_2078 = arith.divsi %add3A_2076, %jit3A_2077 : i32
        %sign3A_2079 = arith.constant 0 : i32
        %sign3A_2080 = arith.cmpi sgt, %add3A_2076, %sign3A_2079 : i32
        %sign3A_2081 = arith.extui %sign3A_2080 : i1 to i32
        %sign3A_2082 = arith.constant 0 : i32
        %sign3A_2083 = arith.cmpi slt, %add3A_2076, %sign3A_2082 : i32
        %sign3A_2084 = arith.extui %sign3A_2083 : i1 to i32
        %sign3A_2085 = arith.subi %sign3A_2081, %sign3A_2084 : i32
        %sign3A_2086 = arith.constant 0 : i32
        %sign3A_2087 = arith.cmpi sgt, %jit3A_2077, %sign3A_2086 : i32
        %sign3A_2088 = arith.extui %sign3A_2087 : i1 to i32
        %sign3A_2089 = arith.constant 0 : i32
        %sign3A_2090 = arith.cmpi slt, %jit3A_2077, %sign3A_2089 : i32
        %sign3A_2091 = arith.extui %sign3A_2090 : i1 to i32
        %sign3A_2092 = arith.subi %sign3A_2088, %sign3A_2091 : i32
        %ne3A_2093 = arith.cmpi ne, %sign3A_2085, %sign3A_2092 : i32
        %rem3A_2094 = arith.remsi %add3A_2076, %jit3A_2077 : i32
        %ne3A_2095 = arith.constant 0 : i32
        %ne3A_2096 = arith.cmpi ne, %rem3A_2094, %ne3A_2095 : i32
        %and3A_2097 = arith.andi %ne3A_2093, %ne3A_2096 : i1
        %sub3A_2098 = arith.constant 1 : i32
        %sub3A_2099 = arith.subi %div3A_2078, %sub3A_2098 : i32
        %select_n3A_2100 = arith.select %and3A_2097, %sub3A_2099, %div3A_2078 : i32
        %jit3A_2101 = arith.constant 32 : i32
        %eq3A_2102 = arith.constant 0 : i32
        %eq3A_2103 = arith.cmpi eq, %jit3A_2101, %eq3A_2102 : i32
        %jit3A_2104 = arith.constant 1 : i32
        %select_n3A_2105 = arith.select %eq3A_2103, %jit3A_2104, %jit3A_2101 : i32
        %rem3A_2106 = arith.remsi %add3A_2076, %select_n3A_2105 : i32
        %ne3A_2107 = arith.constant 0 : i32
        %ne3A_2108 = arith.cmpi ne, %rem3A_2106, %ne3A_2107 : i32
        %lt3A_2109 = arith.constant 0 : i32
        %lt3A_2110 = arith.cmpi slt, %rem3A_2106, %lt3A_2109 : i32
        %lt3A_2111 = arith.constant 0 : i32
        %lt3A_2112 = arith.cmpi slt, %select_n3A_2105, %lt3A_2111 : i32
        %ne3A_2113 = arith.xori %lt3A_2110, %lt3A_2112 : i1
        %and3A_2114 = arith.andi %ne3A_2113, %ne3A_2108 : i1
        %add3A_2115 = arith.addi %rem3A_2106, %select_n3A_2105 : i32
        %select_n3A_2116 = arith.select %and3A_2114, %add3A_2115, %rem3A_2106 : i32
        %jit3A_2117 = arith.constant 16 : i32
        %div3A_2118 = arith.divsi %select_n3A_2116, %jit3A_2117 : i32
        %sign3A_2119 = arith.constant 0 : i32
        %sign3A_2120 = arith.cmpi sgt, %select_n3A_2116, %sign3A_2119 : i32
        %sign3A_2121 = arith.extui %sign3A_2120 : i1 to i32
        %sign3A_2122 = arith.constant 0 : i32
        %sign3A_2123 = arith.cmpi slt, %select_n3A_2116, %sign3A_2122 : i32
        %sign3A_2124 = arith.extui %sign3A_2123 : i1 to i32
        %sign3A_2125 = arith.subi %sign3A_2121, %sign3A_2124 : i32
        %sign3A_2126 = arith.constant 0 : i32
        %sign3A_2127 = arith.cmpi sgt, %jit3A_2117, %sign3A_2126 : i32
        %sign3A_2128 = arith.extui %sign3A_2127 : i1 to i32
        %sign3A_2129 = arith.constant 0 : i32
        %sign3A_2130 = arith.cmpi slt, %jit3A_2117, %sign3A_2129 : i32
        %sign3A_2131 = arith.extui %sign3A_2130 : i1 to i32
        %sign3A_2132 = arith.subi %sign3A_2128, %sign3A_2131 : i32
        %ne3A_2133 = arith.cmpi ne, %sign3A_2125, %sign3A_2132 : i32
        %rem3A_2134 = arith.remsi %select_n3A_2116, %jit3A_2117 : i32
        %ne3A_2135 = arith.constant 0 : i32
        %ne3A_2136 = arith.cmpi ne, %rem3A_2134, %ne3A_2135 : i32
        %and3A_2137 = arith.andi %ne3A_2133, %ne3A_2136 : i1
        %sub3A_2138 = arith.constant 1 : i32
        %sub3A_2139 = arith.subi %div3A_2118, %sub3A_2138 : i32
        %select_n3A_2140 = arith.select %and3A_2137, %sub3A_2139, %div3A_2118 : i32
        %mul3A_2141 = arith.constant 2048 : i32
        %mul3A_2142 = arith.muli %select_n3A_2100, %mul3A_2141 : i32
        %jit3A_2143 = arith.constant 16 : i32
        %eq3A_2144 = arith.constant 0 : i32
        %eq3A_2145 = arith.cmpi eq, %jit3A_2143, %eq3A_2144 : i32
        %jit3A_2146 = arith.constant 1 : i32
        %select_n3A_2147 = arith.select %eq3A_2145, %jit3A_2146, %jit3A_2143 : i32
        %rem3A_2148 = arith.remsi %select_n3A_2116, %select_n3A_2147 : i32
        %ne3A_2149 = arith.constant 0 : i32
        %ne3A_2150 = arith.cmpi ne, %rem3A_2148, %ne3A_2149 : i32
        %lt3A_2151 = arith.constant 0 : i32
        %lt3A_2152 = arith.cmpi slt, %rem3A_2148, %lt3A_2151 : i32
        %lt3A_2153 = arith.constant 0 : i32
        %lt3A_2154 = arith.cmpi slt, %select_n3A_2147, %lt3A_2153 : i32
        %ne3A_2155 = arith.xori %lt3A_2152, %lt3A_2154 : i1
        %and3A_2156 = arith.andi %ne3A_2155, %ne3A_2150 : i1
        %add3A_2157 = arith.addi %rem3A_2148, %select_n3A_2147 : i32
        %select_n3A_2158 = arith.select %and3A_2156, %add3A_2157, %rem3A_2148 : i32
        %mul3A_2159 = arith.constant 128 : i32
        %mul3A_2160 = arith.muli %select_n3A_2158, %mul3A_2159 : i32
        %add3A_2161 = arith.addi %mul3A_2142, %mul3A_2160 : i32
        %mul3A_2162 = arith.constant 64 : i32
        %mul3A_2163 = arith.muli %select_n3A_2140, %mul3A_2162 : i32
        %dma_wait3A_2164 = arith.constant 1 : i32
        %dma_wait3A_2165 = arith.constant 2 : i32
        %dma_wait3A_2166 = arith.constant 0 : i32
        %dma_wait3A_2167 = arith.constant 0 : i32
        %dma_wait3A_2168 = tpu.memref_slice %arg6[%dma_wait3A_2164, %dma_wait3A_2165, %dma_wait3A_2166, %dma_wait3A_2167] : memref<2x4x128x64xf32, #tpu.memory_space<vmem>> -> memref<1x1x128x64xf32, #tpu.memory_space<vmem>>
        %dma_wait3A_2169 = tpu.memref_squeeze %dma_wait3A_2168 : memref<1x1x128x64xf32, #tpu.memory_space<vmem>> -> memref<128x64xf32, #tpu.memory_space<vmem>>
        %dma_wait3A_2170 = tpu.memref_slice %arg4[%add3A_2161, %mul3A_2163] : memref<409600x128xf32, #tpu.memory_space<hbm>> -> memref<128x64xf32, #tpu.memory_space<hbm>>
        %dma_wait3A_2171 = tpu.memref_slice %arg4[%add3A_2161, %mul3A_2163] : memref<409600x128xf32, #tpu.memory_space<hbm>> -> memref<128x64xf32, #tpu.memory_space<hbm>>
        %dma_wait3A_2172 = arith.constant 0 : i32
        %dma_wait3A_2173 = arith.constant 0 : i32
        %dma_wait3A_2174 = tpu.memref_slice %arg6[%dma_wait3A_2164, %dma_wait3A_2165, %dma_wait3A_2172, %dma_wait3A_2173] : memref<2x4x128x64xf32, #tpu.memory_space<vmem>> -> memref<1x1x128x64xf32, #tpu.memory_space<vmem>>
        %dma_wait3A_2175 = tpu.memref_squeeze %dma_wait3A_2174 : memref<1x1x128x64xf32, #tpu.memory_space<vmem>> -> memref<128x64xf32, #tpu.memory_space<vmem>>
        tpu.wait_dma2 semaphore(%arg9 : memref<!tpu.dma_semaphore, #tpu.memory_space<semaphore_mem>>) src(%dma_wait3A_2175 : memref<128x64xf32, #tpu.memory_space<vmem>>) dst(%dma_wait3A_2171 : memref<128x64xf32, #tpu.memory_space<hbm>>)
        %add3A_2176 = arith.addi %mul3A_2, %mul3A_1346 : i32
        %sub3A_2177 = arith.constant 8 : i32
        %sub3A_2178 = arith.subi %add3A_2176, %sub3A_2177 : i32
        %add3A_2179 = arith.constant 3 : i32
        %add3A_2180 = arith.addi %sub3A_2178, %add3A_2179 : i32
        %jit3A_2181 = arith.constant 32 : i32
        %div3A_2182 = arith.divsi %add3A_2180, %jit3A_2181 : i32
        %sign3A_2183 = arith.constant 0 : i32
        %sign3A_2184 = arith.cmpi sgt, %add3A_2180, %sign3A_2183 : i32
        %sign3A_2185 = arith.extui %sign3A_2184 : i1 to i32
        %sign3A_2186 = arith.constant 0 : i32
        %sign3A_2187 = arith.cmpi slt, %add3A_2180, %sign3A_2186 : i32
        %sign3A_2188 = arith.extui %sign3A_2187 : i1 to i32
        %sign3A_2189 = arith.subi %sign3A_2185, %sign3A_2188 : i32
        %sign3A_2190 = arith.constant 0 : i32
        %sign3A_2191 = arith.cmpi sgt, %jit3A_2181, %sign3A_2190 : i32
        %sign3A_2192 = arith.extui %sign3A_2191 : i1 to i32
        %sign3A_2193 = arith.constant 0 : i32
        %sign3A_2194 = arith.cmpi slt, %jit3A_2181, %sign3A_2193 : i32
        %sign3A_2195 = arith.extui %sign3A_2194 : i1 to i32
        %sign3A_2196 = arith.subi %sign3A_2192, %sign3A_2195 : i32
        %ne3A_2197 = arith.cmpi ne, %sign3A_2189, %sign3A_2196 : i32
        %rem3A_2198 = arith.remsi %add3A_2180, %jit3A_2181 : i32
        %ne3A_2199 = arith.constant 0 : i32
        %ne3A_2200 = arith.cmpi ne, %rem3A_2198, %ne3A_2199 : i32
        %and3A_2201 = arith.andi %ne3A_2197, %ne3A_2200 : i1
        %sub3A_2202 = arith.constant 1 : i32
        %sub3A_2203 = arith.subi %div3A_2182, %sub3A_2202 : i32
        %select_n3A_2204 = arith.select %and3A_2201, %sub3A_2203, %div3A_2182 : i32
        %jit3A_2205 = arith.constant 32 : i32
        %eq3A_2206 = arith.constant 0 : i32
        %eq3A_2207 = arith.cmpi eq, %jit3A_2205, %eq3A_2206 : i32
        %jit3A_2208 = arith.constant 1 : i32
        %select_n3A_2209 = arith.select %eq3A_2207, %jit3A_2208, %jit3A_2205 : i32
        %rem3A_2210 = arith.remsi %add3A_2180, %select_n3A_2209 : i32
        %ne3A_2211 = arith.constant 0 : i32
        %ne3A_2212 = arith.cmpi ne, %rem3A_2210, %ne3A_2211 : i32
        %lt3A_2213 = arith.constant 0 : i32
        %lt3A_2214 = arith.cmpi slt, %rem3A_2210, %lt3A_2213 : i32
        %lt3A_2215 = arith.constant 0 : i32
        %lt3A_2216 = arith.cmpi slt, %select_n3A_2209, %lt3A_2215 : i32
        %ne3A_2217 = arith.xori %lt3A_2214, %lt3A_2216 : i1
        %and3A_2218 = arith.andi %ne3A_2217, %ne3A_2212 : i1
        %add3A_2219 = arith.addi %rem3A_2210, %select_n3A_2209 : i32
        %select_n3A_2220 = arith.select %and3A_2218, %add3A_2219, %rem3A_2210 : i32
        %jit3A_2221 = arith.constant 16 : i32
        %div3A_2222 = arith.divsi %select_n3A_2220, %jit3A_2221 : i32
        %sign3A_2223 = arith.constant 0 : i32
        %sign3A_2224 = arith.cmpi sgt, %select_n3A_2220, %sign3A_2223 : i32
        %sign3A_2225 = arith.extui %sign3A_2224 : i1 to i32
        %sign3A_2226 = arith.constant 0 : i32
        %sign3A_2227 = arith.cmpi slt, %select_n3A_2220, %sign3A_2226 : i32
        %sign3A_2228 = arith.extui %sign3A_2227 : i1 to i32
        %sign3A_2229 = arith.subi %sign3A_2225, %sign3A_2228 : i32
        %sign3A_2230 = arith.constant 0 : i32
        %sign3A_2231 = arith.cmpi sgt, %jit3A_2221, %sign3A_2230 : i32
        %sign3A_2232 = arith.extui %sign3A_2231 : i1 to i32
        %sign3A_2233 = arith.constant 0 : i32
        %sign3A_2234 = arith.cmpi slt, %jit3A_2221, %sign3A_2233 : i32
        %sign3A_2235 = arith.extui %sign3A_2234 : i1 to i32
        %sign3A_2236 = arith.subi %sign3A_2232, %sign3A_2235 : i32
        %ne3A_2237 = arith.cmpi ne, %sign3A_2229, %sign3A_2236 : i32
        %rem3A_2238 = arith.remsi %select_n3A_2220, %jit3A_2221 : i32
        %ne3A_2239 = arith.constant 0 : i32
        %ne3A_2240 = arith.cmpi ne, %rem3A_2238, %ne3A_2239 : i32
        %and3A_2241 = arith.andi %ne3A_2237, %ne3A_2240 : i1
        %sub3A_2242 = arith.constant 1 : i32
        %sub3A_2243 = arith.subi %div3A_2222, %sub3A_2242 : i32
        %select_n3A_2244 = arith.select %and3A_2241, %sub3A_2243, %div3A_2222 : i32
        %mul3A_2245 = arith.constant 2048 : i32
        %mul3A_2246 = arith.muli %select_n3A_2204, %mul3A_2245 : i32
        %jit3A_2247 = arith.constant 16 : i32
        %eq3A_2248 = arith.constant 0 : i32
        %eq3A_2249 = arith.cmpi eq, %jit3A_2247, %eq3A_2248 : i32
        %jit3A_2250 = arith.constant 1 : i32
        %select_n3A_2251 = arith.select %eq3A_2249, %jit3A_2250, %jit3A_2247 : i32
        %rem3A_2252 = arith.remsi %select_n3A_2220, %select_n3A_2251 : i32
        %ne3A_2253 = arith.constant 0 : i32
        %ne3A_2254 = arith.cmpi ne, %rem3A_2252, %ne3A_2253 : i32
        %lt3A_2255 = arith.constant 0 : i32
        %lt3A_2256 = arith.cmpi slt, %rem3A_2252, %lt3A_2255 : i32
        %lt3A_2257 = arith.constant 0 : i32
        %lt3A_2258 = arith.cmpi slt, %select_n3A_2251, %lt3A_2257 : i32
        %ne3A_2259 = arith.xori %lt3A_2256, %lt3A_2258 : i1
        %and3A_2260 = arith.andi %ne3A_2259, %ne3A_2254 : i1
        %add3A_2261 = arith.addi %rem3A_2252, %select_n3A_2251 : i32
        %select_n3A_2262 = arith.select %and3A_2260, %add3A_2261, %rem3A_2252 : i32
        %mul3A_2263 = arith.constant 128 : i32
        %mul3A_2264 = arith.muli %select_n3A_2262, %mul3A_2263 : i32
        %add3A_2265 = arith.addi %mul3A_2246, %mul3A_2264 : i32
        %mul3A_2266 = arith.constant 64 : i32
        %mul3A_2267 = arith.muli %select_n3A_2244, %mul3A_2266 : i32
        %dma_wait3A_2268 = arith.constant 1 : i32
        %dma_wait3A_2269 = arith.constant 3 : i32
        %dma_wait3A_2270 = arith.constant 0 : i32
        %dma_wait3A_2271 = arith.constant 0 : i32
        %dma_wait3A_2272 = tpu.memref_slice %arg6[%dma_wait3A_2268, %dma_wait3A_2269, %dma_wait3A_2270, %dma_wait3A_2271] : memref<2x4x128x64xf32, #tpu.memory_space<vmem>> -> memref<1x1x128x64xf32, #tpu.memory_space<vmem>>
        %dma_wait3A_2273 = tpu.memref_squeeze %dma_wait3A_2272 : memref<1x1x128x64xf32, #tpu.memory_space<vmem>> -> memref<128x64xf32, #tpu.memory_space<vmem>>
        %dma_wait3A_2274 = tpu.memref_slice %arg4[%add3A_2265, %mul3A_2267] : memref<409600x128xf32, #tpu.memory_space<hbm>> -> memref<128x64xf32, #tpu.memory_space<hbm>>
        %dma_wait3A_2275 = tpu.memref_slice %arg4[%add3A_2265, %mul3A_2267] : memref<409600x128xf32, #tpu.memory_space<hbm>> -> memref<128x64xf32, #tpu.memory_space<hbm>>
        %dma_wait3A_2276 = arith.constant 0 : i32
        %dma_wait3A_2277 = arith.constant 0 : i32
        %dma_wait3A_2278 = tpu.memref_slice %arg6[%dma_wait3A_2268, %dma_wait3A_2269, %dma_wait3A_2276, %dma_wait3A_2277] : memref<2x4x128x64xf32, #tpu.memory_space<vmem>> -> memref<1x1x128x64xf32, #tpu.memory_space<vmem>>
        %dma_wait3A_2279 = tpu.memref_squeeze %dma_wait3A_2278 : memref<1x1x128x64xf32, #tpu.memory_space<vmem>> -> memref<128x64xf32, #tpu.memory_space<vmem>>
        tpu.wait_dma2 semaphore(%arg9 : memref<!tpu.dma_semaphore, #tpu.memory_space<semaphore_mem>>) src(%dma_wait3A_2279 : memref<128x64xf32, #tpu.memory_space<vmem>>) dst(%dma_wait3A_2275 : memref<128x64xf32, #tpu.memory_space<hbm>>)
      } else {
      }
      %add3A_1352 = arith.constant 0 : i32
      %add3A_1353 = arith.addi %mul3A_1346, %add3A_1352 : i32
      %dma_start3A_1354 = arith.constant 1 : i32
      %dma_start3A_1355 = arith.constant 0 : i32
      %dma_start3A_1356 = arith.constant 0 : i32
      %dma_start3A_1357 = arith.constant 0 : i32
      %dma_start3A_1358 = tpu.memref_slice %arg6[%dma_start3A_1354, %dma_start3A_1355, %dma_start3A_1356, %dma_start3A_1357] : memref<2x4x128x64xf32, #tpu.memory_space<vmem>> -> memref<1x1x128x64xf32, #tpu.memory_space<vmem>>
      %dma_start3A_1359 = tpu.memref_squeeze %dma_start3A_1358 : memref<1x1x128x64xf32, #tpu.memory_space<vmem>> -> memref<128x64xf32, #tpu.memory_space<vmem>>
      %dma_start3A_1360 = arith.constant 0 : i32
      %dma_start3A_1361 = tpu.memref_slice %arg5[%add3A_1353, %dma_start3A_1360] : memref<200x128xi32, #tpu.memory_space<vmem>> -> memref<1x128xi32, #tpu.memory_space<vmem>>
      %dma_start3A_1362 = tpu.memref_squeeze %dma_start3A_1361 : memref<1x128xi32, #tpu.memory_space<vmem>> -> memref<128xi32, #tpu.memory_space<vmem>>
      %dma_start3A_1363 = arith.constant 0 : i32
      %dma_start3A_1364 = arith.constant 0 : i32
      %dma_start3A_1365 = tpu.memref_slice %arg3[%dma_start3A_1363, %dma_start3A_1364] : memref<100000x64xf32, #tpu.memory_space<hbm>> -> memref<100000x64xf32, #tpu.memory_space<hbm>>
      tpu.enqueue_indirect_dma source(%dma_start3A_1365 : memref<100000x64xf32, #tpu.memory_space<hbm>>) target(%dma_start3A_1359 : memref<128x64xf32, #tpu.memory_space<vmem>>) offsets(%dma_start3A_1362 : memref<128xi32, #tpu.memory_space<vmem>>) semaphore(%arg7 : memref<!tpu.dma_semaphore, #tpu.memory_space<semaphore_mem>>)
      %add3A_1366 = arith.constant 1 : i32
      %add3A_1367 = arith.addi %mul3A_1346, %add3A_1366 : i32
      %dma_start3A_1368 = arith.constant 1 : i32
      %dma_start3A_1369 = arith.constant 1 : i32
      %dma_start3A_1370 = arith.constant 0 : i32
      %dma_start3A_1371 = arith.constant 0 : i32
      %dma_start3A_1372 = tpu.memref_slice %arg6[%dma_start3A_1368, %dma_start3A_1369, %dma_start3A_1370, %dma_start3A_1371] : memref<2x4x128x64xf32, #tpu.memory_space<vmem>> -> memref<1x1x128x64xf32, #tpu.memory_space<vmem>>
      %dma_start3A_1373 = tpu.memref_squeeze %dma_start3A_1372 : memref<1x1x128x64xf32, #tpu.memory_space<vmem>> -> memref<128x64xf32, #tpu.memory_space<vmem>>
      %dma_start3A_1374 = arith.constant 0 : i32
      %dma_start3A_1375 = tpu.memref_slice %arg5[%add3A_1367, %dma_start3A_1374] : memref<200x128xi32, #tpu.memory_space<vmem>> -> memref<1x128xi32, #tpu.memory_space<vmem>>
      %dma_start3A_1376 = tpu.memref_squeeze %dma_start3A_1375 : memref<1x128xi32, #tpu.memory_space<vmem>> -> memref<128xi32, #tpu.memory_space<vmem>>
      %dma_start3A_1377 = arith.constant 0 : i32
      %dma_start3A_1378 = arith.constant 0 : i32
      %dma_start3A_1379 = tpu.memref_slice %arg3[%dma_start3A_1377, %dma_start3A_1378] : memref<100000x64xf32, #tpu.memory_space<hbm>> -> memref<100000x64xf32, #tpu.memory_space<hbm>>
      tpu.enqueue_indirect_dma source(%dma_start3A_1379 : memref<100000x64xf32, #tpu.memory_space<hbm>>) target(%dma_start3A_1373 : memref<128x64xf32, #tpu.memory_space<vmem>>) offsets(%dma_start3A_1376 : memref<128xi32, #tpu.memory_space<vmem>>) semaphore(%arg7 : memref<!tpu.dma_semaphore, #tpu.memory_space<semaphore_mem>>)
      %add3A_1380 = arith.constant 2 : i32
      %add3A_1381 = arith.addi %mul3A_1346, %add3A_1380 : i32
      %dma_start3A_1382 = arith.constant 1 : i32
      %dma_start3A_1383 = arith.constant 2 : i32
      %dma_start3A_1384 = arith.constant 0 : i32
      %dma_start3A_1385 = arith.constant 0 : i32
      %dma_start3A_1386 = tpu.memref_slice %arg6[%dma_start3A_1382, %dma_start3A_1383, %dma_start3A_1384, %dma_start3A_1385] : memref<2x4x128x64xf32, #tpu.memory_space<vmem>> -> memref<1x1x128x64xf32, #tpu.memory_space<vmem>>
      %dma_start3A_1387 = tpu.memref_squeeze %dma_start3A_1386 : memref<1x1x128x64xf32, #tpu.memory_space<vmem>> -> memref<128x64xf32, #tpu.memory_space<vmem>>
      %dma_start3A_1388 = arith.constant 0 : i32
      %dma_start3A_1389 = tpu.memref_slice %arg5[%add3A_1381, %dma_start3A_1388] : memref<200x128xi32, #tpu.memory_space<vmem>> -> memref<1x128xi32, #tpu.memory_space<vmem>>
      %dma_start3A_1390 = tpu.memref_squeeze %dma_start3A_1389 : memref<1x128xi32, #tpu.memory_space<vmem>> -> memref<128xi32, #tpu.memory_space<vmem>>
      %dma_start3A_1391 = arith.constant 0 : i32
      %dma_start3A_1392 = arith.constant 0 : i32
      %dma_start3A_1393 = tpu.memref_slice %arg3[%dma_start3A_1391, %dma_start3A_1392] : memref<100000x64xf32, #tpu.memory_space<hbm>> -> memref<100000x64xf32, #tpu.memory_space<hbm>>
      tpu.enqueue_indirect_dma source(%dma_start3A_1393 : memref<100000x64xf32, #tpu.memory_space<hbm>>) target(%dma_start3A_1387 : memref<128x64xf32, #tpu.memory_space<vmem>>) offsets(%dma_start3A_1390 : memref<128xi32, #tpu.memory_space<vmem>>) semaphore(%arg7 : memref<!tpu.dma_semaphore, #tpu.memory_space<semaphore_mem>>)
      %add3A_1394 = arith.constant 3 : i32
      %add3A_1395 = arith.addi %mul3A_1346, %add3A_1394 : i32
      %dma_start3A_1396 = arith.constant 1 : i32
      %dma_start3A_1397 = arith.constant 3 : i32
      %dma_start3A_1398 = arith.constant 0 : i32
      %dma_start3A_1399 = arith.constant 0 : i32
      %dma_start3A_1400 = tpu.memref_slice %arg6[%dma_start3A_1396, %dma_start3A_1397, %dma_start3A_1398, %dma_start3A_1399] : memref<2x4x128x64xf32, #tpu.memory_space<vmem>> -> memref<1x1x128x64xf32, #tpu.memory_space<vmem>>
      %dma_start3A_1401 = tpu.memref_squeeze %dma_start3A_1400 : memref<1x1x128x64xf32, #tpu.memory_space<vmem>> -> memref<128x64xf32, #tpu.memory_space<vmem>>
      %dma_start3A_1402 = arith.constant 0 : i32
      %dma_start3A_1403 = tpu.memref_slice %arg5[%add3A_1395, %dma_start3A_1402] : memref<200x128xi32, #tpu.memory_space<vmem>> -> memref<1x128xi32, #tpu.memory_space<vmem>>
      %dma_start3A_1404 = tpu.memref_squeeze %dma_start3A_1403 : memref<1x128xi32, #tpu.memory_space<vmem>> -> memref<128xi32, #tpu.memory_space<vmem>>
      %dma_start3A_1405 = arith.constant 0 : i32
      %dma_start3A_1406 = arith.constant 0 : i32
      %dma_start3A_1407 = tpu.memref_slice %arg3[%dma_start3A_1405, %dma_start3A_1406] : memref<100000x64xf32, #tpu.memory_space<hbm>> -> memref<100000x64xf32, #tpu.memory_space<hbm>>
      tpu.enqueue_indirect_dma source(%dma_start3A_1407 : memref<100000x64xf32, #tpu.memory_space<hbm>>) target(%dma_start3A_1401 : memref<128x64xf32, #tpu.memory_space<vmem>>) offsets(%dma_start3A_1404 : memref<128xi32, #tpu.memory_space<vmem>>) semaphore(%arg7 : memref<!tpu.dma_semaphore, #tpu.memory_space<semaphore_mem>>)
      %dma_wait3A_1408 = arith.constant 1 : i32
      %dma_wait3A_1409 = arith.constant 0 : i32
      %dma_wait3A_1410 = arith.constant 0 : i32
      %dma_wait3A_1411 = arith.constant 0 : i32
      %dma_wait3A_1412 = tpu.memref_slice %arg6[%dma_wait3A_1408, %dma_wait3A_1409, %dma_wait3A_1410, %dma_wait3A_1411] : memref<2x4x128x64xf32, #tpu.memory_space<vmem>> -> memref<1x1x128x64xf32, #tpu.memory_space<vmem>>
      %dma_wait3A_1413 = tpu.memref_squeeze %dma_wait3A_1412 : memref<1x1x128x64xf32, #tpu.memory_space<vmem>> -> memref<128x64xf32, #tpu.memory_space<vmem>>
      %dma_wait3A_1414 = arith.constant 0 : i32
      %dma_wait3A_1415 = tpu.memref_slice %arg5[%add3A_1353, %dma_wait3A_1414] : memref<200x128xi32, #tpu.memory_space<vmem>> -> memref<1x128xi32, #tpu.memory_space<vmem>>
      %dma_wait3A_1416 = tpu.memref_squeeze %dma_wait3A_1415 : memref<1x128xi32, #tpu.memory_space<vmem>> -> memref<128xi32, #tpu.memory_space<vmem>>
      %dma_wait3A_1417 = arith.constant 0 : i32
      %dma_wait3A_1418 = arith.constant 0 : i32
      %dma_wait3A_1419 = tpu.memref_slice %arg3[%dma_wait3A_1417, %dma_wait3A_1418] : memref<100000x64xf32, #tpu.memory_space<hbm>> -> memref<100000x64xf32, #tpu.memory_space<hbm>>
      tpu.wait_indirect_dma semaphore(%arg7 : memref<!tpu.dma_semaphore, #tpu.memory_space<semaphore_mem>>) src(%dma_wait3A_1419 : memref<100000x64xf32, #tpu.memory_space<hbm>>) dst(%dma_wait3A_1413 : memref<128x64xf32, #tpu.memory_space<vmem>>)
      %dma_wait3A_1420 = arith.constant 1 : i32
      %dma_wait3A_1421 = arith.constant 1 : i32
      %dma_wait3A_1422 = arith.constant 0 : i32
      %dma_wait3A_1423 = arith.constant 0 : i32
      %dma_wait3A_1424 = tpu.memref_slice %arg6[%dma_wait3A_1420, %dma_wait3A_1421, %dma_wait3A_1422, %dma_wait3A_1423] : memref<2x4x128x64xf32, #tpu.memory_space<vmem>> -> memref<1x1x128x64xf32, #tpu.memory_space<vmem>>
      %dma_wait3A_1425 = tpu.memref_squeeze %dma_wait3A_1424 : memref<1x1x128x64xf32, #tpu.memory_space<vmem>> -> memref<128x64xf32, #tpu.memory_space<vmem>>
      %dma_wait3A_1426 = arith.constant 0 : i32
      %dma_wait3A_1427 = tpu.memref_slice %arg5[%add3A_1367, %dma_wait3A_1426] : memref<200x128xi32, #tpu.memory_space<vmem>> -> memref<1x128xi32, #tpu.memory_space<vmem>>
      %dma_wait3A_1428 = tpu.memref_squeeze %dma_wait3A_1427 : memref<1x128xi32, #tpu.memory_space<vmem>> -> memref<128xi32, #tpu.memory_space<vmem>>
      %dma_wait3A_1429 = arith.constant 0 : i32
      %dma_wait3A_1430 = arith.constant 0 : i32
      %dma_wait3A_1431 = tpu.memref_slice %arg3[%dma_wait3A_1429, %dma_wait3A_1430] : memref<100000x64xf32, #tpu.memory_space<hbm>> -> memref<100000x64xf32, #tpu.memory_space<hbm>>
      tpu.wait_indirect_dma semaphore(%arg7 : memref<!tpu.dma_semaphore, #tpu.memory_space<semaphore_mem>>) src(%dma_wait3A_1431 : memref<100000x64xf32, #tpu.memory_space<hbm>>) dst(%dma_wait3A_1425 : memref<128x64xf32, #tpu.memory_space<vmem>>)
      %dma_wait3A_1432 = arith.constant 1 : i32
      %dma_wait3A_1433 = arith.constant 2 : i32
      %dma_wait3A_1434 = arith.constant 0 : i32
      %dma_wait3A_1435 = arith.constant 0 : i32
      %dma_wait3A_1436 = tpu.memref_slice %arg6[%dma_wait3A_1432, %dma_wait3A_1433, %dma_wait3A_1434, %dma_wait3A_1435] : memref<2x4x128x64xf32, #tpu.memory_space<vmem>> -> memref<1x1x128x64xf32, #tpu.memory_space<vmem>>
      %dma_wait3A_1437 = tpu.memref_squeeze %dma_wait3A_1436 : memref<1x1x128x64xf32, #tpu.memory_space<vmem>> -> memref<128x64xf32, #tpu.memory_space<vmem>>
      %dma_wait3A_1438 = arith.constant 0 : i32
      %dma_wait3A_1439 = tpu.memref_slice %arg5[%add3A_1381, %dma_wait3A_1438] : memref<200x128xi32, #tpu.memory_space<vmem>> -> memref<1x128xi32, #tpu.memory_space<vmem>>
      %dma_wait3A_1440 = tpu.memref_squeeze %dma_wait3A_1439 : memref<1x128xi32, #tpu.memory_space<vmem>> -> memref<128xi32, #tpu.memory_space<vmem>>
      %dma_wait3A_1441 = arith.constant 0 : i32
      %dma_wait3A_1442 = arith.constant 0 : i32
      %dma_wait3A_1443 = tpu.memref_slice %arg3[%dma_wait3A_1441, %dma_wait3A_1442] : memref<100000x64xf32, #tpu.memory_space<hbm>> -> memref<100000x64xf32, #tpu.memory_space<hbm>>
      tpu.wait_indirect_dma semaphore(%arg7 : memref<!tpu.dma_semaphore, #tpu.memory_space<semaphore_mem>>) src(%dma_wait3A_1443 : memref<100000x64xf32, #tpu.memory_space<hbm>>) dst(%dma_wait3A_1437 : memref<128x64xf32, #tpu.memory_space<vmem>>)
      %dma_wait3A_1444 = arith.constant 1 : i32
      %dma_wait3A_1445 = arith.constant 3 : i32
      %dma_wait3A_1446 = arith.constant 0 : i32
      %dma_wait3A_1447 = arith.constant 0 : i32
      %dma_wait3A_1448 = tpu.memref_slice %arg6[%dma_wait3A_1444, %dma_wait3A_1445, %dma_wait3A_1446, %dma_wait3A_1447] : memref<2x4x128x64xf32, #tpu.memory_space<vmem>> -> memref<1x1x128x64xf32, #tpu.memory_space<vmem>>
      %dma_wait3A_1449 = tpu.memref_squeeze %dma_wait3A_1448 : memref<1x1x128x64xf32, #tpu.memory_space<vmem>> -> memref<128x64xf32, #tpu.memory_space<vmem>>
      %dma_wait3A_1450 = arith.constant 0 : i32
      %dma_wait3A_1451 = tpu.memref_slice %arg5[%add3A_1395, %dma_wait3A_1450] : memref<200x128xi32, #tpu.memory_space<vmem>> -> memref<1x128xi32, #tpu.memory_space<vmem>>
      %dma_wait3A_1452 = tpu.memref_squeeze %dma_wait3A_1451 : memref<1x128xi32, #tpu.memory_space<vmem>> -> memref<128xi32, #tpu.memory_space<vmem>>
      %dma_wait3A_1453 = arith.constant 0 : i32
      %dma_wait3A_1454 = arith.constant 0 : i32
      %dma_wait3A_1455 = tpu.memref_slice %arg3[%dma_wait3A_1453, %dma_wait3A_1454] : memref<100000x64xf32, #tpu.memory_space<hbm>> -> memref<100000x64xf32, #tpu.memory_space<hbm>>
      tpu.wait_indirect_dma semaphore(%arg7 : memref<!tpu.dma_semaphore, #tpu.memory_space<semaphore_mem>>) src(%dma_wait3A_1455 : memref<100000x64xf32, #tpu.memory_space<hbm>>) dst(%dma_wait3A_1449 : memref<128x64xf32, #tpu.memory_space<vmem>>)
      %add3A_1456 = arith.addi %mul3A_2, %mul3A_1346 : i32
      %add3A_1457 = arith.constant 0 : i32
      %add3A_1458 = arith.addi %add3A_1456, %add3A_1457 : i32
      %jit3A_1459 = arith.constant 32 : i32
      %div3A_1460 = arith.divsi %add3A_1458, %jit3A_1459 : i32
      %sign3A_1461 = arith.constant 0 : i32
      %sign3A_1462 = arith.cmpi sgt, %add3A_1458, %sign3A_1461 : i32
      %sign3A_1463 = arith.extui %sign3A_1462 : i1 to i32
      %sign3A_1464 = arith.constant 0 : i32
      %sign3A_1465 = arith.cmpi slt, %add3A_1458, %sign3A_1464 : i32
      %sign3A_1466 = arith.extui %sign3A_1465 : i1 to i32
      %sign3A_1467 = arith.subi %sign3A_1463, %sign3A_1466 : i32
      %sign3A_1468 = arith.constant 0 : i32
      %sign3A_1469 = arith.cmpi sgt, %jit3A_1459, %sign3A_1468 : i32
      %sign3A_1470 = arith.extui %sign3A_1469 : i1 to i32
      %sign3A_1471 = arith.constant 0 : i32
      %sign3A_1472 = arith.cmpi slt, %jit3A_1459, %sign3A_1471 : i32
      %sign3A_1473 = arith.extui %sign3A_1472 : i1 to i32
      %sign3A_1474 = arith.subi %sign3A_1470, %sign3A_1473 : i32
      %ne3A_1475 = arith.cmpi ne, %sign3A_1467, %sign3A_1474 : i32
      %rem3A_1476 = arith.remsi %add3A_1458, %jit3A_1459 : i32
      %ne3A_1477 = arith.constant 0 : i32
      %ne3A_1478 = arith.cmpi ne, %rem3A_1476, %ne3A_1477 : i32
      %and3A_1479 = arith.andi %ne3A_1475, %ne3A_1478 : i1
      %sub3A_1480 = arith.constant 1 : i32
      %sub3A_1481 = arith.subi %div3A_1460, %sub3A_1480 : i32
      %select_n3A_1482 = arith.select %and3A_1479, %sub3A_1481, %div3A_1460 : i32
      %jit3A_1483 = arith.constant 32 : i32
      %eq3A_1484 = arith.constant 0 : i32
      %eq3A_1485 = arith.cmpi eq, %jit3A_1483, %eq3A_1484 : i32
      %jit3A_1486 = arith.constant 1 : i32
      %select_n3A_1487 = arith.select %eq3A_1485, %jit3A_1486, %jit3A_1483 : i32
      %rem3A_1488 = arith.remsi %add3A_1458, %select_n3A_1487 : i32
      %ne3A_1489 = arith.constant 0 : i32
      %ne3A_1490 = arith.cmpi ne, %rem3A_1488, %ne3A_1489 : i32
      %lt3A_1491 = arith.constant 0 : i32
      %lt3A_1492 = arith.cmpi slt, %rem3A_1488, %lt3A_1491 : i32
      %lt3A_1493 = arith.constant 0 : i32
      %lt3A_1494 = arith.cmpi slt, %select_n3A_1487, %lt3A_1493 : i32
      %ne3A_1495 = arith.xori %lt3A_1492, %lt3A_1494 : i1
      %and3A_1496 = arith.andi %ne3A_1495, %ne3A_1490 : i1
      %add3A_1497 = arith.addi %rem3A_1488, %select_n3A_1487 : i32
      %select_n3A_1498 = arith.select %and3A_1496, %add3A_1497, %rem3A_1488 : i32
      %jit3A_1499 = arith.constant 16 : i32
      %div3A_1500 = arith.divsi %select_n3A_1498, %jit3A_1499 : i32
      %sign3A_1501 = arith.constant 0 : i32
      %sign3A_1502 = arith.cmpi sgt, %select_n3A_1498, %sign3A_1501 : i32
      %sign3A_1503 = arith.extui %sign3A_1502 : i1 to i32
      %sign3A_1504 = arith.constant 0 : i32
      %sign3A_1505 = arith.cmpi slt, %select_n3A_1498, %sign3A_1504 : i32
      %sign3A_1506 = arith.extui %sign3A_1505 : i1 to i32
      %sign3A_1507 = arith.subi %sign3A_1503, %sign3A_1506 : i32
      %sign3A_1508 = arith.constant 0 : i32
      %sign3A_1509 = arith.cmpi sgt, %jit3A_1499, %sign3A_1508 : i32
      %sign3A_1510 = arith.extui %sign3A_1509 : i1 to i32
      %sign3A_1511 = arith.constant 0 : i32
      %sign3A_1512 = arith.cmpi slt, %jit3A_1499, %sign3A_1511 : i32
      %sign3A_1513 = arith.extui %sign3A_1512 : i1 to i32
      %sign3A_1514 = arith.subi %sign3A_1510, %sign3A_1513 : i32
      %ne3A_1515 = arith.cmpi ne, %sign3A_1507, %sign3A_1514 : i32
      %rem3A_1516 = arith.remsi %select_n3A_1498, %jit3A_1499 : i32
      %ne3A_1517 = arith.constant 0 : i32
      %ne3A_1518 = arith.cmpi ne, %rem3A_1516, %ne3A_1517 : i32
      %and3A_1519 = arith.andi %ne3A_1515, %ne3A_1518 : i1
      %sub3A_1520 = arith.constant 1 : i32
      %sub3A_1521 = arith.subi %div3A_1500, %sub3A_1520 : i32
      %select_n3A_1522 = arith.select %and3A_1519, %sub3A_1521, %div3A_1500 : i32
      %mul3A_1523 = arith.constant 2048 : i32
      %mul3A_1524 = arith.muli %select_n3A_1482, %mul3A_1523 : i32
      %jit3A_1525 = arith.constant 16 : i32
      %eq3A_1526 = arith.constant 0 : i32
      %eq3A_1527 = arith.cmpi eq, %jit3A_1525, %eq3A_1526 : i32
      %jit3A_1528 = arith.constant 1 : i32
      %select_n3A_1529 = arith.select %eq3A_1527, %jit3A_1528, %jit3A_1525 : i32
      %rem3A_1530 = arith.remsi %select_n3A_1498, %select_n3A_1529 : i32
      %ne3A_1531 = arith.constant 0 : i32
      %ne3A_1532 = arith.cmpi ne, %rem3A_1530, %ne3A_1531 : i32
      %lt3A_1533 = arith.constant 0 : i32
      %lt3A_1534 = arith.cmpi slt, %rem3A_1530, %lt3A_1533 : i32
      %lt3A_1535 = arith.constant 0 : i32
      %lt3A_1536 = arith.cmpi slt, %select_n3A_1529, %lt3A_1535 : i32
      %ne3A_1537 = arith.xori %lt3A_1534, %lt3A_1536 : i1
      %and3A_1538 = arith.andi %ne3A_1537, %ne3A_1532 : i1
      %add3A_1539 = arith.addi %rem3A_1530, %select_n3A_1529 : i32
      %select_n3A_1540 = arith.select %and3A_1538, %add3A_1539, %rem3A_1530 : i32
      %mul3A_1541 = arith.constant 128 : i32
      %mul3A_1542 = arith.muli %select_n3A_1540, %mul3A_1541 : i32
      %add3A_1543 = arith.addi %mul3A_1524, %mul3A_1542 : i32
      %mul3A_1544 = arith.constant 64 : i32
      %mul3A_1545 = arith.muli %select_n3A_1522, %mul3A_1544 : i32
      %dma_start3A_1546 = arith.constant 1 : i32
      %dma_start3A_1547 = arith.constant 0 : i32
      %dma_start3A_1548 = arith.constant 0 : i32
      %dma_start3A_1549 = arith.constant 0 : i32
      %dma_start3A_1550 = tpu.memref_slice %arg6[%dma_start3A_1546, %dma_start3A_1547, %dma_start3A_1548, %dma_start3A_1549] : memref<2x4x128x64xf32, #tpu.memory_space<vmem>> -> memref<1x1x128x64xf32, #tpu.memory_space<vmem>>
      %dma_start3A_1551 = tpu.memref_squeeze %dma_start3A_1550 : memref<1x1x128x64xf32, #tpu.memory_space<vmem>> -> memref<128x64xf32, #tpu.memory_space<vmem>>
      %dma_start3A_1552 = tpu.memref_slice %arg4[%add3A_1543, %mul3A_1545] : memref<409600x128xf32, #tpu.memory_space<hbm>> -> memref<128x64xf32, #tpu.memory_space<hbm>>
      %dma_start3A_1553 = tpu.memref_slice %arg4[%add3A_1543, %mul3A_1545] : memref<409600x128xf32, #tpu.memory_space<hbm>> -> memref<128x64xf32, #tpu.memory_space<hbm>>
      %dma_start3A_1554 = arith.constant 0 : i32
      %dma_start3A_1555 = arith.constant 0 : i32
      %dma_start3A_1556 = tpu.memref_slice %arg6[%dma_start3A_1546, %dma_start3A_1547, %dma_start3A_1554, %dma_start3A_1555] : memref<2x4x128x64xf32, #tpu.memory_space<vmem>> -> memref<1x1x128x64xf32, #tpu.memory_space<vmem>>
      %dma_start3A_1557 = tpu.memref_squeeze %dma_start3A_1556 : memref<1x1x128x64xf32, #tpu.memory_space<vmem>> -> memref<128x64xf32, #tpu.memory_space<vmem>>
      tpu.enqueue_dma source(%dma_start3A_1557 : memref<128x64xf32, #tpu.memory_space<vmem>>) target(%dma_start3A_1553 : memref<128x64xf32, #tpu.memory_space<hbm>>) target_semaphore(%arg9 : memref<!tpu.dma_semaphore, #tpu.memory_space<semaphore_mem>>)
      %add3A_1558 = arith.addi %mul3A_2, %mul3A_1346 : i32
      %add3A_1559 = arith.constant 1 : i32
      %add3A_1560 = arith.addi %add3A_1558, %add3A_1559 : i32
      %jit3A_1561 = arith.constant 32 : i32
      %div3A_1562 = arith.divsi %add3A_1560, %jit3A_1561 : i32
      %sign3A_1563 = arith.constant 0 : i32
      %sign3A_1564 = arith.cmpi sgt, %add3A_1560, %sign3A_1563 : i32
      %sign3A_1565 = arith.extui %sign3A_1564 : i1 to i32
      %sign3A_1566 = arith.constant 0 : i32
      %sign3A_1567 = arith.cmpi slt, %add3A_1560, %sign3A_1566 : i32
      %sign3A_1568 = arith.extui %sign3A_1567 : i1 to i32
      %sign3A_1569 = arith.subi %sign3A_1565, %sign3A_1568 : i32
      %sign3A_1570 = arith.constant 0 : i32
      %sign3A_1571 = arith.cmpi sgt, %jit3A_1561, %sign3A_1570 : i32
      %sign3A_1572 = arith.extui %sign3A_1571 : i1 to i32
      %sign3A_1573 = arith.constant 0 : i32
      %sign3A_1574 = arith.cmpi slt, %jit3A_1561, %sign3A_1573 : i32
      %sign3A_1575 = arith.extui %sign3A_1574 : i1 to i32
      %sign3A_1576 = arith.subi %sign3A_1572, %sign3A_1575 : i32
      %ne3A_1577 = arith.cmpi ne, %sign3A_1569, %sign3A_1576 : i32
      %rem3A_1578 = arith.remsi %add3A_1560, %jit3A_1561 : i32
      %ne3A_1579 = arith.constant 0 : i32
      %ne3A_1580 = arith.cmpi ne, %rem3A_1578, %ne3A_1579 : i32
      %and3A_1581 = arith.andi %ne3A_1577, %ne3A_1580 : i1
      %sub3A_1582 = arith.constant 1 : i32
      %sub3A_1583 = arith.subi %div3A_1562, %sub3A_1582 : i32
      %select_n3A_1584 = arith.select %and3A_1581, %sub3A_1583, %div3A_1562 : i32
      %jit3A_1585 = arith.constant 32 : i32
      %eq3A_1586 = arith.constant 0 : i32
      %eq3A_1587 = arith.cmpi eq, %jit3A_1585, %eq3A_1586 : i32
      %jit3A_1588 = arith.constant 1 : i32
      %select_n3A_1589 = arith.select %eq3A_1587, %jit3A_1588, %jit3A_1585 : i32
      %rem3A_1590 = arith.remsi %add3A_1560, %select_n3A_1589 : i32
      %ne3A_1591 = arith.constant 0 : i32
      %ne3A_1592 = arith.cmpi ne, %rem3A_1590, %ne3A_1591 : i32
      %lt3A_1593 = arith.constant 0 : i32
      %lt3A_1594 = arith.cmpi slt, %rem3A_1590, %lt3A_1593 : i32
      %lt3A_1595 = arith.constant 0 : i32
      %lt3A_1596 = arith.cmpi slt, %select_n3A_1589, %lt3A_1595 : i32
      %ne3A_1597 = arith.xori %lt3A_1594, %lt3A_1596 : i1
      %and3A_1598 = arith.andi %ne3A_1597, %ne3A_1592 : i1
      %add3A_1599 = arith.addi %rem3A_1590, %select_n3A_1589 : i32
      %select_n3A_1600 = arith.select %and3A_1598, %add3A_1599, %rem3A_1590 : i32
      %jit3A_1601 = arith.constant 16 : i32
      %div3A_1602 = arith.divsi %select_n3A_1600, %jit3A_1601 : i32
      %sign3A_1603 = arith.constant 0 : i32
      %sign3A_1604 = arith.cmpi sgt, %select_n3A_1600, %sign3A_1603 : i32
      %sign3A_1605 = arith.extui %sign3A_1604 : i1 to i32
      %sign3A_1606 = arith.constant 0 : i32
      %sign3A_1607 = arith.cmpi slt, %select_n3A_1600, %sign3A_1606 : i32
      %sign3A_1608 = arith.extui %sign3A_1607 : i1 to i32
      %sign3A_1609 = arith.subi %sign3A_1605, %sign3A_1608 : i32
      %sign3A_1610 = arith.constant 0 : i32
      %sign3A_1611 = arith.cmpi sgt, %jit3A_1601, %sign3A_1610 : i32
      %sign3A_1612 = arith.extui %sign3A_1611 : i1 to i32
      %sign3A_1613 = arith.constant 0 : i32
      %sign3A_1614 = arith.cmpi slt, %jit3A_1601, %sign3A_1613 : i32
      %sign3A_1615 = arith.extui %sign3A_1614 : i1 to i32
      %sign3A_1616 = arith.subi %sign3A_1612, %sign3A_1615 : i32
      %ne3A_1617 = arith.cmpi ne, %sign3A_1609, %sign3A_1616 : i32
      %rem3A_1618 = arith.remsi %select_n3A_1600, %jit3A_1601 : i32
      %ne3A_1619 = arith.constant 0 : i32
      %ne3A_1620 = arith.cmpi ne, %rem3A_1618, %ne3A_1619 : i32
      %and3A_1621 = arith.andi %ne3A_1617, %ne3A_1620 : i1
      %sub3A_1622 = arith.constant 1 : i32
      %sub3A_1623 = arith.subi %div3A_1602, %sub3A_1622 : i32
      %select_n3A_1624 = arith.select %and3A_1621, %sub3A_1623, %div3A_1602 : i32
      %mul3A_1625 = arith.constant 2048 : i32
      %mul3A_1626 = arith.muli %select_n3A_1584, %mul3A_1625 : i32
      %jit3A_1627 = arith.constant 16 : i32
      %eq3A_1628 = arith.constant 0 : i32
      %eq3A_1629 = arith.cmpi eq, %jit3A_1627, %eq3A_1628 : i32
      %jit3A_1630 = arith.constant 1 : i32
      %select_n3A_1631 = arith.select %eq3A_1629, %jit3A_1630, %jit3A_1627 : i32
      %rem3A_1632 = arith.remsi %select_n3A_1600, %select_n3A_1631 : i32
      %ne3A_1633 = arith.constant 0 : i32
      %ne3A_1634 = arith.cmpi ne, %rem3A_1632, %ne3A_1633 : i32
      %lt3A_1635 = arith.constant 0 : i32
      %lt3A_1636 = arith.cmpi slt, %rem3A_1632, %lt3A_1635 : i32
      %lt3A_1637 = arith.constant 0 : i32
      %lt3A_1638 = arith.cmpi slt, %select_n3A_1631, %lt3A_1637 : i32
      %ne3A_1639 = arith.xori %lt3A_1636, %lt3A_1638 : i1
      %and3A_1640 = arith.andi %ne3A_1639, %ne3A_1634 : i1
      %add3A_1641 = arith.addi %rem3A_1632, %select_n3A_1631 : i32
      %select_n3A_1642 = arith.select %and3A_1640, %add3A_1641, %rem3A_1632 : i32
      %mul3A_1643 = arith.constant 128 : i32
      %mul3A_1644 = arith.muli %select_n3A_1642, %mul3A_1643 : i32
      %add3A_1645 = arith.addi %mul3A_1626, %mul3A_1644 : i32
      %mul3A_1646 = arith.constant 64 : i32
      %mul3A_1647 = arith.muli %select_n3A_1624, %mul3A_1646 : i32
      %dma_start3A_1648 = arith.constant 1 : i32
      %dma_start3A_1649 = arith.constant 1 : i32
      %dma_start3A_1650 = arith.constant 0 : i32
      %dma_start3A_1651 = arith.constant 0 : i32
      %dma_start3A_1652 = tpu.memref_slice %arg6[%dma_start3A_1648, %dma_start3A_1649, %dma_start3A_1650, %dma_start3A_1651] : memref<2x4x128x64xf32, #tpu.memory_space<vmem>> -> memref<1x1x128x64xf32, #tpu.memory_space<vmem>>
      %dma_start3A_1653 = tpu.memref_squeeze %dma_start3A_1652 : memref<1x1x128x64xf32, #tpu.memory_space<vmem>> -> memref<128x64xf32, #tpu.memory_space<vmem>>
      %dma_start3A_1654 = tpu.memref_slice %arg4[%add3A_1645, %mul3A_1647] : memref<409600x128xf32, #tpu.memory_space<hbm>> -> memref<128x64xf32, #tpu.memory_space<hbm>>
      %dma_start3A_1655 = tpu.memref_slice %arg4[%add3A_1645, %mul3A_1647] : memref<409600x128xf32, #tpu.memory_space<hbm>> -> memref<128x64xf32, #tpu.memory_space<hbm>>
      %dma_start3A_1656 = arith.constant 0 : i32
      %dma_start3A_1657 = arith.constant 0 : i32
      %dma_start3A_1658 = tpu.memref_slice %arg6[%dma_start3A_1648, %dma_start3A_1649, %dma_start3A_1656, %dma_start3A_1657] : memref<2x4x128x64xf32, #tpu.memory_space<vmem>> -> memref<1x1x128x64xf32, #tpu.memory_space<vmem>>
      %dma_start3A_1659 = tpu.memref_squeeze %dma_start3A_1658 : memref<1x1x128x64xf32, #tpu.memory_space<vmem>> -> memref<128x64xf32, #tpu.memory_space<vmem>>
      tpu.enqueue_dma source(%dma_start3A_1659 : memref<128x64xf32, #tpu.memory_space<vmem>>) target(%dma_start3A_1655 : memref<128x64xf32, #tpu.memory_space<hbm>>) target_semaphore(%arg9 : memref<!tpu.dma_semaphore, #tpu.memory_space<semaphore_mem>>)
      %add3A_1660 = arith.addi %mul3A_2, %mul3A_1346 : i32
      %add3A_1661 = arith.constant 2 : i32
      %add3A_1662 = arith.addi %add3A_1660, %add3A_1661 : i32
      %jit3A_1663 = arith.constant 32 : i32
      %div3A_1664 = arith.divsi %add3A_1662, %jit3A_1663 : i32
      %sign3A_1665 = arith.constant 0 : i32
      %sign3A_1666 = arith.cmpi sgt, %add3A_1662, %sign3A_1665 : i32
      %sign3A_1667 = arith.extui %sign3A_1666 : i1 to i32
      %sign3A_1668 = arith.constant 0 : i32
      %sign3A_1669 = arith.cmpi slt, %add3A_1662, %sign3A_1668 : i32
      %sign3A_1670 = arith.extui %sign3A_1669 : i1 to i32
      %sign3A_1671 = arith.subi %sign3A_1667, %sign3A_1670 : i32
      %sign3A_1672 = arith.constant 0 : i32
      %sign3A_1673 = arith.cmpi sgt, %jit3A_1663, %sign3A_1672 : i32
      %sign3A_1674 = arith.extui %sign3A_1673 : i1 to i32
      %sign3A_1675 = arith.constant 0 : i32
      %sign3A_1676 = arith.cmpi slt, %jit3A_1663, %sign3A_1675 : i32
      %sign3A_1677 = arith.extui %sign3A_1676 : i1 to i32
      %sign3A_1678 = arith.subi %sign3A_1674, %sign3A_1677 : i32
      %ne3A_1679 = arith.cmpi ne, %sign3A_1671, %sign3A_1678 : i32
      %rem3A_1680 = arith.remsi %add3A_1662, %jit3A_1663 : i32
      %ne3A_1681 = arith.constant 0 : i32
      %ne3A_1682 = arith.cmpi ne, %rem3A_1680, %ne3A_1681 : i32
      %and3A_1683 = arith.andi %ne3A_1679, %ne3A_1682 : i1
      %sub3A_1684 = arith.constant 1 : i32
      %sub3A_1685 = arith.subi %div3A_1664, %sub3A_1684 : i32
      %select_n3A_1686 = arith.select %and3A_1683, %sub3A_1685, %div3A_1664 : i32
      %jit3A_1687 = arith.constant 32 : i32
      %eq3A_1688 = arith.constant 0 : i32
      %eq3A_1689 = arith.cmpi eq, %jit3A_1687, %eq3A_1688 : i32
      %jit3A_1690 = arith.constant 1 : i32
      %select_n3A_1691 = arith.select %eq3A_1689, %jit3A_1690, %jit3A_1687 : i32
      %rem3A_1692 = arith.remsi %add3A_1662, %select_n3A_1691 : i32
      %ne3A_1693 = arith.constant 0 : i32
      %ne3A_1694 = arith.cmpi ne, %rem3A_1692, %ne3A_1693 : i32
      %lt3A_1695 = arith.constant 0 : i32
      %lt3A_1696 = arith.cmpi slt, %rem3A_1692, %lt3A_1695 : i32
      %lt3A_1697 = arith.constant 0 : i32
      %lt3A_1698 = arith.cmpi slt, %select_n3A_1691, %lt3A_1697 : i32
      %ne3A_1699 = arith.xori %lt3A_1696, %lt3A_1698 : i1
      %and3A_1700 = arith.andi %ne3A_1699, %ne3A_1694 : i1
      %add3A_1701 = arith.addi %rem3A_1692, %select_n3A_1691 : i32
      %select_n3A_1702 = arith.select %and3A_1700, %add3A_1701, %rem3A_1692 : i32
      %jit3A_1703 = arith.constant 16 : i32
      %div3A_1704 = arith.divsi %select_n3A_1702, %jit3A_1703 : i32
      %sign3A_1705 = arith.constant 0 : i32
      %sign3A_1706 = arith.cmpi sgt, %select_n3A_1702, %sign3A_1705 : i32
      %sign3A_1707 = arith.extui %sign3A_1706 : i1 to i32
      %sign3A_1708 = arith.constant 0 : i32
      %sign3A_1709 = arith.cmpi slt, %select_n3A_1702, %sign3A_1708 : i32
      %sign3A_1710 = arith.extui %sign3A_1709 : i1 to i32
      %sign3A_1711 = arith.subi %sign3A_1707, %sign3A_1710 : i32
      %sign3A_1712 = arith.constant 0 : i32
      %sign3A_1713 = arith.cmpi sgt, %jit3A_1703, %sign3A_1712 : i32
      %sign3A_1714 = arith.extui %sign3A_1713 : i1 to i32
      %sign3A_1715 = arith.constant 0 : i32
      %sign3A_1716 = arith.cmpi slt, %jit3A_1703, %sign3A_1715 : i32
      %sign3A_1717 = arith.extui %sign3A_1716 : i1 to i32
      %sign3A_1718 = arith.subi %sign3A_1714, %sign3A_1717 : i32
      %ne3A_1719 = arith.cmpi ne, %sign3A_1711, %sign3A_1718 : i32
      %rem3A_1720 = arith.remsi %select_n3A_1702, %jit3A_1703 : i32
      %ne3A_1721 = arith.constant 0 : i32
      %ne3A_1722 = arith.cmpi ne, %rem3A_1720, %ne3A_1721 : i32
      %and3A_1723 = arith.andi %ne3A_1719, %ne3A_1722 : i1
      %sub3A_1724 = arith.constant 1 : i32
      %sub3A_1725 = arith.subi %div3A_1704, %sub3A_1724 : i32
      %select_n3A_1726 = arith.select %and3A_1723, %sub3A_1725, %div3A_1704 : i32
      %mul3A_1727 = arith.constant 2048 : i32
      %mul3A_1728 = arith.muli %select_n3A_1686, %mul3A_1727 : i32
      %jit3A_1729 = arith.constant 16 : i32
      %eq3A_1730 = arith.constant 0 : i32
      %eq3A_1731 = arith.cmpi eq, %jit3A_1729, %eq3A_1730 : i32
      %jit3A_1732 = arith.constant 1 : i32
      %select_n3A_1733 = arith.select %eq3A_1731, %jit3A_1732, %jit3A_1729 : i32
      %rem3A_1734 = arith.remsi %select_n3A_1702, %select_n3A_1733 : i32
      %ne3A_1735 = arith.constant 0 : i32
      %ne3A_1736 = arith.cmpi ne, %rem3A_1734, %ne3A_1735 : i32
      %lt3A_1737 = arith.constant 0 : i32
      %lt3A_1738 = arith.cmpi slt, %rem3A_1734, %lt3A_1737 : i32
      %lt3A_1739 = arith.constant 0 : i32
      %lt3A_1740 = arith.cmpi slt, %select_n3A_1733, %lt3A_1739 : i32
      %ne3A_1741 = arith.xori %lt3A_1738, %lt3A_1740 : i1
      %and3A_1742 = arith.andi %ne3A_1741, %ne3A_1736 : i1
      %add3A_1743 = arith.addi %rem3A_1734, %select_n3A_1733 : i32
      %select_n3A_1744 = arith.select %and3A_1742, %add3A_1743, %rem3A_1734 : i32
      %mul3A_1745 = arith.constant 128 : i32
      %mul3A_1746 = arith.muli %select_n3A_1744, %mul3A_1745 : i32
      %add3A_1747 = arith.addi %mul3A_1728, %mul3A_1746 : i32
      %mul3A_1748 = arith.constant 64 : i32
      %mul3A_1749 = arith.muli %select_n3A_1726, %mul3A_1748 : i32
      %dma_start3A_1750 = arith.constant 1 : i32
      %dma_start3A_1751 = arith.constant 2 : i32
      %dma_start3A_1752 = arith.constant 0 : i32
      %dma_start3A_1753 = arith.constant 0 : i32
      %dma_start3A_1754 = tpu.memref_slice %arg6[%dma_start3A_1750, %dma_start3A_1751, %dma_start3A_1752, %dma_start3A_1753] : memref<2x4x128x64xf32, #tpu.memory_space<vmem>> -> memref<1x1x128x64xf32, #tpu.memory_space<vmem>>
      %dma_start3A_1755 = tpu.memref_squeeze %dma_start3A_1754 : memref<1x1x128x64xf32, #tpu.memory_space<vmem>> -> memref<128x64xf32, #tpu.memory_space<vmem>>
      %dma_start3A_1756 = tpu.memref_slice %arg4[%add3A_1747, %mul3A_1749] : memref<409600x128xf32, #tpu.memory_space<hbm>> -> memref<128x64xf32, #tpu.memory_space<hbm>>
      %dma_start3A_1757 = tpu.memref_slice %arg4[%add3A_1747, %mul3A_1749] : memref<409600x128xf32, #tpu.memory_space<hbm>> -> memref<128x64xf32, #tpu.memory_space<hbm>>
      %dma_start3A_1758 = arith.constant 0 : i32
      %dma_start3A_1759 = arith.constant 0 : i32
      %dma_start3A_1760 = tpu.memref_slice %arg6[%dma_start3A_1750, %dma_start3A_1751, %dma_start3A_1758, %dma_start3A_1759] : memref<2x4x128x64xf32, #tpu.memory_space<vmem>> -> memref<1x1x128x64xf32, #tpu.memory_space<vmem>>
      %dma_start3A_1761 = tpu.memref_squeeze %dma_start3A_1760 : memref<1x1x128x64xf32, #tpu.memory_space<vmem>> -> memref<128x64xf32, #tpu.memory_space<vmem>>
      tpu.enqueue_dma source(%dma_start3A_1761 : memref<128x64xf32, #tpu.memory_space<vmem>>) target(%dma_start3A_1757 : memref<128x64xf32, #tpu.memory_space<hbm>>) target_semaphore(%arg9 : memref<!tpu.dma_semaphore, #tpu.memory_space<semaphore_mem>>)
      %add3A_1762 = arith.addi %mul3A_2, %mul3A_1346 : i32
      %add3A_1763 = arith.constant 3 : i32
      %add3A_1764 = arith.addi %add3A_1762, %add3A_1763 : i32
      %jit3A_1765 = arith.constant 32 : i32
      %div3A_1766 = arith.divsi %add3A_1764, %jit3A_1765 : i32
      %sign3A_1767 = arith.constant 0 : i32
      %sign3A_1768 = arith.cmpi sgt, %add3A_1764, %sign3A_1767 : i32
      %sign3A_1769 = arith.extui %sign3A_1768 : i1 to i32
      %sign3A_1770 = arith.constant 0 : i32
      %sign3A_1771 = arith.cmpi slt, %add3A_1764, %sign3A_1770 : i32
      %sign3A_1772 = arith.extui %sign3A_1771 : i1 to i32
      %sign3A_1773 = arith.subi %sign3A_1769, %sign3A_1772 : i32
      %sign3A_1774 = arith.constant 0 : i32
      %sign3A_1775 = arith.cmpi sgt, %jit3A_1765, %sign3A_1774 : i32
      %sign3A_1776 = arith.extui %sign3A_1775 : i1 to i32
      %sign3A_1777 = arith.constant 0 : i32
      %sign3A_1778 = arith.cmpi slt, %jit3A_1765, %sign3A_1777 : i32
      %sign3A_1779 = arith.extui %sign3A_1778 : i1 to i32
      %sign3A_1780 = arith.subi %sign3A_1776, %sign3A_1779 : i32
      %ne3A_1781 = arith.cmpi ne, %sign3A_1773, %sign3A_1780 : i32
      %rem3A_1782 = arith.remsi %add3A_1764, %jit3A_1765 : i32
      %ne3A_1783 = arith.constant 0 : i32
      %ne3A_1784 = arith.cmpi ne, %rem3A_1782, %ne3A_1783 : i32
      %and3A_1785 = arith.andi %ne3A_1781, %ne3A_1784 : i1
      %sub3A_1786 = arith.constant 1 : i32
      %sub3A_1787 = arith.subi %div3A_1766, %sub3A_1786 : i32
      %select_n3A_1788 = arith.select %and3A_1785, %sub3A_1787, %div3A_1766 : i32
      %jit3A_1789 = arith.constant 32 : i32
      %eq3A_1790 = arith.constant 0 : i32
      %eq3A_1791 = arith.cmpi eq, %jit3A_1789, %eq3A_1790 : i32
      %jit3A_1792 = arith.constant 1 : i32
      %select_n3A_1793 = arith.select %eq3A_1791, %jit3A_1792, %jit3A_1789 : i32
      %rem3A_1794 = arith.remsi %add3A_1764, %select_n3A_1793 : i32
      %ne3A_1795 = arith.constant 0 : i32
      %ne3A_1796 = arith.cmpi ne, %rem3A_1794, %ne3A_1795 : i32
      %lt3A_1797 = arith.constant 0 : i32
      %lt3A_1798 = arith.cmpi slt, %rem3A_1794, %lt3A_1797 : i32
      %lt3A_1799 = arith.constant 0 : i32
      %lt3A_1800 = arith.cmpi slt, %select_n3A_1793, %lt3A_1799 : i32
      %ne3A_1801 = arith.xori %lt3A_1798, %lt3A_1800 : i1
      %and3A_1802 = arith.andi %ne3A_1801, %ne3A_1796 : i1
      %add3A_1803 = arith.addi %rem3A_1794, %select_n3A_1793 : i32
      %select_n3A_1804 = arith.select %and3A_1802, %add3A_1803, %rem3A_1794 : i32
      %jit3A_1805 = arith.constant 16 : i32
      %div3A_1806 = arith.divsi %select_n3A_1804, %jit3A_1805 : i32
      %sign3A_1807 = arith.constant 0 : i32
      %sign3A_1808 = arith.cmpi sgt, %select_n3A_1804, %sign3A_1807 : i32
      %sign3A_1809 = arith.extui %sign3A_1808 : i1 to i32
      %sign3A_1810 = arith.constant 0 : i32
      %sign3A_1811 = arith.cmpi slt, %select_n3A_1804, %sign3A_1810 : i32
      %sign3A_1812 = arith.extui %sign3A_1811 : i1 to i32
      %sign3A_1813 = arith.subi %sign3A_1809, %sign3A_1812 : i32
      %sign3A_1814 = arith.constant 0 : i32
      %sign3A_1815 = arith.cmpi sgt, %jit3A_1805, %sign3A_1814 : i32
      %sign3A_1816 = arith.extui %sign3A_1815 : i1 to i32
      %sign3A_1817 = arith.constant 0 : i32
      %sign3A_1818 = arith.cmpi slt, %jit3A_1805, %sign3A_1817 : i32
      %sign3A_1819 = arith.extui %sign3A_1818 : i1 to i32
      %sign3A_1820 = arith.subi %sign3A_1816, %sign3A_1819 : i32
      %ne3A_1821 = arith.cmpi ne, %sign3A_1813, %sign3A_1820 : i32
      %rem3A_1822 = arith.remsi %select_n3A_1804, %jit3A_1805 : i32
      %ne3A_1823 = arith.constant 0 : i32
      %ne3A_1824 = arith.cmpi ne, %rem3A_1822, %ne3A_1823 : i32
      %and3A_1825 = arith.andi %ne3A_1821, %ne3A_1824 : i1
      %sub3A_1826 = arith.constant 1 : i32
      %sub3A_1827 = arith.subi %div3A_1806, %sub3A_1826 : i32
      %select_n3A_1828 = arith.select %and3A_1825, %sub3A_1827, %div3A_1806 : i32
      %mul3A_1829 = arith.constant 2048 : i32
      %mul3A_1830 = arith.muli %select_n3A_1788, %mul3A_1829 : i32
      %jit3A_1831 = arith.constant 16 : i32
      %eq3A_1832 = arith.constant 0 : i32
      %eq3A_1833 = arith.cmpi eq, %jit3A_1831, %eq3A_1832 : i32
      %jit3A_1834 = arith.constant 1 : i32
      %select_n3A_1835 = arith.select %eq3A_1833, %jit3A_1834, %jit3A_1831 : i32
      %rem3A_1836 = arith.remsi %select_n3A_1804, %select_n3A_1835 : i32
      %ne3A_1837 = arith.constant 0 : i32
      %ne3A_1838 = arith.cmpi ne, %rem3A_1836, %ne3A_1837 : i32
      %lt3A_1839 = arith.constant 0 : i32
      %lt3A_1840 = arith.cmpi slt, %rem3A_1836, %lt3A_1839 : i32
      %lt3A_1841 = arith.constant 0 : i32
      %lt3A_1842 = arith.cmpi slt, %select_n3A_1835, %lt3A_1841 : i32
      %ne3A_1843 = arith.xori %lt3A_1840, %lt3A_1842 : i1
      %and3A_1844 = arith.andi %ne3A_1843, %ne3A_1838 : i1
      %add3A_1845 = arith.addi %rem3A_1836, %select_n3A_1835 : i32
      %select_n3A_1846 = arith.select %and3A_1844, %add3A_1845, %rem3A_1836 : i32
      %mul3A_1847 = arith.constant 128 : i32
      %mul3A_1848 = arith.muli %select_n3A_1846, %mul3A_1847 : i32
      %add3A_1849 = arith.addi %mul3A_1830, %mul3A_1848 : i32
      %mul3A_1850 = arith.constant 64 : i32
      %mul3A_1851 = arith.muli %select_n3A_1828, %mul3A_1850 : i32
      %dma_start3A_1852 = arith.constant 1 : i32
      %dma_start3A_1853 = arith.constant 3 : i32
      %dma_start3A_1854 = arith.constant 0 : i32
      %dma_start3A_1855 = arith.constant 0 : i32
      %dma_start3A_1856 = tpu.memref_slice %arg6[%dma_start3A_1852, %dma_start3A_1853, %dma_start3A_1854, %dma_start3A_1855] : memref<2x4x128x64xf32, #tpu.memory_space<vmem>> -> memref<1x1x128x64xf32, #tpu.memory_space<vmem>>
      %dma_start3A_1857 = tpu.memref_squeeze %dma_start3A_1856 : memref<1x1x128x64xf32, #tpu.memory_space<vmem>> -> memref<128x64xf32, #tpu.memory_space<vmem>>
      %dma_start3A_1858 = tpu.memref_slice %arg4[%add3A_1849, %mul3A_1851] : memref<409600x128xf32, #tpu.memory_space<hbm>> -> memref<128x64xf32, #tpu.memory_space<hbm>>
      %dma_start3A_1859 = tpu.memref_slice %arg4[%add3A_1849, %mul3A_1851] : memref<409600x128xf32, #tpu.memory_space<hbm>> -> memref<128x64xf32, #tpu.memory_space<hbm>>
      %dma_start3A_1860 = arith.constant 0 : i32
      %dma_start3A_1861 = arith.constant 0 : i32
      %dma_start3A_1862 = tpu.memref_slice %arg6[%dma_start3A_1852, %dma_start3A_1853, %dma_start3A_1860, %dma_start3A_1861] : memref<2x4x128x64xf32, #tpu.memory_space<vmem>> -> memref<1x1x128x64xf32, #tpu.memory_space<vmem>>
      %dma_start3A_1863 = tpu.memref_squeeze %dma_start3A_1862 : memref<1x1x128x64xf32, #tpu.memory_space<vmem>> -> memref<128x64xf32, #tpu.memory_space<vmem>>
      tpu.enqueue_dma source(%dma_start3A_1863 : memref<128x64xf32, #tpu.memory_space<vmem>>) target(%dma_start3A_1859 : memref<128x64xf32, #tpu.memory_space<hbm>>) target_semaphore(%arg9 : memref<!tpu.dma_semaphore, #tpu.memory_space<semaphore_mem>>)
    }
    %scan3A_7 = arith.constant 25 : i32
    %add3A_8 = arith.constant 192 : i32
    %add3A_9 = arith.addi %mul3A_2, %add3A_8 : i32
    %add3A_10 = arith.constant 0 : i32
    %add3A_11 = arith.addi %add3A_9, %add3A_10 : i32
    %jit3A = arith.constant 32 : i32
    %div3A = arith.divsi %add3A_11, %jit3A : i32
    %sign3A = arith.constant 0 : i32
    %sign3A_12 = arith.cmpi sgt, %add3A_11, %sign3A : i32
    %sign3A_13 = arith.extui %sign3A_12 : i1 to i32
    %sign3A_14 = arith.constant 0 : i32
    %sign3A_15 = arith.cmpi slt, %add3A_11, %sign3A_14 : i32
    %sign3A_16 = arith.extui %sign3A_15 : i1 to i32
    %sign3A_17 = arith.subi %sign3A_13, %sign3A_16 : i32
    %sign3A_18 = arith.constant 0 : i32
    %sign3A_19 = arith.cmpi sgt, %jit3A, %sign3A_18 : i32
    %sign3A_20 = arith.extui %sign3A_19 : i1 to i32
    %sign3A_21 = arith.constant 0 : i32
    %sign3A_22 = arith.cmpi slt, %jit3A, %sign3A_21 : i32
    %sign3A_23 = arith.extui %sign3A_22 : i1 to i32
    %sign3A_24 = arith.subi %sign3A_20, %sign3A_23 : i32
    %ne3A = arith.cmpi ne, %sign3A_17, %sign3A_24 : i32
    %rem3A = arith.remsi %add3A_11, %jit3A : i32
    %ne3A_25 = arith.constant 0 : i32
    %ne3A_26 = arith.cmpi ne, %rem3A, %ne3A_25 : i32
    %and3A = arith.andi %ne3A, %ne3A_26 : i1
    %sub3A = arith.constant 1 : i32
    %sub3A_27 = arith.subi %div3A, %sub3A : i32
    %select_n3A = arith.select %and3A, %sub3A_27, %div3A : i32
    %jit3A_28 = arith.constant 32 : i32
    %eq3A = arith.constant 0 : i32
    %eq3A_29 = arith.cmpi eq, %jit3A_28, %eq3A : i32
    %jit3A_30 = arith.constant 1 : i32
    %select_n3A_31 = arith.select %eq3A_29, %jit3A_30, %jit3A_28 : i32
    %rem3A_32 = arith.remsi %add3A_11, %select_n3A_31 : i32
    %ne3A_33 = arith.constant 0 : i32
    %ne3A_34 = arith.cmpi ne, %rem3A_32, %ne3A_33 : i32
    %lt3A = arith.constant 0 : i32
    %lt3A_35 = arith.cmpi slt, %rem3A_32, %lt3A : i32
    %lt3A_36 = arith.constant 0 : i32
    %lt3A_37 = arith.cmpi slt, %select_n3A_31, %lt3A_36 : i32
    %ne3A_38 = arith.xori %lt3A_35, %lt3A_37 : i1
    %and3A_39 = arith.andi %ne3A_38, %ne3A_34 : i1
    %add3A_40 = arith.addi %rem3A_32, %select_n3A_31 : i32
    %select_n3A_41 = arith.select %and3A_39, %add3A_40, %rem3A_32 : i32
    %jit3A_42 = arith.constant 16 : i32
    %div3A_43 = arith.divsi %select_n3A_41, %jit3A_42 : i32
    %sign3A_44 = arith.constant 0 : i32
    %sign3A_45 = arith.cmpi sgt, %select_n3A_41, %sign3A_44 : i32
    %sign3A_46 = arith.extui %sign3A_45 : i1 to i32
    %sign3A_47 = arith.constant 0 : i32
    %sign3A_48 = arith.cmpi slt, %select_n3A_41, %sign3A_47 : i32
    %sign3A_49 = arith.extui %sign3A_48 : i1 to i32
    %sign3A_50 = arith.subi %sign3A_46, %sign3A_49 : i32
    %sign3A_51 = arith.constant 0 : i32
    %sign3A_52 = arith.cmpi sgt, %jit3A_42, %sign3A_51 : i32
    %sign3A_53 = arith.extui %sign3A_52 : i1 to i32
    %sign3A_54 = arith.constant 0 : i32
    %sign3A_55 = arith.cmpi slt, %jit3A_42, %sign3A_54 : i32
    %sign3A_56 = arith.extui %sign3A_55 : i1 to i32
    %sign3A_57 = arith.subi %sign3A_53, %sign3A_56 : i32
    %ne3A_58 = arith.cmpi ne, %sign3A_50, %sign3A_57 : i32
    %rem3A_59 = arith.remsi %select_n3A_41, %jit3A_42 : i32
    %ne3A_60 = arith.constant 0 : i32
    %ne3A_61 = arith.cmpi ne, %rem3A_59, %ne3A_60 : i32
    %and3A_62 = arith.andi %ne3A_58, %ne3A_61 : i1
    %sub3A_63 = arith.constant 1 : i32
    %sub3A_64 = arith.subi %div3A_43, %sub3A_63 : i32
    %select_n3A_65 = arith.select %and3A_62, %sub3A_64, %div3A_43 : i32
    %mul3A_66 = arith.constant 2048 : i32
    %mul3A_67 = arith.muli %select_n3A, %mul3A_66 : i32
    %jit3A_68 = arith.constant 16 : i32
    %eq3A_69 = arith.constant 0 : i32
    %eq3A_70 = arith.cmpi eq, %jit3A_68, %eq3A_69 : i32
    %jit3A_71 = arith.constant 1 : i32
    %select_n3A_72 = arith.select %eq3A_70, %jit3A_71, %jit3A_68 : i32
    %rem3A_73 = arith.remsi %select_n3A_41, %select_n3A_72 : i32
    %ne3A_74 = arith.constant 0 : i32
    %ne3A_75 = arith.cmpi ne, %rem3A_73, %ne3A_74 : i32
    %lt3A_76 = arith.constant 0 : i32
    %lt3A_77 = arith.cmpi slt, %rem3A_73, %lt3A_76 : i32
    %lt3A_78 = arith.constant 0 : i32
    %lt3A_79 = arith.cmpi slt, %select_n3A_72, %lt3A_78 : i32
    %ne3A_80 = arith.xori %lt3A_77, %lt3A_79 : i1
    %and3A_81 = arith.andi %ne3A_80, %ne3A_75 : i1
    %add3A_82 = arith.addi %rem3A_73, %select_n3A_72 : i32
    %select_n3A_83 = arith.select %and3A_81, %add3A_82, %rem3A_73 : i32
    %mul3A_84 = arith.constant 128 : i32
    %mul3A_85 = arith.muli %select_n3A_83, %mul3A_84 : i32
    %add3A_86 = arith.addi %mul3A_67, %mul3A_85 : i32
    %mul3A_87 = arith.constant 64 : i32
    %mul3A_88 = arith.muli %select_n3A_65, %mul3A_87 : i32
    %dma_wait3A = arith.constant 0 : i32
    %dma_wait3A_89 = arith.constant 0 : i32
    %dma_wait3A_90 = arith.constant 0 : i32
    %dma_wait3A_91 = arith.constant 0 : i32
    %dma_wait3A_92 = tpu.memref_slice %arg6[%dma_wait3A, %dma_wait3A_89, %dma_wait3A_90, %dma_wait3A_91] : memref<2x4x128x64xf32, #tpu.memory_space<vmem>> -> memref<1x1x128x64xf32, #tpu.memory_space<vmem>>
    %dma_wait3A_93 = tpu.memref_squeeze %dma_wait3A_92 : memref<1x1x128x64xf32, #tpu.memory_space<vmem>> -> memref<128x64xf32, #tpu.memory_space<vmem>>
    %dma_wait3A_94 = tpu.memref_slice %arg4[%add3A_86, %mul3A_88] : memref<409600x128xf32, #tpu.memory_space<hbm>> -> memref<128x64xf32, #tpu.memory_space<hbm>>
    %dma_wait3A_95 = tpu.memref_slice %arg4[%add3A_86, %mul3A_88] : memref<409600x128xf32, #tpu.memory_space<hbm>> -> memref<128x64xf32, #tpu.memory_space<hbm>>
    %dma_wait3A_96 = arith.constant 0 : i32
    %dma_wait3A_97 = arith.constant 0 : i32
    %dma_wait3A_98 = tpu.memref_slice %arg6[%dma_wait3A, %dma_wait3A_89, %dma_wait3A_96, %dma_wait3A_97] : memref<2x4x128x64xf32, #tpu.memory_space<vmem>> -> memref<1x1x128x64xf32, #tpu.memory_space<vmem>>
    %dma_wait3A_99 = tpu.memref_squeeze %dma_wait3A_98 : memref<1x1x128x64xf32, #tpu.memory_space<vmem>> -> memref<128x64xf32, #tpu.memory_space<vmem>>
    tpu.wait_dma2 semaphore(%arg8 : memref<!tpu.dma_semaphore, #tpu.memory_space<semaphore_mem>>) src(%dma_wait3A_99 : memref<128x64xf32, #tpu.memory_space<vmem>>) dst(%dma_wait3A_95 : memref<128x64xf32, #tpu.memory_space<hbm>>)
    %add3A_100 = arith.constant 192 : i32
    %add3A_101 = arith.addi %mul3A_2, %add3A_100 : i32
    %add3A_102 = arith.constant 1 : i32
    %add3A_103 = arith.addi %add3A_101, %add3A_102 : i32
    %jit3A_104 = arith.constant 32 : i32
    %div3A_105 = arith.divsi %add3A_103, %jit3A_104 : i32
    %sign3A_106 = arith.constant 0 : i32
    %sign3A_107 = arith.cmpi sgt, %add3A_103, %sign3A_106 : i32
    %sign3A_108 = arith.extui %sign3A_107 : i1 to i32
    %sign3A_109 = arith.constant 0 : i32
    %sign3A_110 = arith.cmpi slt, %add3A_103, %sign3A_109 : i32
    %sign3A_111 = arith.extui %sign3A_110 : i1 to i32
    %sign3A_112 = arith.subi %sign3A_108, %sign3A_111 : i32
    %sign3A_113 = arith.constant 0 : i32
    %sign3A_114 = arith.cmpi sgt, %jit3A_104, %sign3A_113 : i32
    %sign3A_115 = arith.extui %sign3A_114 : i1 to i32
    %sign3A_116 = arith.constant 0 : i32
    %sign3A_117 = arith.cmpi slt, %jit3A_104, %sign3A_116 : i32
    %sign3A_118 = arith.extui %sign3A_117 : i1 to i32
    %sign3A_119 = arith.subi %sign3A_115, %sign3A_118 : i32
    %ne3A_120 = arith.cmpi ne, %sign3A_112, %sign3A_119 : i32
    %rem3A_121 = arith.remsi %add3A_103, %jit3A_104 : i32
    %ne3A_122 = arith.constant 0 : i32
    %ne3A_123 = arith.cmpi ne, %rem3A_121, %ne3A_122 : i32
    %and3A_124 = arith.andi %ne3A_120, %ne3A_123 : i1
    %sub3A_125 = arith.constant 1 : i32
    %sub3A_126 = arith.subi %div3A_105, %sub3A_125 : i32
    %select_n3A_127 = arith.select %and3A_124, %sub3A_126, %div3A_105 : i32
    %jit3A_128 = arith.constant 32 : i32
    %eq3A_129 = arith.constant 0 : i32
    %eq3A_130 = arith.cmpi eq, %jit3A_128, %eq3A_129 : i32
    %jit3A_131 = arith.constant 1 : i32
    %select_n3A_132 = arith.select %eq3A_130, %jit3A_131, %jit3A_128 : i32
    %rem3A_133 = arith.remsi %add3A_103, %select_n3A_132 : i32
    %ne3A_134 = arith.constant 0 : i32
    %ne3A_135 = arith.cmpi ne, %rem3A_133, %ne3A_134 : i32
    %lt3A_136 = arith.constant 0 : i32
    %lt3A_137 = arith.cmpi slt, %rem3A_133, %lt3A_136 : i32
    %lt3A_138 = arith.constant 0 : i32
    %lt3A_139 = arith.cmpi slt, %select_n3A_132, %lt3A_138 : i32
    %ne3A_140 = arith.xori %lt3A_137, %lt3A_139 : i1
    %and3A_141 = arith.andi %ne3A_140, %ne3A_135 : i1
    %add3A_142 = arith.addi %rem3A_133, %select_n3A_132 : i32
    %select_n3A_143 = arith.select %and3A_141, %add3A_142, %rem3A_133 : i32
    %jit3A_144 = arith.constant 16 : i32
    %div3A_145 = arith.divsi %select_n3A_143, %jit3A_144 : i32
    %sign3A_146 = arith.constant 0 : i32
    %sign3A_147 = arith.cmpi sgt, %select_n3A_143, %sign3A_146 : i32
    %sign3A_148 = arith.extui %sign3A_147 : i1 to i32
    %sign3A_149 = arith.constant 0 : i32
    %sign3A_150 = arith.cmpi slt, %select_n3A_143, %sign3A_149 : i32
    %sign3A_151 = arith.extui %sign3A_150 : i1 to i32
    %sign3A_152 = arith.subi %sign3A_148, %sign3A_151 : i32
    %sign3A_153 = arith.constant 0 : i32
    %sign3A_154 = arith.cmpi sgt, %jit3A_144, %sign3A_153 : i32
    %sign3A_155 = arith.extui %sign3A_154 : i1 to i32
    %sign3A_156 = arith.constant 0 : i32
    %sign3A_157 = arith.cmpi slt, %jit3A_144, %sign3A_156 : i32
    %sign3A_158 = arith.extui %sign3A_157 : i1 to i32
    %sign3A_159 = arith.subi %sign3A_155, %sign3A_158 : i32
    %ne3A_160 = arith.cmpi ne, %sign3A_152, %sign3A_159 : i32
    %rem3A_161 = arith.remsi %select_n3A_143, %jit3A_144 : i32
    %ne3A_162 = arith.constant 0 : i32
    %ne3A_163 = arith.cmpi ne, %rem3A_161, %ne3A_162 : i32
    %and3A_164 = arith.andi %ne3A_160, %ne3A_163 : i1
    %sub3A_165 = arith.constant 1 : i32
    %sub3A_166 = arith.subi %div3A_145, %sub3A_165 : i32
    %select_n3A_167 = arith.select %and3A_164, %sub3A_166, %div3A_145 : i32
    %mul3A_168 = arith.constant 2048 : i32
    %mul3A_169 = arith.muli %select_n3A_127, %mul3A_168 : i32
    %jit3A_170 = arith.constant 16 : i32
    %eq3A_171 = arith.constant 0 : i32
    %eq3A_172 = arith.cmpi eq, %jit3A_170, %eq3A_171 : i32
    %jit3A_173 = arith.constant 1 : i32
    %select_n3A_174 = arith.select %eq3A_172, %jit3A_173, %jit3A_170 : i32
    %rem3A_175 = arith.remsi %select_n3A_143, %select_n3A_174 : i32
    %ne3A_176 = arith.constant 0 : i32
    %ne3A_177 = arith.cmpi ne, %rem3A_175, %ne3A_176 : i32
    %lt3A_178 = arith.constant 0 : i32
    %lt3A_179 = arith.cmpi slt, %rem3A_175, %lt3A_178 : i32
    %lt3A_180 = arith.constant 0 : i32
    %lt3A_181 = arith.cmpi slt, %select_n3A_174, %lt3A_180 : i32
    %ne3A_182 = arith.xori %lt3A_179, %lt3A_181 : i1
    %and3A_183 = arith.andi %ne3A_182, %ne3A_177 : i1
    %add3A_184 = arith.addi %rem3A_175, %select_n3A_174 : i32
    %select_n3A_185 = arith.select %and3A_183, %add3A_184, %rem3A_175 : i32
    %mul3A_186 = arith.constant 128 : i32
    %mul3A_187 = arith.muli %select_n3A_185, %mul3A_186 : i32
    %add3A_188 = arith.addi %mul3A_169, %mul3A_187 : i32
    %mul3A_189 = arith.constant 64 : i32
    %mul3A_190 = arith.muli %select_n3A_167, %mul3A_189 : i32
    %dma_wait3A_191 = arith.constant 0 : i32
    %dma_wait3A_192 = arith.constant 1 : i32
    %dma_wait3A_193 = arith.constant 0 : i32
    %dma_wait3A_194 = arith.constant 0 : i32
    %dma_wait3A_195 = tpu.memref_slice %arg6[%dma_wait3A_191, %dma_wait3A_192, %dma_wait3A_193, %dma_wait3A_194] : memref<2x4x128x64xf32, #tpu.memory_space<vmem>> -> memref<1x1x128x64xf32, #tpu.memory_space<vmem>>
    %dma_wait3A_196 = tpu.memref_squeeze %dma_wait3A_195 : memref<1x1x128x64xf32, #tpu.memory_space<vmem>> -> memref<128x64xf32, #tpu.memory_space<vmem>>
    %dma_wait3A_197 = tpu.memref_slice %arg4[%add3A_188, %mul3A_190] : memref<409600x128xf32, #tpu.memory_space<hbm>> -> memref<128x64xf32, #tpu.memory_space<hbm>>
    %dma_wait3A_198 = tpu.memref_slice %arg4[%add3A_188, %mul3A_190] : memref<409600x128xf32, #tpu.memory_space<hbm>> -> memref<128x64xf32, #tpu.memory_space<hbm>>
    %dma_wait3A_199 = arith.constant 0 : i32
    %dma_wait3A_200 = arith.constant 0 : i32
    %dma_wait3A_201 = tpu.memref_slice %arg6[%dma_wait3A_191, %dma_wait3A_192, %dma_wait3A_199, %dma_wait3A_200] : memref<2x4x128x64xf32, #tpu.memory_space<vmem>> -> memref<1x1x128x64xf32, #tpu.memory_space<vmem>>
    %dma_wait3A_202 = tpu.memref_squeeze %dma_wait3A_201 : memref<1x1x128x64xf32, #tpu.memory_space<vmem>> -> memref<128x64xf32, #tpu.memory_space<vmem>>
    tpu.wait_dma2 semaphore(%arg8 : memref<!tpu.dma_semaphore, #tpu.memory_space<semaphore_mem>>) src(%dma_wait3A_202 : memref<128x64xf32, #tpu.memory_space<vmem>>) dst(%dma_wait3A_198 : memref<128x64xf32, #tpu.memory_space<hbm>>)
    %add3A_203 = arith.constant 192 : i32
    %add3A_204 = arith.addi %mul3A_2, %add3A_203 : i32
    %add3A_205 = arith.constant 2 : i32
    %add3A_206 = arith.addi %add3A_204, %add3A_205 : i32
    %jit3A_207 = arith.constant 32 : i32
    %div3A_208 = arith.divsi %add3A_206, %jit3A_207 : i32
    %sign3A_209 = arith.constant 0 : i32
    %sign3A_210 = arith.cmpi sgt, %add3A_206, %sign3A_209 : i32
    %sign3A_211 = arith.extui %sign3A_210 : i1 to i32
    %sign3A_212 = arith.constant 0 : i32
    %sign3A_213 = arith.cmpi slt, %add3A_206, %sign3A_212 : i32
    %sign3A_214 = arith.extui %sign3A_213 : i1 to i32
    %sign3A_215 = arith.subi %sign3A_211, %sign3A_214 : i32
    %sign3A_216 = arith.constant 0 : i32
    %sign3A_217 = arith.cmpi sgt, %jit3A_207, %sign3A_216 : i32
    %sign3A_218 = arith.extui %sign3A_217 : i1 to i32
    %sign3A_219 = arith.constant 0 : i32
    %sign3A_220 = arith.cmpi slt, %jit3A_207, %sign3A_219 : i32
    %sign3A_221 = arith.extui %sign3A_220 : i1 to i32
    %sign3A_222 = arith.subi %sign3A_218, %sign3A_221 : i32
    %ne3A_223 = arith.cmpi ne, %sign3A_215, %sign3A_222 : i32
    %rem3A_224 = arith.remsi %add3A_206, %jit3A_207 : i32
    %ne3A_225 = arith.constant 0 : i32
    %ne3A_226 = arith.cmpi ne, %rem3A_224, %ne3A_225 : i32
    %and3A_227 = arith.andi %ne3A_223, %ne3A_226 : i1
    %sub3A_228 = arith.constant 1 : i32
    %sub3A_229 = arith.subi %div3A_208, %sub3A_228 : i32
    %select_n3A_230 = arith.select %and3A_227, %sub3A_229, %div3A_208 : i32
    %jit3A_231 = arith.constant 32 : i32
    %eq3A_232 = arith.constant 0 : i32
    %eq3A_233 = arith.cmpi eq, %jit3A_231, %eq3A_232 : i32
    %jit3A_234 = arith.constant 1 : i32
    %select_n3A_235 = arith.select %eq3A_233, %jit3A_234, %jit3A_231 : i32
    %rem3A_236 = arith.remsi %add3A_206, %select_n3A_235 : i32
    %ne3A_237 = arith.constant 0 : i32
    %ne3A_238 = arith.cmpi ne, %rem3A_236, %ne3A_237 : i32
    %lt3A_239 = arith.constant 0 : i32
    %lt3A_240 = arith.cmpi slt, %rem3A_236, %lt3A_239 : i32
    %lt3A_241 = arith.constant 0 : i32
    %lt3A_242 = arith.cmpi slt, %select_n3A_235, %lt3A_241 : i32
    %ne3A_243 = arith.xori %lt3A_240, %lt3A_242 : i1
    %and3A_244 = arith.andi %ne3A_243, %ne3A_238 : i1
    %add3A_245 = arith.addi %rem3A_236, %select_n3A_235 : i32
    %select_n3A_246 = arith.select %and3A_244, %add3A_245, %rem3A_236 : i32
    %jit3A_247 = arith.constant 16 : i32
    %div3A_248 = arith.divsi %select_n3A_246, %jit3A_247 : i32
    %sign3A_249 = arith.constant 0 : i32
    %sign3A_250 = arith.cmpi sgt, %select_n3A_246, %sign3A_249 : i32
    %sign3A_251 = arith.extui %sign3A_250 : i1 to i32
    %sign3A_252 = arith.constant 0 : i32
    %sign3A_253 = arith.cmpi slt, %select_n3A_246, %sign3A_252 : i32
    %sign3A_254 = arith.extui %sign3A_253 : i1 to i32
    %sign3A_255 = arith.subi %sign3A_251, %sign3A_254 : i32
    %sign3A_256 = arith.constant 0 : i32
    %sign3A_257 = arith.cmpi sgt, %jit3A_247, %sign3A_256 : i32
    %sign3A_258 = arith.extui %sign3A_257 : i1 to i32
    %sign3A_259 = arith.constant 0 : i32
    %sign3A_260 = arith.cmpi slt, %jit3A_247, %sign3A_259 : i32
    %sign3A_261 = arith.extui %sign3A_260 : i1 to i32
    %sign3A_262 = arith.subi %sign3A_258, %sign3A_261 : i32
    %ne3A_263 = arith.cmpi ne, %sign3A_255, %sign3A_262 : i32
    %rem3A_264 = arith.remsi %select_n3A_246, %jit3A_247 : i32
    %ne3A_265 = arith.constant 0 : i32
    %ne3A_266 = arith.cmpi ne, %rem3A_264, %ne3A_265 : i32
    %and3A_267 = arith.andi %ne3A_263, %ne3A_266 : i1
    %sub3A_268 = arith.constant 1 : i32
    %sub3A_269 = arith.subi %div3A_248, %sub3A_268 : i32
    %select_n3A_270 = arith.select %and3A_267, %sub3A_269, %div3A_248 : i32
    %mul3A_271 = arith.constant 2048 : i32
    %mul3A_272 = arith.muli %select_n3A_230, %mul3A_271 : i32
    %jit3A_273 = arith.constant 16 : i32
    %eq3A_274 = arith.constant 0 : i32
    %eq3A_275 = arith.cmpi eq, %jit3A_273, %eq3A_274 : i32
    %jit3A_276 = arith.constant 1 : i32
    %select_n3A_277 = arith.select %eq3A_275, %jit3A_276, %jit3A_273 : i32
    %rem3A_278 = arith.remsi %select_n3A_246, %select_n3A_277 : i32
    %ne3A_279 = arith.constant 0 : i32
    %ne3A_280 = arith.cmpi ne, %rem3A_278, %ne3A_279 : i32
    %lt3A_281 = arith.constant 0 : i32
    %lt3A_282 = arith.cmpi slt, %rem3A_278, %lt3A_281 : i32
    %lt3A_283 = arith.constant 0 : i32
    %lt3A_284 = arith.cmpi slt, %select_n3A_277, %lt3A_283 : i32
    %ne3A_285 = arith.xori %lt3A_282, %lt3A_284 : i1
    %and3A_286 = arith.andi %ne3A_285, %ne3A_280 : i1
    %add3A_287 = arith.addi %rem3A_278, %select_n3A_277 : i32
    %select_n3A_288 = arith.select %and3A_286, %add3A_287, %rem3A_278 : i32
    %mul3A_289 = arith.constant 128 : i32
    %mul3A_290 = arith.muli %select_n3A_288, %mul3A_289 : i32
    %add3A_291 = arith.addi %mul3A_272, %mul3A_290 : i32
    %mul3A_292 = arith.constant 64 : i32
    %mul3A_293 = arith.muli %select_n3A_270, %mul3A_292 : i32
    %dma_wait3A_294 = arith.constant 0 : i32
    %dma_wait3A_295 = arith.constant 2 : i32
    %dma_wait3A_296 = arith.constant 0 : i32
    %dma_wait3A_297 = arith.constant 0 : i32
    %dma_wait3A_298 = tpu.memref_slice %arg6[%dma_wait3A_294, %dma_wait3A_295, %dma_wait3A_296, %dma_wait3A_297] : memref<2x4x128x64xf32, #tpu.memory_space<vmem>> -> memref<1x1x128x64xf32, #tpu.memory_space<vmem>>
    %dma_wait3A_299 = tpu.memref_squeeze %dma_wait3A_298 : memref<1x1x128x64xf32, #tpu.memory_space<vmem>> -> memref<128x64xf32, #tpu.memory_space<vmem>>
    %dma_wait3A_300 = tpu.memref_slice %arg4[%add3A_291, %mul3A_293] : memref<409600x128xf32, #tpu.memory_space<hbm>> -> memref<128x64xf32, #tpu.memory_space<hbm>>
    %dma_wait3A_301 = tpu.memref_slice %arg4[%add3A_291, %mul3A_293] : memref<409600x128xf32, #tpu.memory_space<hbm>> -> memref<128x64xf32, #tpu.memory_space<hbm>>
    %dma_wait3A_302 = arith.constant 0 : i32
    %dma_wait3A_303 = arith.constant 0 : i32
    %dma_wait3A_304 = tpu.memref_slice %arg6[%dma_wait3A_294, %dma_wait3A_295, %dma_wait3A_302, %dma_wait3A_303] : memref<2x4x128x64xf32, #tpu.memory_space<vmem>> -> memref<1x1x128x64xf32, #tpu.memory_space<vmem>>
    %dma_wait3A_305 = tpu.memref_squeeze %dma_wait3A_304 : memref<1x1x128x64xf32, #tpu.memory_space<vmem>> -> memref<128x64xf32, #tpu.memory_space<vmem>>
    tpu.wait_dma2 semaphore(%arg8 : memref<!tpu.dma_semaphore, #tpu.memory_space<semaphore_mem>>) src(%dma_wait3A_305 : memref<128x64xf32, #tpu.memory_space<vmem>>) dst(%dma_wait3A_301 : memref<128x64xf32, #tpu.memory_space<hbm>>)
    %add3A_306 = arith.constant 192 : i32
    %add3A_307 = arith.addi %mul3A_2, %add3A_306 : i32
    %add3A_308 = arith.constant 3 : i32
    %add3A_309 = arith.addi %add3A_307, %add3A_308 : i32
    %jit3A_310 = arith.constant 32 : i32
    %div3A_311 = arith.divsi %add3A_309, %jit3A_310 : i32
    %sign3A_312 = arith.constant 0 : i32
    %sign3A_313 = arith.cmpi sgt, %add3A_309, %sign3A_312 : i32
    %sign3A_314 = arith.extui %sign3A_313 : i1 to i32
    %sign3A_315 = arith.constant 0 : i32
    %sign3A_316 = arith.cmpi slt, %add3A_309, %sign3A_315 : i32
    %sign3A_317 = arith.extui %sign3A_316 : i1 to i32
    %sign3A_318 = arith.subi %sign3A_314, %sign3A_317 : i32
    %sign3A_319 = arith.constant 0 : i32
    %sign3A_320 = arith.cmpi sgt, %jit3A_310, %sign3A_319 : i32
    %sign3A_321 = arith.extui %sign3A_320 : i1 to i32
    %sign3A_322 = arith.constant 0 : i32
    %sign3A_323 = arith.cmpi slt, %jit3A_310, %sign3A_322 : i32
    %sign3A_324 = arith.extui %sign3A_323 : i1 to i32
    %sign3A_325 = arith.subi %sign3A_321, %sign3A_324 : i32
    %ne3A_326 = arith.cmpi ne, %sign3A_318, %sign3A_325 : i32
    %rem3A_327 = arith.remsi %add3A_309, %jit3A_310 : i32
    %ne3A_328 = arith.constant 0 : i32
    %ne3A_329 = arith.cmpi ne, %rem3A_327, %ne3A_328 : i32
    %and3A_330 = arith.andi %ne3A_326, %ne3A_329 : i1
    %sub3A_331 = arith.constant 1 : i32
    %sub3A_332 = arith.subi %div3A_311, %sub3A_331 : i32
    %select_n3A_333 = arith.select %and3A_330, %sub3A_332, %div3A_311 : i32
    %jit3A_334 = arith.constant 32 : i32
    %eq3A_335 = arith.constant 0 : i32
    %eq3A_336 = arith.cmpi eq, %jit3A_334, %eq3A_335 : i32
    %jit3A_337 = arith.constant 1 : i32
    %select_n3A_338 = arith.select %eq3A_336, %jit3A_337, %jit3A_334 : i32
    %rem3A_339 = arith.remsi %add3A_309, %select_n3A_338 : i32
    %ne3A_340 = arith.constant 0 : i32
    %ne3A_341 = arith.cmpi ne, %rem3A_339, %ne3A_340 : i32
    %lt3A_342 = arith.constant 0 : i32
    %lt3A_343 = arith.cmpi slt, %rem3A_339, %lt3A_342 : i32
    %lt3A_344 = arith.constant 0 : i32
    %lt3A_345 = arith.cmpi slt, %select_n3A_338, %lt3A_344 : i32
    %ne3A_346 = arith.xori %lt3A_343, %lt3A_345 : i1
    %and3A_347 = arith.andi %ne3A_346, %ne3A_341 : i1
    %add3A_348 = arith.addi %rem3A_339, %select_n3A_338 : i32
    %select_n3A_349 = arith.select %and3A_347, %add3A_348, %rem3A_339 : i32
    %jit3A_350 = arith.constant 16 : i32
    %div3A_351 = arith.divsi %select_n3A_349, %jit3A_350 : i32
    %sign3A_352 = arith.constant 0 : i32
    %sign3A_353 = arith.cmpi sgt, %select_n3A_349, %sign3A_352 : i32
    %sign3A_354 = arith.extui %sign3A_353 : i1 to i32
    %sign3A_355 = arith.constant 0 : i32
    %sign3A_356 = arith.cmpi slt, %select_n3A_349, %sign3A_355 : i32
    %sign3A_357 = arith.extui %sign3A_356 : i1 to i32
    %sign3A_358 = arith.subi %sign3A_354, %sign3A_357 : i32
    %sign3A_359 = arith.constant 0 : i32
    %sign3A_360 = arith.cmpi sgt, %jit3A_350, %sign3A_359 : i32
    %sign3A_361 = arith.extui %sign3A_360 : i1 to i32
    %sign3A_362 = arith.constant 0 : i32
    %sign3A_363 = arith.cmpi slt, %jit3A_350, %sign3A_362 : i32
    %sign3A_364 = arith.extui %sign3A_363 : i1 to i32
    %sign3A_365 = arith.subi %sign3A_361, %sign3A_364 : i32
    %ne3A_366 = arith.cmpi ne, %sign3A_358, %sign3A_365 : i32
    %rem3A_367 = arith.remsi %select_n3A_349, %jit3A_350 : i32
    %ne3A_368 = arith.constant 0 : i32
    %ne3A_369 = arith.cmpi ne, %rem3A_367, %ne3A_368 : i32
    %and3A_370 = arith.andi %ne3A_366, %ne3A_369 : i1
    %sub3A_371 = arith.constant 1 : i32
    %sub3A_372 = arith.subi %div3A_351, %sub3A_371 : i32
    %select_n3A_373 = arith.select %and3A_370, %sub3A_372, %div3A_351 : i32
    %mul3A_374 = arith.constant 2048 : i32
    %mul3A_375 = arith.muli %select_n3A_333, %mul3A_374 : i32
    %jit3A_376 = arith.constant 16 : i32
    %eq3A_377 = arith.constant 0 : i32
    %eq3A_378 = arith.cmpi eq, %jit3A_376, %eq3A_377 : i32
    %jit3A_379 = arith.constant 1 : i32
    %select_n3A_380 = arith.select %eq3A_378, %jit3A_379, %jit3A_376 : i32
    %rem3A_381 = arith.remsi %select_n3A_349, %select_n3A_380 : i32
    %ne3A_382 = arith.constant 0 : i32
    %ne3A_383 = arith.cmpi ne, %rem3A_381, %ne3A_382 : i32
    %lt3A_384 = arith.constant 0 : i32
    %lt3A_385 = arith.cmpi slt, %rem3A_381, %lt3A_384 : i32
    %lt3A_386 = arith.constant 0 : i32
    %lt3A_387 = arith.cmpi slt, %select_n3A_380, %lt3A_386 : i32
    %ne3A_388 = arith.xori %lt3A_385, %lt3A_387 : i1
    %and3A_389 = arith.andi %ne3A_388, %ne3A_383 : i1
    %add3A_390 = arith.addi %rem3A_381, %select_n3A_380 : i32
    %select_n3A_391 = arith.select %and3A_389, %add3A_390, %rem3A_381 : i32
    %mul3A_392 = arith.constant 128 : i32
    %mul3A_393 = arith.muli %select_n3A_391, %mul3A_392 : i32
    %add3A_394 = arith.addi %mul3A_375, %mul3A_393 : i32
    %mul3A_395 = arith.constant 64 : i32
    %mul3A_396 = arith.muli %select_n3A_373, %mul3A_395 : i32
    %dma_wait3A_397 = arith.constant 0 : i32
    %dma_wait3A_398 = arith.constant 3 : i32
    %dma_wait3A_399 = arith.constant 0 : i32
    %dma_wait3A_400 = arith.constant 0 : i32
    %dma_wait3A_401 = tpu.memref_slice %arg6[%dma_wait3A_397, %dma_wait3A_398, %dma_wait3A_399, %dma_wait3A_400] : memref<2x4x128x64xf32, #tpu.memory_space<vmem>> -> memref<1x1x128x64xf32, #tpu.memory_space<vmem>>
    %dma_wait3A_402 = tpu.memref_squeeze %dma_wait3A_401 : memref<1x1x128x64xf32, #tpu.memory_space<vmem>> -> memref<128x64xf32, #tpu.memory_space<vmem>>
    %dma_wait3A_403 = tpu.memref_slice %arg4[%add3A_394, %mul3A_396] : memref<409600x128xf32, #tpu.memory_space<hbm>> -> memref<128x64xf32, #tpu.memory_space<hbm>>
    %dma_wait3A_404 = tpu.memref_slice %arg4[%add3A_394, %mul3A_396] : memref<409600x128xf32, #tpu.memory_space<hbm>> -> memref<128x64xf32, #tpu.memory_space<hbm>>
    %dma_wait3A_405 = arith.constant 0 : i32
    %dma_wait3A_406 = arith.constant 0 : i32
    %dma_wait3A_407 = tpu.memref_slice %arg6[%dma_wait3A_397, %dma_wait3A_398, %dma_wait3A_405, %dma_wait3A_406] : memref<2x4x128x64xf32, #tpu.memory_space<vmem>> -> memref<1x1x128x64xf32, #tpu.memory_space<vmem>>
    %dma_wait3A_408 = tpu.memref_squeeze %dma_wait3A_407 : memref<1x1x128x64xf32, #tpu.memory_space<vmem>> -> memref<128x64xf32, #tpu.memory_space<vmem>>
    tpu.wait_dma2 semaphore(%arg8 : memref<!tpu.dma_semaphore, #tpu.memory_space<semaphore_mem>>) src(%dma_wait3A_408 : memref<128x64xf32, #tpu.memory_space<vmem>>) dst(%dma_wait3A_404 : memref<128x64xf32, #tpu.memory_space<hbm>>)
    %add3A_409 = arith.constant 196 : i32
    %add3A_410 = arith.addi %mul3A_2, %add3A_409 : i32
    %add3A_411 = arith.constant 0 : i32
    %add3A_412 = arith.addi %add3A_410, %add3A_411 : i32
    %jit3A_413 = arith.constant 32 : i32
    %div3A_414 = arith.divsi %add3A_412, %jit3A_413 : i32
    %sign3A_415 = arith.constant 0 : i32
    %sign3A_416 = arith.cmpi sgt, %add3A_412, %sign3A_415 : i32
    %sign3A_417 = arith.extui %sign3A_416 : i1 to i32
    %sign3A_418 = arith.constant 0 : i32
    %sign3A_419 = arith.cmpi slt, %add3A_412, %sign3A_418 : i32
    %sign3A_420 = arith.extui %sign3A_419 : i1 to i32
    %sign3A_421 = arith.subi %sign3A_417, %sign3A_420 : i32
    %sign3A_422 = arith.constant 0 : i32
    %sign3A_423 = arith.cmpi sgt, %jit3A_413, %sign3A_422 : i32
    %sign3A_424 = arith.extui %sign3A_423 : i1 to i32
    %sign3A_425 = arith.constant 0 : i32
    %sign3A_426 = arith.cmpi slt, %jit3A_413, %sign3A_425 : i32
    %sign3A_427 = arith.extui %sign3A_426 : i1 to i32
    %sign3A_428 = arith.subi %sign3A_424, %sign3A_427 : i32
    %ne3A_429 = arith.cmpi ne, %sign3A_421, %sign3A_428 : i32
    %rem3A_430 = arith.remsi %add3A_412, %jit3A_413 : i32
    %ne3A_431 = arith.constant 0 : i32
    %ne3A_432 = arith.cmpi ne, %rem3A_430, %ne3A_431 : i32
    %and3A_433 = arith.andi %ne3A_429, %ne3A_432 : i1
    %sub3A_434 = arith.constant 1 : i32
    %sub3A_435 = arith.subi %div3A_414, %sub3A_434 : i32
    %select_n3A_436 = arith.select %and3A_433, %sub3A_435, %div3A_414 : i32
    %jit3A_437 = arith.constant 32 : i32
    %eq3A_438 = arith.constant 0 : i32
    %eq3A_439 = arith.cmpi eq, %jit3A_437, %eq3A_438 : i32
    %jit3A_440 = arith.constant 1 : i32
    %select_n3A_441 = arith.select %eq3A_439, %jit3A_440, %jit3A_437 : i32
    %rem3A_442 = arith.remsi %add3A_412, %select_n3A_441 : i32
    %ne3A_443 = arith.constant 0 : i32
    %ne3A_444 = arith.cmpi ne, %rem3A_442, %ne3A_443 : i32
    %lt3A_445 = arith.constant 0 : i32
    %lt3A_446 = arith.cmpi slt, %rem3A_442, %lt3A_445 : i32
    %lt3A_447 = arith.constant 0 : i32
    %lt3A_448 = arith.cmpi slt, %select_n3A_441, %lt3A_447 : i32
    %ne3A_449 = arith.xori %lt3A_446, %lt3A_448 : i1
    %and3A_450 = arith.andi %ne3A_449, %ne3A_444 : i1
    %add3A_451 = arith.addi %rem3A_442, %select_n3A_441 : i32
    %select_n3A_452 = arith.select %and3A_450, %add3A_451, %rem3A_442 : i32
    %jit3A_453 = arith.constant 16 : i32
    %div3A_454 = arith.divsi %select_n3A_452, %jit3A_453 : i32
    %sign3A_455 = arith.constant 0 : i32
    %sign3A_456 = arith.cmpi sgt, %select_n3A_452, %sign3A_455 : i32
    %sign3A_457 = arith.extui %sign3A_456 : i1 to i32
    %sign3A_458 = arith.constant 0 : i32
    %sign3A_459 = arith.cmpi slt, %select_n3A_452, %sign3A_458 : i32
    %sign3A_460 = arith.extui %sign3A_459 : i1 to i32
    %sign3A_461 = arith.subi %sign3A_457, %sign3A_460 : i32
    %sign3A_462 = arith.constant 0 : i32
    %sign3A_463 = arith.cmpi sgt, %jit3A_453, %sign3A_462 : i32
    %sign3A_464 = arith.extui %sign3A_463 : i1 to i32
    %sign3A_465 = arith.constant 0 : i32
    %sign3A_466 = arith.cmpi slt, %jit3A_453, %sign3A_465 : i32
    %sign3A_467 = arith.extui %sign3A_466 : i1 to i32
    %sign3A_468 = arith.subi %sign3A_464, %sign3A_467 : i32
    %ne3A_469 = arith.cmpi ne, %sign3A_461, %sign3A_468 : i32
    %rem3A_470 = arith.remsi %select_n3A_452, %jit3A_453 : i32
    %ne3A_471 = arith.constant 0 : i32
    %ne3A_472 = arith.cmpi ne, %rem3A_470, %ne3A_471 : i32
    %and3A_473 = arith.andi %ne3A_469, %ne3A_472 : i1
    %sub3A_474 = arith.constant 1 : i32
    %sub3A_475 = arith.subi %div3A_454, %sub3A_474 : i32
    %select_n3A_476 = arith.select %and3A_473, %sub3A_475, %div3A_454 : i32
    %mul3A_477 = arith.constant 2048 : i32
    %mul3A_478 = arith.muli %select_n3A_436, %mul3A_477 : i32
    %jit3A_479 = arith.constant 16 : i32
    %eq3A_480 = arith.constant 0 : i32
    %eq3A_481 = arith.cmpi eq, %jit3A_479, %eq3A_480 : i32
    %jit3A_482 = arith.constant 1 : i32
    %select_n3A_483 = arith.select %eq3A_481, %jit3A_482, %jit3A_479 : i32
    %rem3A_484 = arith.remsi %select_n3A_452, %select_n3A_483 : i32
    %ne3A_485 = arith.constant 0 : i32
    %ne3A_486 = arith.cmpi ne, %rem3A_484, %ne3A_485 : i32
    %lt3A_487 = arith.constant 0 : i32
    %lt3A_488 = arith.cmpi slt, %rem3A_484, %lt3A_487 : i32
    %lt3A_489 = arith.constant 0 : i32
    %lt3A_490 = arith.cmpi slt, %select_n3A_483, %lt3A_489 : i32
    %ne3A_491 = arith.xori %lt3A_488, %lt3A_490 : i1
    %and3A_492 = arith.andi %ne3A_491, %ne3A_486 : i1
    %add3A_493 = arith.addi %rem3A_484, %select_n3A_483 : i32
    %select_n3A_494 = arith.select %and3A_492, %add3A_493, %rem3A_484 : i32
    %mul3A_495 = arith.constant 128 : i32
    %mul3A_496 = arith.muli %select_n3A_494, %mul3A_495 : i32
    %add3A_497 = arith.addi %mul3A_478, %mul3A_496 : i32
    %mul3A_498 = arith.constant 64 : i32
    %mul3A_499 = arith.muli %select_n3A_476, %mul3A_498 : i32
    %dma_wait3A_500 = arith.constant 1 : i32
    %dma_wait3A_501 = arith.constant 0 : i32
    %dma_wait3A_502 = arith.constant 0 : i32
    %dma_wait3A_503 = arith.constant 0 : i32
    %dma_wait3A_504 = tpu.memref_slice %arg6[%dma_wait3A_500, %dma_wait3A_501, %dma_wait3A_502, %dma_wait3A_503] : memref<2x4x128x64xf32, #tpu.memory_space<vmem>> -> memref<1x1x128x64xf32, #tpu.memory_space<vmem>>
    %dma_wait3A_505 = tpu.memref_squeeze %dma_wait3A_504 : memref<1x1x128x64xf32, #tpu.memory_space<vmem>> -> memref<128x64xf32, #tpu.memory_space<vmem>>
    %dma_wait3A_506 = tpu.memref_slice %arg4[%add3A_497, %mul3A_499] : memref<409600x128xf32, #tpu.memory_space<hbm>> -> memref<128x64xf32, #tpu.memory_space<hbm>>
    %dma_wait3A_507 = tpu.memref_slice %arg4[%add3A_497, %mul3A_499] : memref<409600x128xf32, #tpu.memory_space<hbm>> -> memref<128x64xf32, #tpu.memory_space<hbm>>
    %dma_wait3A_508 = arith.constant 0 : i32
    %dma_wait3A_509 = arith.constant 0 : i32
    %dma_wait3A_510 = tpu.memref_slice %arg6[%dma_wait3A_500, %dma_wait3A_501, %dma_wait3A_508, %dma_wait3A_509] : memref<2x4x128x64xf32, #tpu.memory_space<vmem>> -> memref<1x1x128x64xf32, #tpu.memory_space<vmem>>
    %dma_wait3A_511 = tpu.memref_squeeze %dma_wait3A_510 : memref<1x1x128x64xf32, #tpu.memory_space<vmem>> -> memref<128x64xf32, #tpu.memory_space<vmem>>
    tpu.wait_dma2 semaphore(%arg9 : memref<!tpu.dma_semaphore, #tpu.memory_space<semaphore_mem>>) src(%dma_wait3A_511 : memref<128x64xf32, #tpu.memory_space<vmem>>) dst(%dma_wait3A_507 : memref<128x64xf32, #tpu.memory_space<hbm>>)
    %add3A_512 = arith.constant 196 : i32
    %add3A_513 = arith.addi %mul3A_2, %add3A_512 : i32
    %add3A_514 = arith.constant 1 : i32
    %add3A_515 = arith.addi %add3A_513, %add3A_514 : i32
    %jit3A_516 = arith.constant 32 : i32
    %div3A_517 = arith.divsi %add3A_515, %jit3A_516 : i32
    %sign3A_518 = arith.constant 0 : i32
    %sign3A_519 = arith.cmpi sgt, %add3A_515, %sign3A_518 : i32
    %sign3A_520 = arith.extui %sign3A_519 : i1 to i32
    %sign3A_521 = arith.constant 0 : i32
    %sign3A_522 = arith.cmpi slt, %add3A_515, %sign3A_521 : i32
    %sign3A_523 = arith.extui %sign3A_522 : i1 to i32
    %sign3A_524 = arith.subi %sign3A_520, %sign3A_523 : i32
    %sign3A_525 = arith.constant 0 : i32
    %sign3A_526 = arith.cmpi sgt, %jit3A_516, %sign3A_525 : i32
    %sign3A_527 = arith.extui %sign3A_526 : i1 to i32
    %sign3A_528 = arith.constant 0 : i32
    %sign3A_529 = arith.cmpi slt, %jit3A_516, %sign3A_528 : i32
    %sign3A_530 = arith.extui %sign3A_529 : i1 to i32
    %sign3A_531 = arith.subi %sign3A_527, %sign3A_530 : i32
    %ne3A_532 = arith.cmpi ne, %sign3A_524, %sign3A_531 : i32
    %rem3A_533 = arith.remsi %add3A_515, %jit3A_516 : i32
    %ne3A_534 = arith.constant 0 : i32
    %ne3A_535 = arith.cmpi ne, %rem3A_533, %ne3A_534 : i32
    %and3A_536 = arith.andi %ne3A_532, %ne3A_535 : i1
    %sub3A_537 = arith.constant 1 : i32
    %sub3A_538 = arith.subi %div3A_517, %sub3A_537 : i32
    %select_n3A_539 = arith.select %and3A_536, %sub3A_538, %div3A_517 : i32
    %jit3A_540 = arith.constant 32 : i32
    %eq3A_541 = arith.constant 0 : i32
    %eq3A_542 = arith.cmpi eq, %jit3A_540, %eq3A_541 : i32
    %jit3A_543 = arith.constant 1 : i32
    %select_n3A_544 = arith.select %eq3A_542, %jit3A_543, %jit3A_540 : i32
    %rem3A_545 = arith.remsi %add3A_515, %select_n3A_544 : i32
    %ne3A_546 = arith.constant 0 : i32
    %ne3A_547 = arith.cmpi ne, %rem3A_545, %ne3A_546 : i32
    %lt3A_548 = arith.constant 0 : i32
    %lt3A_549 = arith.cmpi slt, %rem3A_545, %lt3A_548 : i32
    %lt3A_550 = arith.constant 0 : i32
    %lt3A_551 = arith.cmpi slt, %select_n3A_544, %lt3A_550 : i32
    %ne3A_552 = arith.xori %lt3A_549, %lt3A_551 : i1
    %and3A_553 = arith.andi %ne3A_552, %ne3A_547 : i1
    %add3A_554 = arith.addi %rem3A_545, %select_n3A_544 : i32
    %select_n3A_555 = arith.select %and3A_553, %add3A_554, %rem3A_545 : i32
    %jit3A_556 = arith.constant 16 : i32
    %div3A_557 = arith.divsi %select_n3A_555, %jit3A_556 : i32
    %sign3A_558 = arith.constant 0 : i32
    %sign3A_559 = arith.cmpi sgt, %select_n3A_555, %sign3A_558 : i32
    %sign3A_560 = arith.extui %sign3A_559 : i1 to i32
    %sign3A_561 = arith.constant 0 : i32
    %sign3A_562 = arith.cmpi slt, %select_n3A_555, %sign3A_561 : i32
    %sign3A_563 = arith.extui %sign3A_562 : i1 to i32
    %sign3A_564 = arith.subi %sign3A_560, %sign3A_563 : i32
    %sign3A_565 = arith.constant 0 : i32
    %sign3A_566 = arith.cmpi sgt, %jit3A_556, %sign3A_565 : i32
    %sign3A_567 = arith.extui %sign3A_566 : i1 to i32
    %sign3A_568 = arith.constant 0 : i32
    %sign3A_569 = arith.cmpi slt, %jit3A_556, %sign3A_568 : i32
    %sign3A_570 = arith.extui %sign3A_569 : i1 to i32
    %sign3A_571 = arith.subi %sign3A_567, %sign3A_570 : i32
    %ne3A_572 = arith.cmpi ne, %sign3A_564, %sign3A_571 : i32
    %rem3A_573 = arith.remsi %select_n3A_555, %jit3A_556 : i32
    %ne3A_574 = arith.constant 0 : i32
    %ne3A_575 = arith.cmpi ne, %rem3A_573, %ne3A_574 : i32
    %and3A_576 = arith.andi %ne3A_572, %ne3A_575 : i1
    %sub3A_577 = arith.constant 1 : i32
    %sub3A_578 = arith.subi %div3A_557, %sub3A_577 : i32
    %select_n3A_579 = arith.select %and3A_576, %sub3A_578, %div3A_557 : i32
    %mul3A_580 = arith.constant 2048 : i32
    %mul3A_581 = arith.muli %select_n3A_539, %mul3A_580 : i32
    %jit3A_582 = arith.constant 16 : i32
    %eq3A_583 = arith.constant 0 : i32
    %eq3A_584 = arith.cmpi eq, %jit3A_582, %eq3A_583 : i32
    %jit3A_585 = arith.constant 1 : i32
    %select_n3A_586 = arith.select %eq3A_584, %jit3A_585, %jit3A_582 : i32
    %rem3A_587 = arith.remsi %select_n3A_555, %select_n3A_586 : i32
    %ne3A_588 = arith.constant 0 : i32
    %ne3A_589 = arith.cmpi ne, %rem3A_587, %ne3A_588 : i32
    %lt3A_590 = arith.constant 0 : i32
    %lt3A_591 = arith.cmpi slt, %rem3A_587, %lt3A_590 : i32
    %lt3A_592 = arith.constant 0 : i32
    %lt3A_593 = arith.cmpi slt, %select_n3A_586, %lt3A_592 : i32
    %ne3A_594 = arith.xori %lt3A_591, %lt3A_593 : i1
    %and3A_595 = arith.andi %ne3A_594, %ne3A_589 : i1
    %add3A_596 = arith.addi %rem3A_587, %select_n3A_586 : i32
    %select_n3A_597 = arith.select %and3A_595, %add3A_596, %rem3A_587 : i32
    %mul3A_598 = arith.constant 128 : i32
    %mul3A_599 = arith.muli %select_n3A_597, %mul3A_598 : i32
    %add3A_600 = arith.addi %mul3A_581, %mul3A_599 : i32
    %mul3A_601 = arith.constant 64 : i32
    %mul3A_602 = arith.muli %select_n3A_579, %mul3A_601 : i32
    %dma_wait3A_603 = arith.constant 1 : i32
    %dma_wait3A_604 = arith.constant 1 : i32
    %dma_wait3A_605 = arith.constant 0 : i32
    %dma_wait3A_606 = arith.constant 0 : i32
    %dma_wait3A_607 = tpu.memref_slice %arg6[%dma_wait3A_603, %dma_wait3A_604, %dma_wait3A_605, %dma_wait3A_606] : memref<2x4x128x64xf32, #tpu.memory_space<vmem>> -> memref<1x1x128x64xf32, #tpu.memory_space<vmem>>
    %dma_wait3A_608 = tpu.memref_squeeze %dma_wait3A_607 : memref<1x1x128x64xf32, #tpu.memory_space<vmem>> -> memref<128x64xf32, #tpu.memory_space<vmem>>
    %dma_wait3A_609 = tpu.memref_slice %arg4[%add3A_600, %mul3A_602] : memref<409600x128xf32, #tpu.memory_space<hbm>> -> memref<128x64xf32, #tpu.memory_space<hbm>>
    %dma_wait3A_610 = tpu.memref_slice %arg4[%add3A_600, %mul3A_602] : memref<409600x128xf32, #tpu.memory_space<hbm>> -> memref<128x64xf32, #tpu.memory_space<hbm>>
    %dma_wait3A_611 = arith.constant 0 : i32
    %dma_wait3A_612 = arith.constant 0 : i32
    %dma_wait3A_613 = tpu.memref_slice %arg6[%dma_wait3A_603, %dma_wait3A_604, %dma_wait3A_611, %dma_wait3A_612] : memref<2x4x128x64xf32, #tpu.memory_space<vmem>> -> memref<1x1x128x64xf32, #tpu.memory_space<vmem>>
    %dma_wait3A_614 = tpu.memref_squeeze %dma_wait3A_613 : memref<1x1x128x64xf32, #tpu.memory_space<vmem>> -> memref<128x64xf32, #tpu.memory_space<vmem>>
    tpu.wait_dma2 semaphore(%arg9 : memref<!tpu.dma_semaphore, #tpu.memory_space<semaphore_mem>>) src(%dma_wait3A_614 : memref<128x64xf32, #tpu.memory_space<vmem>>) dst(%dma_wait3A_610 : memref<128x64xf32, #tpu.memory_space<hbm>>)
    %add3A_615 = arith.constant 196 : i32
    %add3A_616 = arith.addi %mul3A_2, %add3A_615 : i32
    %add3A_617 = arith.constant 2 : i32
    %add3A_618 = arith.addi %add3A_616, %add3A_617 : i32
    %jit3A_619 = arith.constant 32 : i32
    %div3A_620 = arith.divsi %add3A_618, %jit3A_619 : i32
    %sign3A_621 = arith.constant 0 : i32
    %sign3A_622 = arith.cmpi sgt, %add3A_618, %sign3A_621 : i32
    %sign3A_623 = arith.extui %sign3A_622 : i1 to i32
    %sign3A_624 = arith.constant 0 : i32
    %sign3A_625 = arith.cmpi slt, %add3A_618, %sign3A_624 : i32
    %sign3A_626 = arith.extui %sign3A_625 : i1 to i32
    %sign3A_627 = arith.subi %sign3A_623, %sign3A_626 : i32
    %sign3A_628 = arith.constant 0 : i32
    %sign3A_629 = arith.cmpi sgt, %jit3A_619, %sign3A_628 : i32
    %sign3A_630 = arith.extui %sign3A_629 : i1 to i32
    %sign3A_631 = arith.constant 0 : i32
    %sign3A_632 = arith.cmpi slt, %jit3A_619, %sign3A_631 : i32
    %sign3A_633 = arith.extui %sign3A_632 : i1 to i32
    %sign3A_634 = arith.subi %sign3A_630, %sign3A_633 : i32
    %ne3A_635 = arith.cmpi ne, %sign3A_627, %sign3A_634 : i32
    %rem3A_636 = arith.remsi %add3A_618, %jit3A_619 : i32
    %ne3A_637 = arith.constant 0 : i32
    %ne3A_638 = arith.cmpi ne, %rem3A_636, %ne3A_637 : i32
    %and3A_639 = arith.andi %ne3A_635, %ne3A_638 : i1
    %sub3A_640 = arith.constant 1 : i32
    %sub3A_641 = arith.subi %div3A_620, %sub3A_640 : i32
    %select_n3A_642 = arith.select %and3A_639, %sub3A_641, %div3A_620 : i32
    %jit3A_643 = arith.constant 32 : i32
    %eq3A_644 = arith.constant 0 : i32
    %eq3A_645 = arith.cmpi eq, %jit3A_643, %eq3A_644 : i32
    %jit3A_646 = arith.constant 1 : i32
    %select_n3A_647 = arith.select %eq3A_645, %jit3A_646, %jit3A_643 : i32
    %rem3A_648 = arith.remsi %add3A_618, %select_n3A_647 : i32
    %ne3A_649 = arith.constant 0 : i32
    %ne3A_650 = arith.cmpi ne, %rem3A_648, %ne3A_649 : i32
    %lt3A_651 = arith.constant 0 : i32
    %lt3A_652 = arith.cmpi slt, %rem3A_648, %lt3A_651 : i32
    %lt3A_653 = arith.constant 0 : i32
    %lt3A_654 = arith.cmpi slt, %select_n3A_647, %lt3A_653 : i32
    %ne3A_655 = arith.xori %lt3A_652, %lt3A_654 : i1
    %and3A_656 = arith.andi %ne3A_655, %ne3A_650 : i1
    %add3A_657 = arith.addi %rem3A_648, %select_n3A_647 : i32
    %select_n3A_658 = arith.select %and3A_656, %add3A_657, %rem3A_648 : i32
    %jit3A_659 = arith.constant 16 : i32
    %div3A_660 = arith.divsi %select_n3A_658, %jit3A_659 : i32
    %sign3A_661 = arith.constant 0 : i32
    %sign3A_662 = arith.cmpi sgt, %select_n3A_658, %sign3A_661 : i32
    %sign3A_663 = arith.extui %sign3A_662 : i1 to i32
    %sign3A_664 = arith.constant 0 : i32
    %sign3A_665 = arith.cmpi slt, %select_n3A_658, %sign3A_664 : i32
    %sign3A_666 = arith.extui %sign3A_665 : i1 to i32
    %sign3A_667 = arith.subi %sign3A_663, %sign3A_666 : i32
    %sign3A_668 = arith.constant 0 : i32
    %sign3A_669 = arith.cmpi sgt, %jit3A_659, %sign3A_668 : i32
    %sign3A_670 = arith.extui %sign3A_669 : i1 to i32
    %sign3A_671 = arith.constant 0 : i32
    %sign3A_672 = arith.cmpi slt, %jit3A_659, %sign3A_671 : i32
    %sign3A_673 = arith.extui %sign3A_672 : i1 to i32
    %sign3A_674 = arith.subi %sign3A_670, %sign3A_673 : i32
    %ne3A_675 = arith.cmpi ne, %sign3A_667, %sign3A_674 : i32
    %rem3A_676 = arith.remsi %select_n3A_658, %jit3A_659 : i32
    %ne3A_677 = arith.constant 0 : i32
    %ne3A_678 = arith.cmpi ne, %rem3A_676, %ne3A_677 : i32
    %and3A_679 = arith.andi %ne3A_675, %ne3A_678 : i1
    %sub3A_680 = arith.constant 1 : i32
    %sub3A_681 = arith.subi %div3A_660, %sub3A_680 : i32
    %select_n3A_682 = arith.select %and3A_679, %sub3A_681, %div3A_660 : i32
    %mul3A_683 = arith.constant 2048 : i32
    %mul3A_684 = arith.muli %select_n3A_642, %mul3A_683 : i32
    %jit3A_685 = arith.constant 16 : i32
    %eq3A_686 = arith.constant 0 : i32
    %eq3A_687 = arith.cmpi eq, %jit3A_685, %eq3A_686 : i32
    %jit3A_688 = arith.constant 1 : i32
    %select_n3A_689 = arith.select %eq3A_687, %jit3A_688, %jit3A_685 : i32
    %rem3A_690 = arith.remsi %select_n3A_658, %select_n3A_689 : i32
    %ne3A_691 = arith.constant 0 : i32
    %ne3A_692 = arith.cmpi ne, %rem3A_690, %ne3A_691 : i32
    %lt3A_693 = arith.constant 0 : i32
    %lt3A_694 = arith.cmpi slt, %rem3A_690, %lt3A_693 : i32
    %lt3A_695 = arith.constant 0 : i32
    %lt3A_696 = arith.cmpi slt, %select_n3A_689, %lt3A_695 : i32
    %ne3A_697 = arith.xori %lt3A_694, %lt3A_696 : i1
    %and3A_698 = arith.andi %ne3A_697, %ne3A_692 : i1
    %add3A_699 = arith.addi %rem3A_690, %select_n3A_689 : i32
    %select_n3A_700 = arith.select %and3A_698, %add3A_699, %rem3A_690 : i32
    %mul3A_701 = arith.constant 128 : i32
    %mul3A_702 = arith.muli %select_n3A_700, %mul3A_701 : i32
    %add3A_703 = arith.addi %mul3A_684, %mul3A_702 : i32
    %mul3A_704 = arith.constant 64 : i32
    %mul3A_705 = arith.muli %select_n3A_682, %mul3A_704 : i32
    %dma_wait3A_706 = arith.constant 1 : i32
    %dma_wait3A_707 = arith.constant 2 : i32
    %dma_wait3A_708 = arith.constant 0 : i32
    %dma_wait3A_709 = arith.constant 0 : i32
    %dma_wait3A_710 = tpu.memref_slice %arg6[%dma_wait3A_706, %dma_wait3A_707, %dma_wait3A_708, %dma_wait3A_709] : memref<2x4x128x64xf32, #tpu.memory_space<vmem>> -> memref<1x1x128x64xf32, #tpu.memory_space<vmem>>
    %dma_wait3A_711 = tpu.memref_squeeze %dma_wait3A_710 : memref<1x1x128x64xf32, #tpu.memory_space<vmem>> -> memref<128x64xf32, #tpu.memory_space<vmem>>
    %dma_wait3A_712 = tpu.memref_slice %arg4[%add3A_703, %mul3A_705] : memref<409600x128xf32, #tpu.memory_space<hbm>> -> memref<128x64xf32, #tpu.memory_space<hbm>>
    %dma_wait3A_713 = tpu.memref_slice %arg4[%add3A_703, %mul3A_705] : memref<409600x128xf32, #tpu.memory_space<hbm>> -> memref<128x64xf32, #tpu.memory_space<hbm>>
    %dma_wait3A_714 = arith.constant 0 : i32
    %dma_wait3A_715 = arith.constant 0 : i32
    %dma_wait3A_716 = tpu.memref_slice %arg6[%dma_wait3A_706, %dma_wait3A_707, %dma_wait3A_714, %dma_wait3A_715] : memref<2x4x128x64xf32, #tpu.memory_space<vmem>> -> memref<1x1x128x64xf32, #tpu.memory_space<vmem>>
    %dma_wait3A_717 = tpu.memref_squeeze %dma_wait3A_716 : memref<1x1x128x64xf32, #tpu.memory_space<vmem>> -> memref<128x64xf32, #tpu.memory_space<vmem>>
    tpu.wait_dma2 semaphore(%arg9 : memref<!tpu.dma_semaphore, #tpu.memory_space<semaphore_mem>>) src(%dma_wait3A_717 : memref<128x64xf32, #tpu.memory_space<vmem>>) dst(%dma_wait3A_713 : memref<128x64xf32, #tpu.memory_space<hbm>>)
    %add3A_718 = arith.constant 196 : i32
    %add3A_719 = arith.addi %mul3A_2, %add3A_718 : i32
    %add3A_720 = arith.constant 3 : i32
    %add3A_721 = arith.addi %add3A_719, %add3A_720 : i32
    %jit3A_722 = arith.constant 32 : i32
    %div3A_723 = arith.divsi %add3A_721, %jit3A_722 : i32
    %sign3A_724 = arith.constant 0 : i32
    %sign3A_725 = arith.cmpi sgt, %add3A_721, %sign3A_724 : i32
    %sign3A_726 = arith.extui %sign3A_725 : i1 to i32
    %sign3A_727 = arith.constant 0 : i32
    %sign3A_728 = arith.cmpi slt, %add3A_721, %sign3A_727 : i32
    %sign3A_729 = arith.extui %sign3A_728 : i1 to i32
    %sign3A_730 = arith.subi %sign3A_726, %sign3A_729 : i32
    %sign3A_731 = arith.constant 0 : i32
    %sign3A_732 = arith.cmpi sgt, %jit3A_722, %sign3A_731 : i32
    %sign3A_733 = arith.extui %sign3A_732 : i1 to i32
    %sign3A_734 = arith.constant 0 : i32
    %sign3A_735 = arith.cmpi slt, %jit3A_722, %sign3A_734 : i32
    %sign3A_736 = arith.extui %sign3A_735 : i1 to i32
    %sign3A_737 = arith.subi %sign3A_733, %sign3A_736 : i32
    %ne3A_738 = arith.cmpi ne, %sign3A_730, %sign3A_737 : i32
    %rem3A_739 = arith.remsi %add3A_721, %jit3A_722 : i32
    %ne3A_740 = arith.constant 0 : i32
    %ne3A_741 = arith.cmpi ne, %rem3A_739, %ne3A_740 : i32
    %and3A_742 = arith.andi %ne3A_738, %ne3A_741 : i1
    %sub3A_743 = arith.constant 1 : i32
    %sub3A_744 = arith.subi %div3A_723, %sub3A_743 : i32
    %select_n3A_745 = arith.select %and3A_742, %sub3A_744, %div3A_723 : i32
    %jit3A_746 = arith.constant 32 : i32
    %eq3A_747 = arith.constant 0 : i32
    %eq3A_748 = arith.cmpi eq, %jit3A_746, %eq3A_747 : i32
    %jit3A_749 = arith.constant 1 : i32
    %select_n3A_750 = arith.select %eq3A_748, %jit3A_749, %jit3A_746 : i32
    %rem3A_751 = arith.remsi %add3A_721, %select_n3A_750 : i32
    %ne3A_752 = arith.constant 0 : i32
    %ne3A_753 = arith.cmpi ne, %rem3A_751, %ne3A_752 : i32
    %lt3A_754 = arith.constant 0 : i32
    %lt3A_755 = arith.cmpi slt, %rem3A_751, %lt3A_754 : i32
    %lt3A_756 = arith.constant 0 : i32
    %lt3A_757 = arith.cmpi slt, %select_n3A_750, %lt3A_756 : i32
    %ne3A_758 = arith.xori %lt3A_755, %lt3A_757 : i1
    %and3A_759 = arith.andi %ne3A_758, %ne3A_753 : i1
    %add3A_760 = arith.addi %rem3A_751, %select_n3A_750 : i32
    %select_n3A_761 = arith.select %and3A_759, %add3A_760, %rem3A_751 : i32
    %jit3A_762 = arith.constant 16 : i32
    %div3A_763 = arith.divsi %select_n3A_761, %jit3A_762 : i32
    %sign3A_764 = arith.constant 0 : i32
    %sign3A_765 = arith.cmpi sgt, %select_n3A_761, %sign3A_764 : i32
    %sign3A_766 = arith.extui %sign3A_765 : i1 to i32
    %sign3A_767 = arith.constant 0 : i32
    %sign3A_768 = arith.cmpi slt, %select_n3A_761, %sign3A_767 : i32
    %sign3A_769 = arith.extui %sign3A_768 : i1 to i32
    %sign3A_770 = arith.subi %sign3A_766, %sign3A_769 : i32
    %sign3A_771 = arith.constant 0 : i32
    %sign3A_772 = arith.cmpi sgt, %jit3A_762, %sign3A_771 : i32
    %sign3A_773 = arith.extui %sign3A_772 : i1 to i32
    %sign3A_774 = arith.constant 0 : i32
    %sign3A_775 = arith.cmpi slt, %jit3A_762, %sign3A_774 : i32
    %sign3A_776 = arith.extui %sign3A_775 : i1 to i32
    %sign3A_777 = arith.subi %sign3A_773, %sign3A_776 : i32
    %ne3A_778 = arith.cmpi ne, %sign3A_770, %sign3A_777 : i32
    %rem3A_779 = arith.remsi %select_n3A_761, %jit3A_762 : i32
    %ne3A_780 = arith.constant 0 : i32
    %ne3A_781 = arith.cmpi ne, %rem3A_779, %ne3A_780 : i32
    %and3A_782 = arith.andi %ne3A_778, %ne3A_781 : i1
    %sub3A_783 = arith.constant 1 : i32
    %sub3A_784 = arith.subi %div3A_763, %sub3A_783 : i32
    %select_n3A_785 = arith.select %and3A_782, %sub3A_784, %div3A_763 : i32
    %mul3A_786 = arith.constant 2048 : i32
    %mul3A_787 = arith.muli %select_n3A_745, %mul3A_786 : i32
    %jit3A_788 = arith.constant 16 : i32
    %eq3A_789 = arith.constant 0 : i32
    %eq3A_790 = arith.cmpi eq, %jit3A_788, %eq3A_789 : i32
    %jit3A_791 = arith.constant 1 : i32
    %select_n3A_792 = arith.select %eq3A_790, %jit3A_791, %jit3A_788 : i32
    %rem3A_793 = arith.remsi %select_n3A_761, %select_n3A_792 : i32
    %ne3A_794 = arith.constant 0 : i32
    %ne3A_795 = arith.cmpi ne, %rem3A_793, %ne3A_794 : i32
    %lt3A_796 = arith.constant 0 : i32
    %lt3A_797 = arith.cmpi slt, %rem3A_793, %lt3A_796 : i32
    %lt3A_798 = arith.constant 0 : i32
    %lt3A_799 = arith.cmpi slt, %select_n3A_792, %lt3A_798 : i32
    %ne3A_800 = arith.xori %lt3A_797, %lt3A_799 : i1
    %and3A_801 = arith.andi %ne3A_800, %ne3A_795 : i1
    %add3A_802 = arith.addi %rem3A_793, %select_n3A_792 : i32
    %select_n3A_803 = arith.select %and3A_801, %add3A_802, %rem3A_793 : i32
    %mul3A_804 = arith.constant 128 : i32
    %mul3A_805 = arith.muli %select_n3A_803, %mul3A_804 : i32
    %add3A_806 = arith.addi %mul3A_787, %mul3A_805 : i32
    %mul3A_807 = arith.constant 64 : i32
    %mul3A_808 = arith.muli %select_n3A_785, %mul3A_807 : i32
    %dma_wait3A_809 = arith.constant 1 : i32
    %dma_wait3A_810 = arith.constant 3 : i32
    %dma_wait3A_811 = arith.constant 0 : i32
    %dma_wait3A_812 = arith.constant 0 : i32
    %dma_wait3A_813 = tpu.memref_slice %arg6[%dma_wait3A_809, %dma_wait3A_810, %dma_wait3A_811, %dma_wait3A_812] : memref<2x4x128x64xf32, #tpu.memory_space<vmem>> -> memref<1x1x128x64xf32, #tpu.memory_space<vmem>>
    %dma_wait3A_814 = tpu.memref_squeeze %dma_wait3A_813 : memref<1x1x128x64xf32, #tpu.memory_space<vmem>> -> memref<128x64xf32, #tpu.memory_space<vmem>>
    %dma_wait3A_815 = tpu.memref_slice %arg4[%add3A_806, %mul3A_808] : memref<409600x128xf32, #tpu.memory_space<hbm>> -> memref<128x64xf32, #tpu.memory_space<hbm>>
    %dma_wait3A_816 = tpu.memref_slice %arg4[%add3A_806, %mul3A_808] : memref<409600x128xf32, #tpu.memory_space<hbm>> -> memref<128x64xf32, #tpu.memory_space<hbm>>
    %dma_wait3A_817 = arith.constant 0 : i32
    %dma_wait3A_818 = arith.constant 0 : i32
    %dma_wait3A_819 = tpu.memref_slice %arg6[%dma_wait3A_809, %dma_wait3A_810, %dma_wait3A_817, %dma_wait3A_818] : memref<2x4x128x64xf32, #tpu.memory_space<vmem>> -> memref<1x1x128x64xf32, #tpu.memory_space<vmem>>
    %dma_wait3A_820 = tpu.memref_squeeze %dma_wait3A_819 : memref<1x1x128x64xf32, #tpu.memory_space<vmem>> -> memref<128x64xf32, #tpu.memory_space<vmem>>
    tpu.wait_dma2 semaphore(%arg9 : memref<!tpu.dma_semaphore, #tpu.memory_space<semaphore_mem>>) src(%dma_wait3A_820 : memref<128x64xf32, #tpu.memory_space<vmem>>) dst(%dma_wait3A_816 : memref<128x64xf32, #tpu.memory_space<hbm>>)
    return
  }
}

module attributes {stable_mosaic.version = 14 : i64} {
  func.func @_tc_transpose_body(%arg0: i32, %arg1: memref<16384x128xf32, #tpu.memory_space<vmem>>, %arg2: memref<8x64x4096xf32, #tpu.memory_space<vmem>>) attributes {dimension_semantics = [#tpu.dimension_semantics<arbitrary>], iteration_bounds = array<i64: 25>, scalar_prefetch = 0 : i64, scratch_operands = 0 : i64, tpu.core_type = #tpu.core_type<tc>, window_params = [{transform_indices = @transform_0, window_bounds = array<i64: 16384, 128>}, {transform_indices = @transform_1, window_bounds = array<i64: 8, 64, 4096>}]} {
    %get3A = arith.constant 0 : index
    %get3A_0 = arith.constant 0 : index
    %get3A_1 = vector.load %arg1[%get3A, %get3A_0] : memref<16384x128xf32, #tpu.memory_space<vmem>>, vector<2048x128xf32>
    %transpose3A = tpu.transpose %get3A_1, [1, 0] : vector<2048x128xf32> -> vector<128x2048xf32>
    %slice3A = vector.extract_strided_slice %transpose3A {offsets = [0, 0], sizes = [64, 2048], strides = [1, 1]} : vector<128x2048xf32> to vector<64x2048xf32>
    %swap3A = arith.constant 0 : index
    %swap3A_2 = arith.constant 0 : index
    %swap3A_3 = arith.constant 0 : index
    %swap3A_4 = vector.load %arg2[%swap3A, %swap3A_2, %swap3A_3] : memref<8x64x4096xf32, #tpu.memory_space<vmem>>, vector<1x64x2048xf32>
    %swap3A_5 = vector.shape_cast %swap3A_4 : vector<1x64x2048xf32> to vector<64x2048xf32>
    %swap3A_6 = vector.shape_cast %slice3A : vector<64x2048xf32> to vector<1x64x2048xf32>
    tpu.vector_store %arg2[%swap3A, %swap3A_2, %swap3A_3], %swap3A_6 {strides = array<i32>} : memref<8x64x4096xf32, #tpu.memory_space<vmem>>, vector<1x64x2048xf32>,
    %slice3A_7 = vector.extract_strided_slice %transpose3A {offsets = [64, 0], sizes = [64, 2048], strides = [1, 1]} : vector<128x2048xf32> to vector<64x2048xf32>
    %swap3A_8 = arith.constant 0 : index
    %swap3A_9 = arith.constant 0 : index
    %swap3A_10 = arith.constant 2048 : index
    %swap3A_11 = vector.load %arg2[%swap3A_8, %swap3A_9, %swap3A_10] : memref<8x64x4096xf32, #tpu.memory_space<vmem>>, vector<1x64x2048xf32>
    %swap3A_12 = vector.shape_cast %swap3A_11 : vector<1x64x2048xf32> to vector<64x2048xf32>
    %swap3A_13 = vector.shape_cast %slice3A_7 : vector<64x2048xf32> to vector<1x64x2048xf32>
    tpu.vector_store %arg2[%swap3A_8, %swap3A_9, %swap3A_10], %swap3A_13 {strides = array<i32>} : memref<8x64x4096xf32, #tpu.memory_space<vmem>>, vector<1x64x2048xf32>,
    %get3A_14 = arith.constant 2048 : index
    %get3A_15 = arith.constant 0 : index
    %get3A_16 = vector.load %arg1[%get3A_14, %get3A_15] : memref<16384x128xf32, #tpu.memory_space<vmem>>, vector<2048x128xf32>
    %transpose3A_17 = tpu.transpose %get3A_16, [1, 0] : vector<2048x128xf32> -> vector<128x2048xf32>
    %slice3A_18 = vector.extract_strided_slice %transpose3A_17 {offsets = [0, 0], sizes = [64, 2048], strides = [1, 1]} : vector<128x2048xf32> to vector<64x2048xf32>
    %swap3A_19 = arith.constant 1 : index
    %swap3A_20 = arith.constant 0 : index
    %swap3A_21 = arith.constant 0 : index
    %swap3A_22 = vector.load %arg2[%swap3A_19, %swap3A_20, %swap3A_21] : memref<8x64x4096xf32, #tpu.memory_space<vmem>>, vector<1x64x2048xf32>
    %swap3A_23 = vector.shape_cast %swap3A_22 : vector<1x64x2048xf32> to vector<64x2048xf32>
    %swap3A_24 = vector.shape_cast %slice3A_18 : vector<64x2048xf32> to vector<1x64x2048xf32>
    tpu.vector_store %arg2[%swap3A_19, %swap3A_20, %swap3A_21], %swap3A_24 {strides = array<i32>} : memref<8x64x4096xf32, #tpu.memory_space<vmem>>, vector<1x64x2048xf32>,
    %slice3A_25 = vector.extract_strided_slice %transpose3A_17 {offsets = [64, 0], sizes = [64, 2048], strides = [1, 1]} : vector<128x2048xf32> to vector<64x2048xf32>
    %swap3A_26 = arith.constant 1 : index
    %swap3A_27 = arith.constant 0 : index
    %swap3A_28 = arith.constant 2048 : index
    %swap3A_29 = vector.load %arg2[%swap3A_26, %swap3A_27, %swap3A_28] : memref<8x64x4096xf32, #tpu.memory_space<vmem>>, vector<1x64x2048xf32>
    %swap3A_30 = vector.shape_cast %swap3A_29 : vector<1x64x2048xf32> to vector<64x2048xf32>
    %swap3A_31 = vector.shape_cast %slice3A_25 : vector<64x2048xf32> to vector<1x64x2048xf32>
    tpu.vector_store %arg2[%swap3A_26, %swap3A_27, %swap3A_28], %swap3A_31 {strides = array<i32>} : memref<8x64x4096xf32, #tpu.memory_space<vmem>>, vector<1x64x2048xf32>,
    %get3A_32 = arith.constant 4096 : index
    %get3A_33 = arith.constant 0 : index
    %get3A_34 = vector.load %arg1[%get3A_32, %get3A_33] : memref<16384x128xf32, #tpu.memory_space<vmem>>, vector<2048x128xf32>
    %transpose3A_35 = tpu.transpose %get3A_34, [1, 0] : vector<2048x128xf32> -> vector<128x2048xf32>
    %slice3A_36 = vector.extract_strided_slice %transpose3A_35 {offsets = [0, 0], sizes = [64, 2048], strides = [1, 1]} : vector<128x2048xf32> to vector<64x2048xf32>
    %swap3A_37 = arith.constant 2 : index
    %swap3A_38 = arith.constant 0 : index
    %swap3A_39 = arith.constant 0 : index
    %swap3A_40 = vector.load %arg2[%swap3A_37, %swap3A_38, %swap3A_39] : memref<8x64x4096xf32, #tpu.memory_space<vmem>>, vector<1x64x2048xf32>
    %swap3A_41 = vector.shape_cast %swap3A_40 : vector<1x64x2048xf32> to vector<64x2048xf32>
    %swap3A_42 = vector.shape_cast %slice3A_36 : vector<64x2048xf32> to vector<1x64x2048xf32>
    tpu.vector_store %arg2[%swap3A_37, %swap3A_38, %swap3A_39], %swap3A_42 {strides = array<i32>} : memref<8x64x4096xf32, #tpu.memory_space<vmem>>, vector<1x64x2048xf32>,
    %slice3A_43 = vector.extract_strided_slice %transpose3A_35 {offsets = [64, 0], sizes = [64, 2048], strides = [1, 1]} : vector<128x2048xf32> to vector<64x2048xf32>
    %swap3A_44 = arith.constant 2 : index
    %swap3A_45 = arith.constant 0 : index
    %swap3A_46 = arith.constant 2048 : index
    %swap3A_47 = vector.load %arg2[%swap3A_44, %swap3A_45, %swap3A_46] : memref<8x64x4096xf32, #tpu.memory_space<vmem>>, vector<1x64x2048xf32>
    %swap3A_48 = vector.shape_cast %swap3A_47 : vector<1x64x2048xf32> to vector<64x2048xf32>
    %swap3A_49 = vector.shape_cast %slice3A_43 : vector<64x2048xf32> to vector<1x64x2048xf32>
    tpu.vector_store %arg2[%swap3A_44, %swap3A_45, %swap3A_46], %swap3A_49 {strides = array<i32>} : memref<8x64x4096xf32, #tpu.memory_space<vmem>>, vector<1x64x2048xf32>,
    %get3A_50 = arith.constant 6144 : index
    %get3A_51 = arith.constant 0 : index
    %get3A_52 = vector.load %arg1[%get3A_50, %get3A_51] : memref<16384x128xf32, #tpu.memory_space<vmem>>, vector<2048x128xf32>
    %transpose3A_53 = tpu.transpose %get3A_52, [1, 0] : vector<2048x128xf32> -> vector<128x2048xf32>
    %slice3A_54 = vector.extract_strided_slice %transpose3A_53 {offsets = [0, 0], sizes = [64, 2048], strides = [1, 1]} : vector<128x2048xf32> to vector<64x2048xf32>
    %swap3A_55 = arith.constant 3 : index
    %swap3A_56 = arith.constant 0 : index
    %swap3A_57 = arith.constant 0 : index
    %swap3A_58 = vector.load %arg2[%swap3A_55, %swap3A_56, %swap3A_57] : memref<8x64x4096xf32, #tpu.memory_space<vmem>>, vector<1x64x2048xf32>
    %swap3A_59 = vector.shape_cast %swap3A_58 : vector<1x64x2048xf32> to vector<64x2048xf32>
    %swap3A_60 = vector.shape_cast %slice3A_54 : vector<64x2048xf32> to vector<1x64x2048xf32>
    tpu.vector_store %arg2[%swap3A_55, %swap3A_56, %swap3A_57], %swap3A_60 {strides = array<i32>} : memref<8x64x4096xf32, #tpu.memory_space<vmem>>, vector<1x64x2048xf32>,
    %slice3A_61 = vector.extract_strided_slice %transpose3A_53 {offsets = [64, 0], sizes = [64, 2048], strides = [1, 1]} : vector<128x2048xf32> to vector<64x2048xf32>
    %swap3A_62 = arith.constant 3 : index
    %swap3A_63 = arith.constant 0 : index
    %swap3A_64 = arith.constant 2048 : index
    %swap3A_65 = vector.load %arg2[%swap3A_62, %swap3A_63, %swap3A_64] : memref<8x64x4096xf32, #tpu.memory_space<vmem>>, vector<1x64x2048xf32>
    %swap3A_66 = vector.shape_cast %swap3A_65 : vector<1x64x2048xf32> to vector<64x2048xf32>
    %swap3A_67 = vector.shape_cast %slice3A_61 : vector<64x2048xf32> to vector<1x64x2048xf32>
    tpu.vector_store %arg2[%swap3A_62, %swap3A_63, %swap3A_64], %swap3A_67 {strides = array<i32>} : memref<8x64x4096xf32, #tpu.memory_space<vmem>>, vector<1x64x2048xf32>,
    %get3A_68 = arith.constant 8192 : index
    %get3A_69 = arith.constant 0 : index
    %get3A_70 = vector.load %arg1[%get3A_68, %get3A_69] : memref<16384x128xf32, #tpu.memory_space<vmem>>, vector<2048x128xf32>
    %transpose3A_71 = tpu.transpose %get3A_70, [1, 0] : vector<2048x128xf32> -> vector<128x2048xf32>
    %slice3A_72 = vector.extract_strided_slice %transpose3A_71 {offsets = [0, 0], sizes = [64, 2048], strides = [1, 1]} : vector<128x2048xf32> to vector<64x2048xf32>
    %swap3A_73 = arith.constant 4 : index
    %swap3A_74 = arith.constant 0 : index
    %swap3A_75 = arith.constant 0 : index
    %swap3A_76 = vector.load %arg2[%swap3A_73, %swap3A_74, %swap3A_75] : memref<8x64x4096xf32, #tpu.memory_space<vmem>>, vector<1x64x2048xf32>
    %swap3A_77 = vector.shape_cast %swap3A_76 : vector<1x64x2048xf32> to vector<64x2048xf32>
    %swap3A_78 = vector.shape_cast %slice3A_72 : vector<64x2048xf32> to vector<1x64x2048xf32>
    tpu.vector_store %arg2[%swap3A_73, %swap3A_74, %swap3A_75], %swap3A_78 {strides = array<i32>} : memref<8x64x4096xf32, #tpu.memory_space<vmem>>, vector<1x64x2048xf32>,
    %slice3A_79 = vector.extract_strided_slice %transpose3A_71 {offsets = [64, 0], sizes = [64, 2048], strides = [1, 1]} : vector<128x2048xf32> to vector<64x2048xf32>
    %swap3A_80 = arith.constant 4 : index
    %swap3A_81 = arith.constant 0 : index
    %swap3A_82 = arith.constant 2048 : index
    %swap3A_83 = vector.load %arg2[%swap3A_80, %swap3A_81, %swap3A_82] : memref<8x64x4096xf32, #tpu.memory_space<vmem>>, vector<1x64x2048xf32>
    %swap3A_84 = vector.shape_cast %swap3A_83 : vector<1x64x2048xf32> to vector<64x2048xf32>
    %swap3A_85 = vector.shape_cast %slice3A_79 : vector<64x2048xf32> to vector<1x64x2048xf32>
    tpu.vector_store %arg2[%swap3A_80, %swap3A_81, %swap3A_82], %swap3A_85 {strides = array<i32>} : memref<8x64x4096xf32, #tpu.memory_space<vmem>>, vector<1x64x2048xf32>,
    %get3A_86 = arith.constant 10240 : index
    %get3A_87 = arith.constant 0 : index
    %get3A_88 = vector.load %arg1[%get3A_86, %get3A_87] : memref<16384x128xf32, #tpu.memory_space<vmem>>, vector<2048x128xf32>
    %transpose3A_89 = tpu.transpose %get3A_88, [1, 0] : vector<2048x128xf32> -> vector<128x2048xf32>
    %slice3A_90 = vector.extract_strided_slice %transpose3A_89 {offsets = [0, 0], sizes = [64, 2048], strides = [1, 1]} : vector<128x2048xf32> to vector<64x2048xf32>
    %swap3A_91 = arith.constant 5 : index
    %swap3A_92 = arith.constant 0 : index
    %swap3A_93 = arith.constant 0 : index
    %swap3A_94 = vector.load %arg2[%swap3A_91, %swap3A_92, %swap3A_93] : memref<8x64x4096xf32, #tpu.memory_space<vmem>>, vector<1x64x2048xf32>
    %swap3A_95 = vector.shape_cast %swap3A_94 : vector<1x64x2048xf32> to vector<64x2048xf32>
    %swap3A_96 = vector.shape_cast %slice3A_90 : vector<64x2048xf32> to vector<1x64x2048xf32>
    tpu.vector_store %arg2[%swap3A_91, %swap3A_92, %swap3A_93], %swap3A_96 {strides = array<i32>} : memref<8x64x4096xf32, #tpu.memory_space<vmem>>, vector<1x64x2048xf32>,
    %slice3A_97 = vector.extract_strided_slice %transpose3A_89 {offsets = [64, 0], sizes = [64, 2048], strides = [1, 1]} : vector<128x2048xf32> to vector<64x2048xf32>
    %swap3A_98 = arith.constant 5 : index
    %swap3A_99 = arith.constant 0 : index
    %swap3A_100 = arith.constant 2048 : index
    %swap3A_101 = vector.load %arg2[%swap3A_98, %swap3A_99, %swap3A_100] : memref<8x64x4096xf32, #tpu.memory_space<vmem>>, vector<1x64x2048xf32>
    %swap3A_102 = vector.shape_cast %swap3A_101 : vector<1x64x2048xf32> to vector<64x2048xf32>
    %swap3A_103 = vector.shape_cast %slice3A_97 : vector<64x2048xf32> to vector<1x64x2048xf32>
    tpu.vector_store %arg2[%swap3A_98, %swap3A_99, %swap3A_100], %swap3A_103 {strides = array<i32>} : memref<8x64x4096xf32, #tpu.memory_space<vmem>>, vector<1x64x2048xf32>,
    %get3A_104 = arith.constant 12288 : index
    %get3A_105 = arith.constant 0 : index
    %get3A_106 = vector.load %arg1[%get3A_104, %get3A_105] : memref<16384x128xf32, #tpu.memory_space<vmem>>, vector<2048x128xf32>
    %transpose3A_107 = tpu.transpose %get3A_106, [1, 0] : vector<2048x128xf32> -> vector<128x2048xf32>
    %slice3A_108 = vector.extract_strided_slice %transpose3A_107 {offsets = [0, 0], sizes = [64, 2048], strides = [1, 1]} : vector<128x2048xf32> to vector<64x2048xf32>
    %swap3A_109 = arith.constant 6 : index
    %swap3A_110 = arith.constant 0 : index
    %swap3A_111 = arith.constant 0 : index
    %swap3A_112 = vector.load %arg2[%swap3A_109, %swap3A_110, %swap3A_111] : memref<8x64x4096xf32, #tpu.memory_space<vmem>>, vector<1x64x2048xf32>
    %swap3A_113 = vector.shape_cast %swap3A_112 : vector<1x64x2048xf32> to vector<64x2048xf32>
    %swap3A_114 = vector.shape_cast %slice3A_108 : vector<64x2048xf32> to vector<1x64x2048xf32>
    tpu.vector_store %arg2[%swap3A_109, %swap3A_110, %swap3A_111], %swap3A_114 {strides = array<i32>} : memref<8x64x4096xf32, #tpu.memory_space<vmem>>, vector<1x64x2048xf32>,
    %slice3A_115 = vector.extract_strided_slice %transpose3A_107 {offsets = [64, 0], sizes = [64, 2048], strides = [1, 1]} : vector<128x2048xf32> to vector<64x2048xf32>
    %swap3A_116 = arith.constant 6 : index
    %swap3A_117 = arith.constant 0 : index
    %swap3A_118 = arith.constant 2048 : index
    %swap3A_119 = vector.load %arg2[%swap3A_116, %swap3A_117, %swap3A_118] : memref<8x64x4096xf32, #tpu.memory_space<vmem>>, vector<1x64x2048xf32>
    %swap3A_120 = vector.shape_cast %swap3A_119 : vector<1x64x2048xf32> to vector<64x2048xf32>
    %swap3A_121 = vector.shape_cast %slice3A_115 : vector<64x2048xf32> to vector<1x64x2048xf32>
    tpu.vector_store %arg2[%swap3A_116, %swap3A_117, %swap3A_118], %swap3A_121 {strides = array<i32>} : memref<8x64x4096xf32, #tpu.memory_space<vmem>>, vector<1x64x2048xf32>,
    %get3A_122 = arith.constant 14336 : index
    %get3A_123 = arith.constant 0 : index
    %get3A_124 = vector.load %arg1[%get3A_122, %get3A_123] : memref<16384x128xf32, #tpu.memory_space<vmem>>, vector<2048x128xf32>
    %transpose3A_125 = tpu.transpose %get3A_124, [1, 0] : vector<2048x128xf32> -> vector<128x2048xf32>
    %slice3A_126 = vector.extract_strided_slice %transpose3A_125 {offsets = [0, 0], sizes = [64, 2048], strides = [1, 1]} : vector<128x2048xf32> to vector<64x2048xf32>
    %swap3A_127 = arith.constant 7 : index
    %swap3A_128 = arith.constant 0 : index
    %swap3A_129 = arith.constant 0 : index
    %swap3A_130 = vector.load %arg2[%swap3A_127, %swap3A_128, %swap3A_129] : memref<8x64x4096xf32, #tpu.memory_space<vmem>>, vector<1x64x2048xf32>
    %swap3A_131 = vector.shape_cast %swap3A_130 : vector<1x64x2048xf32> to vector<64x2048xf32>
    %swap3A_132 = vector.shape_cast %slice3A_126 : vector<64x2048xf32> to vector<1x64x2048xf32>
    tpu.vector_store %arg2[%swap3A_127, %swap3A_128, %swap3A_129], %swap3A_132 {strides = array<i32>} : memref<8x64x4096xf32, #tpu.memory_space<vmem>>, vector<1x64x2048xf32>,
    %slice3A_133 = vector.extract_strided_slice %transpose3A_125 {offsets = [64, 0], sizes = [64, 2048], strides = [1, 1]} : vector<128x2048xf32> to vector<64x2048xf32>
    %swap3A_134 = arith.constant 7 : index
    %swap3A_135 = arith.constant 0 : index
    %swap3A_136 = arith.constant 2048 : index
    %swap3A_137 = vector.load %arg2[%swap3A_134, %swap3A_135, %swap3A_136] : memref<8x64x4096xf32, #tpu.memory_space<vmem>>, vector<1x64x2048xf32>
    %swap3A_138 = vector.shape_cast %swap3A_137 : vector<1x64x2048xf32> to vector<64x2048xf32>
    %swap3A_139 = vector.shape_cast %slice3A_133 : vector<64x2048xf32> to vector<1x64x2048xf32>
    tpu.vector_store %arg2[%swap3A_134, %swap3A_135, %swap3A_136], %swap3A_139 {strides = array<i32>} : memref<8x64x4096xf32, #tpu.memory_space<vmem>>, vector<1x64x2048xf32>,
    return
  }
  func.func @transform_0(%arg0: i32) -> (i32, i32) {
    %c0_i32 = arith.constant 0 : i32
    %c0_i32_0 = arith.constant 0 : i32
    return %arg0, %c0_i32 : i32, i32
  }
  func.func @transform_1(%arg0: i32) -> (i32, i32, i32) {
    %c0_i32 = arith.constant 0 : i32
    %c0_i32_0 = arith.constant 0 : i32
    %c0_i32_1 = arith.constant 0 : i32
    return %arg0, %c0_i32, %c0_i32_0 : i32, i32, i32
  }
}

</mosaic_0001>

<sc_bundles>
// kernel: kernel.4.cloned.1.call-start
scs
__scs_entry_jumppad:
0x0: {  	(pc) =	sbr.rel $0x88, $3  }
0x1: {  	(tag) =	ssettag $0x0;
	lr =	simm.s32 $0x1  }
0x2: {  	[smem:$0x3F9F] =	sst lr;
	_ =	strace $0xD0000000  }
0x3: {  	_ = 	snop  }
0x4: {  	_ = 	snop  }
0x5: {  	_ = 	snop  }
0x6: {  	_ = 	snop  }
0x7: {  	_ = 	snop  }
__scs_overlays_trampoline_lowered:
0x8: {  	[smem:$0x3FAE] =	sst s0  }
0x9: {  	[smem:$0x3FAF] =	sst s1  }
0xa: {  	[smem:$0x3FB0] =	sst s2  }
0xb: {  	[smem:$0x3FB1] =	sst s3  }
0xc: {  	[smem:$0x3FB2] =	sst s4  }
0xd: {  	[smem:$0x3FB3] =	sst s5  }
0xe: {  	[smem:$0x3FB4] =	sst s6  }
0xf: {  	[smem:$0x3FB5] =	sst s7  }
0x10: {  	[smem:$0x3FB6] =	sst s8  }
0x11: {  	[smem:$0x3FB7] =	sst s9;
	s0 =	simm.s32 @!p0 $0x0  }
0x12: {  	s1 =	sld [smem:$0x3F9D];
	s0 =	simm.s32 @p0 $0x1  }
0x13: {  	[smem:$0x3FB8] =	sst s0;
	s0 =	simm.s32 @!p1 $0x0  }
0x14: {  	s2 =	sld [smem:$0x3F9C];
	s0 =	simm.s32 @p1 $0x1  }
0x15: {  	[smem:$0x3FB9] =	sst s0;
	s0 =	simm.s32 @!p2 $0x0  }
0x16: {  	s3 =	sld [smem:$0x3FDB];
	s0 =	simm.s32 @p2 $0x1  }
0x17: {  	s4 =	simm.s32 $0x1BF5;
	[smem:$0x3FBB] =	sst s0  }
0x18: {  	s0 =	sld [smem:$0x3F9E];
	_ =	swait.ge [sflag:s4], $0x0  }
0x19: {  	s7 =	sld [smem:$0x3F9F]  }
0x1a: {  	s8 =	sadd.s32 $0xFFFFE003, lr  }
0x1b: {  	s9 =	sadd.s32 $0xFFFFFEF7, lr;
	s5 =	simm.s32 $0xFFFFFFFF;
	p2 =	slt.u32 s8, $0xFFFFF086  }
0x1c: {  	p1 =	slt.u32 s9, $0xF7A;
	s5 =	simm.s32 @!p2 $0x0  }
0x1d: {  	s5 =	simm.s32 @p1 $0x1;
	p0 =	seq.s32 s7, s2  }
0x1e: {  	s7 =	smul.u32 @!p0 $0xF7A, s2;
	p2 =	seq.s32 @!p0 s5, $0x0  }
0x1f: {  	s9 =	smul.u32 $0xF7A, s1;
	s8 =	simm.s32 @!p0 $0x1BF5;
	p2 =	por !p2, p0  }
0x20: {  	[sflag:s8] =	ssyncset.s32 @!p0 $0xFFFFF086;
	s6 =	sadd.s32 @!p0 s3, s7;
	s7 =	simm.s32 @!p0 $0x108  }
0x21: {  	s3 =	sadd.s32 s3, s9;
	s6 =	sadd.s32 @!p0 $0x88, s6;
	s7 =	simm.s32 @p2 $0x1082  }
0x22: {  	[simem:s7], [sflag:s8] =	dma.local @!p0 [hbm:s6], $0xF7A  }
0x23: {  	s9 =	sor.u32 $0xD0000000, s2;
	s6 =	simm.s32 $0x108;
	_ =	swait.ge @!p0 [sflag:s8], $0x0  }
0x24: {  	s3 =	sadd.s32 $0x88, s3;
	s6 =	simm.s32 @!p1 $0x1082;
	[sflag:s4] =	ssyncset.s32 $0xFFFFF086  }
0x25: {  	[simem:s6], [sflag:s4] =	dma.local [hbm:s3], $0xF7A  }
0x26: {  	[smem:$0x3F9F] =	sst s1;
	(tag) =	ssettag s2;
	_ =	strace s9  }
0x27: {  	s1 =	sld [smem:$0x3FAF]  }
0x28: {  	s2 =	sld [smem:$0x3FB0]  }
0x29: {  	s4 =	sld [smem:$0x3FB2]  }
0x2a: {  	p0 =	seq.s32 s5, $0x0;
	s5 =	sld [smem:$0x3FB3]  }
0x2b: {  	s6 =	sld [smem:$0x3FB4]  }
0x2c: {  	s7 =	sld [smem:$0x3FB5]  }
0x2d: {  	s3 =	simm.s32 $0x108;
	s8 =	sld [smem:$0x3FB6]  }
0x2e: {  	s3 =	simm.s32 @!p0 $0x1082;
	s9 =	sld [smem:$0x3FB7]  }
0x2f: {  	lr =	sadd.s32 s0, s3;
	s0 =	sld [smem:$0x3FAE]  }
0x30: {  	s3 =	sld [smem:$0x3FB1]  }
0x31: {  	[smem:$0x3FBA] =	sst s10  }
0x32: {  	s10 =	sld [smem:$0x3FB8];
	_ =	sdelay $0x3  }
0x33: {  	p0 =	seq.s32 s10, $0x1;
	s10 =	sld [smem:$0x3FBA];
	_ =	sdelay $0x3  }
0x34: {  	[smem:$0x3FBA] =	sst s10  }
0x35: {  	s10 =	sld [smem:$0x3FB9];
	_ =	sdelay $0x3  }
0x36: {  	p1 =	seq.s32 s10, $0x1;
	s10 =	sld [smem:$0x3FBA];
	_ =	sdelay $0x3  }
0x37: {  	[smem:$0x3FBA] =	sst s10  }
0x38: {  	s10 =	sld [smem:$0x3FBB]  }
0x39: {  	_ = 	snop;
	(pc) =	sbr.ind lr, $3  }
0x3a: {  	_ = 	snop  }
0x3b: {  	_ = 	snop  }
0x3c: {  	p2 =	seq.s32 s10, $0x1;
	s10 =	sld [smem:$0x3FBA]  }
0x3d: {  	_ =	shalt  }
0x3e: {  	_ =	shalt  }
0x3f: {  	_ =	shalt  }
0x40: {  	_ =	shalt  }
0x41: {  	_ =	shalt  }
0x42: {  	_ =	shalt  }
0x43: {  	_ =	shalt  }
0x44: {  	_ =	shalt  }
0x45: {  	_ =	shalt  }
0x46: {  	_ =	shalt  }
0x47: {  	_ =	shalt  }
0x48: {  	_ =	shalt  }
0x49: {  	_ =	shalt  }
0x4a: {  	_ =	shalt  }
0x4b: {  	_ =	shalt  }
0x4c: {  	_ =	shalt  }
0x4d: {  	_ =	shalt  }
0x4e: {  	_ =	shalt  }
0x4f: {  	_ =	shalt  }
0x50: {  	_ =	shalt  }
0x51: {  	_ =	shalt  }
0x52: {  	_ =	shalt  }
0x53: {  	_ =	shalt  }
0x54: {  	_ =	shalt  }
0x55: {  	_ =	shalt  }
0x56: {  	_ =	shalt  }
0x57: {  	_ =	shalt  }
0x58: {  	_ =	shalt  }
0x59: {  	_ =	shalt  }
0x5a: {  	_ =	shalt  }
0x5b: {  	_ =	shalt  }
0x5c: {  	_ =	shalt  }
0x5d: {  	_ =	shalt  }
0x5e: {  	_ =	shalt  }
0x5f: {  	_ =	shalt  }
0x60: {  	_ =	shalt  }
0x61: {  	_ =	shalt  }
0x62: {  	_ =	shalt  }
0x63: {  	_ =	shalt  }
0x64: {  	_ =	shalt  }
0x65: {  	_ =	shalt  }
0x66: {  	_ =	shalt  }
0x67: {  	_ =	shalt  }
0x68: {  	_ =	shalt  }
0x69: {  	_ =	shalt  }
0x6a: {  	_ =	shalt  }
0x6b: {  	_ =	shalt  }
0x6c: {  	_ =	shalt  }
0x6d: {  	_ =	shalt  }
0x6e: {  	_ =	shalt  }
0x6f: {  	_ =	shalt  }
0x70: {  	_ =	shalt  }
0x71: {  	_ =	shalt  }
0x72: {  	_ =	shalt  }
0x73: {  	_ =	shalt  }
0x74: {  	_ =	shalt  }
0x75: {  	_ =	shalt  }
0x76: {  	_ =	shalt  }
0x77: {  	_ =	shalt  }
0x78: {  	_ =	shalt  }
0x79: {  	_ =	shalt  }
0x7a: {  	_ =	shalt  }
0x7b: {  	_ =	shalt  }
0x7c: {  	_ =	shalt  }
0x7d: {  	_ =	shalt  }
0x7e: {  	_ =	shalt  }
0x7f: {  	_ =	shalt  }
0x80: {  	_ =	shalt  }
0x81: {  	_ =	shalt  }
0x82: {  	_ =	shalt  }
0x83: {  	_ =	shalt  }
0x84: {  	_ =	shalt  }
0x85: {  	_ =	shalt  }
0x86: {  	_ =	shalt  }
0x87: {  	_ =	shalt  }
.Lfunc_end0:
.L_simem_size_0:
called_computation_lowered:
.L_overlay_start_0:
0x88: {  	s2 =	sld [smem:$0x3FD9]  }
0x89: {  	s3 =	sld [smem:$0x3FFE];
	_ =	sdelay $0x1  }
0x8a: {  	s1 =	srdreg.scid  }
0x8b: {  	s0 =	sand.u32 $0x1, s1  }
0x8c: {  	s16 =	sshll.u32 s0, $0xA;
	s2 =	sadd.s32 s3, s2  }
0x8d: {  	s2 =	sadd.s32 s2, s16  }
0x8e: {  	[smem:$0x3FC6] =	sst s2  }
0x8f: {  	_ = 	snop  }
0x90: {  	(tm) =	ssettm $0x1  }
0x91: {  	s17 =	sld [smem:$0x3FFB];
	_ =	sdelay $0x3  }
0x92: {  	_ =	strace s17  }
0x93: {  	s2 =	sld [smem:$0x3FFC];
	_ =	sdelay $0x3  }
0x94: {  	_ =	strace s2  }
0x95: {  	s2 =	sld [smem:$0x3FFD];
	_ =	sdelay $0x3  }
0x96: {  	_ =	strace s2  }
0x97: {  	_ =	strace $0x8FFFFFFF  }
0x98: {  	s18 =	sld [smem:$0x3FDB];
	_ =	sdelay $0x1  }
0x99: {  	s19 =	simm.s32 $_scs_section_size  }
0x9a: {  	s4 =	simm.s32 $_size__tile_overlayer_lowered;
	s5 =	simm.s32 $_tile_overlayer_lowered  }
0x9b: {  	s22 =	simm.s32 $0x1BFF;
	s21 =	sshll.u32 s5, $0x1;
	s2 =	sadd.s32 s19, s18  }
0x9c: {  	s6 =	simm.s32 $0x0;
	s20 =	sshll.u32 s4, $0x1;
	s4 =	sadd.s32 s21, s2  }
0x9d: {  	[timem:s6], [sflag:s22] =	dma.local [hbm:s4], s20  }
0x9e: {  	_ =	swait.ge [sflag:s22], s20  }
0x9f: {  	s3 =	ssub.s32 $0x0, s20;
	[sflag:s22] =	ssyncset.done $0x0  }
0xa0: {  	[sflag:s22] =	ssyncadd.s32 s3;
	_ =	sdelay $0x1  }
0xa1: {  	s23 =	simm.s32 $0x1B8B  }
0xa2: {  	_ =	swait.ge [sflag:s23], $0x1  }
0xa3: {  	[sflag:s23] =	ssyncset.done $0x0  }
0xa4: {  	s25 =	simm.s32 $0x1B8E;
	s24 =	sld [smem:$0x3FFE];
	[sflag:s23] =	ssyncadd.s32 $0xFFFFFFFF  }
0xa5: {  	s26 =	simm.s32 $execute0_lowered;
	[smem:$0x3FD2] =	sst s25  }
0xa6: {  	s4 =	sshll.u32 s26, $0x1;
	_ =	strace $0x80000046;
	[dreg:$0x1] =	wrdreg $0xFFFFFFFF  }
0xa7: {  	s28 =	simm.s32 $_size_execute0_lowered;
	s2 =	sadd.s32 s2, s4;
	[dreg:$0x0] =	wrdreg $0x0  }
0xa8: {  	s4 =	sshll.u32 s28, $0x1;
	[dreg:$0x2] =	wrdreg s2  }
0xa9: {  	[dreg:$0x3] =	wrdreg s4  }
0xaa: {  	[dreg:$0x4] =	wrdreg $0xC0  }
0xab: {  	_ =	task [dreg:s6], $0x5FFFF  }
0xac: {  	[dreg:$0x1] =	wrdreg $0xFFFFFFFF  }
0xad: {  	[dreg:$0x0] =	wrdreg $0x60  }
0xae: {  	[dreg:$0x2] =	wrdreg s24  }
0xaf: {  	[dreg:$0x3] =	wrdreg $0x9  }
0xb0: {  	_ =	task.clear_ibuf [dreg:s6], $0x4FFFF;
	_ =	strace $0x90000046  }
0xb1: {  	s29 =	simm.s32 $0x9;
	_ =	strace $0x80000048  }
0xb2: {  	_ =	swait.ge [sflag:s29], $0x1  }
0xb3: {  	[sflag:s29] =	ssyncadd.s32 $0xFFFFFFFF  }
0xb4: {  	_ =	strace $0x90000048  }
0xb5: {  	_ =	sfence  }
0xb6: {  	s30 =	sld [smem:$0x0];
	_ =	sdelay $0x2  }
0xb7: {  	s31 =	sshll.u32 s1, $0xD;
	s1 =	sshrl.u32 s1, $0x2  }
0xb8: {  	s3 =	sand.u32 $0x4000, s31;
	s1 =	sadd.s32 s1, s30  }
0xb9: {  	s0 =	sor.u32 s3, s0;
	s1 =	sshll.u32 s1, $0x11  }
0xba: {  	s0 =	sor.u32 s1, s0  }
0xbb: {  	s0 =	sadd.s32 $0x8F2B, s0  }
0xbc: {  	[sflag:s0] =	ssyncadd.remote.s32 $0x1  }
0xbd: {  	_ =	sfence.sel $0xFFFF  }
0xbe: {  	[dreg:$0x0] =	wrdreg $0xFFFFFFFF;
	(pc) =	sbr.abs _section_cstart, $3  }
0xbf: {  	[dreg:$0x1] =	wrdreg $0xFFFFFFFF  }
0xc0: {  	_ =	task.clear_ibuf [dreg:s6], $0x2FFFF;
	_ =	strace $0x9FFFFFFF  }
0xc1: {  	(tm) =	ssettm $0x7FFFFFFF  }
tec
execute0_lowered:
.L_overlay_start_1:
0x0: {  	(tag) =	ssettag $0x1  }
0x1: {  	s0 =	srdreg.scid  }
0x2: {  	s2 =	stileid.u32;
	s4 =	rddreg [dreg:$0x0];
	s3 =	simm.s32 $0x0  }
0x3: {  	s14 =	simm.s32 $0x8400;
	s15 =	simm.s32 $0xA400;
	s16 =	simm.s32 $0xC400  }
0x4: {  	s17 =	simm.s32 $0x1;
	s18 =	simm.s32 $0x40;
	s7 =	smul.u32 $0x320000, s2  }
0x5: {  	s19 =	simm.s32 $0xE400;
	s20 =	simm.s32 $0x10400;
	s9 =	smul.u32 $0x640, s2  }
0x6: {  	s21 =	simm.s32 $0x12400;
	s22 =	simm.s32 $0x14400;
	s11 =	smul.u32 $0x640000, s2  }
0x7: {  	s23 =	simm.s32 $0x2;
	s0 =	sand.u32 $0x1, s0;
	s13 =	smul.u32 $0x190, s2  }
0x8: {  	s24 =	simm.s32 $0x3;
	s25 =	simm.s32 $0x0;
	s8 =	smul.u32 $0x190000, s0  }
0x9: {  	s1 =	sshll.u32 s2, $0x1;
	[smem:$0x7FF] =	sst s3;
	s10 =	smul.u32 $0x320, s0  }
0xa: {  	s3 =	sadd.s32 $0x19400, s4;
	s5 =	ssub.s32 $0x2, s0;
	s12 =	smul.u32 $0x320000, s0  }
0xb: {  	s1 =	sor.u32 s0, s1;
	s0 =	smul.u32 $0xC8, s0;
	s6 =	sshrl.u32 s5, $0x1  }
0xc: {  	_ =	strace $0x80000047;
	s1 =	smul.u32 $0xC80, s1;
	s6 =	ssub.s32 s5, s6  }
0xd: {  	s7 =	sadd.s32 s8, s7;
	s8 =	sadd.s32 s10, s9;
	s9 =	sadd.s32 s12, s11  }
0xe: {  	s10 =	sadd.s32 s0, s13;
	s1 =	sadd.s32 s1, s4;
	s31 =	smax.u32 s6, $0x1  }
0xf: {  	s12 =	simm.s32 $0x80;
	s1 =	sadd.s32 $0x400, s1;
	[dreg:$0x3] =	wrdreg s31  }
0x10: {  	s13 =	simm.s32 $0x6400;
	s4 =	sadd.s32 $0xDCA00, s4;
	[dreg:$0x2] =	wrdreg s1  }
.LBB2_1:
0x11: {  	s0 =	simm.s32 $0x0;
	s1 =	rddreg [dreg:$0x2];
	s26 =	simm.s32 $0x4  }
0x12: {  	[tilespmem:s0], [sflag:$0x4] =	stream.linear.gather [hbm4b:s1+s0], $0x6400, $0x38;
	[tilespmem:$0x16400] =	vst v63  }
0x13: {  	p0 =	por $0x1, $0x1;
	_ =	swait.ge [sflag:s26], $0x6400  }
0x14: {  	p0 =	por p0, p0;
	[sflag:s26] =	ssyncset.done $0x0  }
0x15: {  	s0 =	simm.s32 @!p0 $0x2;
	[sflag:s26] =	ssyncadd.s32 $0xFFFF9C00  }
0x16: {  	_ =	swait.ge @!p0 [sflag:s0], $0x2000  }
0x17: {  	[sflag:s0] =	ssyncset.done @!p0 $0x0  }
0x18: {  	[sflag:s0] =	ssyncadd.s32 @!p0 $0xFFFFE000  }
0x19: {  	_ =	swait.ge @!p0 [sflag:s0], $0x2000  }
0x1a: {  	[sflag:s0] =	ssyncset.done @!p0 $0x0  }
0x1b: {  	[sflag:s0] =	ssyncadd.s32 @!p0 $0xFFFFE000  }
0x1c: {  	_ =	swait.ge @!p0 [sflag:s0], $0x2000  }
0x1d: {  	[sflag:s0] =	ssyncset.done @!p0 $0x0  }
0x1e: {  	[sflag:s0] =	ssyncadd.s32 @!p0 $0xFFFFE000  }
0x1f: {  	_ =	swait.ge @!p0 [sflag:s0], $0x2000  }
0x20: {  	[sflag:s0] =	ssyncset.done @!p0 $0x0  }
0x21: {  	s1 =	simm.s32 $0x0;
	[sflag:s0] =	ssyncadd.s32 @!p0 $0xFFFFE000  }
0x22: {  	[tilespmem:s13], [sflag:$0x1] =	stream.indirect.gather [hbm4b:s3+s12], $0x40, s1, s12, $0xb8;
	[tilespmem:$0x16400] =	vst v63  }
0x23: {  	s2 =	simm.s32 $0x80  }
0x24: {  	[tilespmem:s14], [sflag:$0x1] =	stream.indirect.gather [hbm4b:s3+s12], $0x40, s2, s12, $0xb8;
	[tilespmem:$0x16400] =	vst v63  }
0x25: {  	s5 =	simm.s32 $0x100  }
0x26: {  	[tilespmem:s15], [sflag:$0x1] =	stream.indirect.gather [hbm4b:s3+s12], $0x40, s5, s12, $0xb8;
	[tilespmem:$0x16400] =	vst v63  }
0x27: {  	s6 =	simm.s32 $0x180  }
0x28: {  	[tilespmem:s16], [sflag:$0x1] =	stream.indirect.gather [hbm4b:s3+s12], $0x40, s6, s12, $0xb8;
	[tilespmem:$0x16400] =	vst v63  }
0x29: {  	_ =	swait.ge [sflag:s17], $0x2000  }
0x2a: {  	[sflag:s17] =	ssyncset.done $0x0  }
0x2b: {  	[sflag:s17] =	ssyncadd.s32 $0xFFFFE000  }
0x2c: {  	_ =	swait.ge [sflag:s17], $0x2000  }
0x2d: {  	s11 =	sshll.u32 s10, $0x2;
	[sflag:s17] =	ssyncset.done $0x0  }
0x2e: {  	s28 =	sshll.u32 s10, $0xE;
	s26 =	sand.u32 $0x40, s8;
	[sflag:s17] =	ssyncadd.s32 $0xFFFFE000  }
0x2f: {  	s0 =	sand.u32 $0x40, s11;
	s2 =	sand.u32 $0x20000, s9;
	_ =	swait.ge [sflag:s17], $0x2000  }
0x30: {  	s1 =	sor.u32 s26, s2;
	s5 =	sand.u32 $0x20000, s28;
	[sflag:s17] =	ssyncset.done $0x0  }
0x31: {  	s28 =	sand.u32 $0x7FFC0000, s7;
	s0 =	sor.u32 s5, s0;
	[sflag:s17] =	ssyncadd.s32 $0xFFFFE000  }
0x32: {  	s1 =	sor.u32 s28, s1;
	s0 =	sor.u32 s28, s0;
	_ =	swait.ge [sflag:s17], $0x2000  }
0x33: {  	s1 =	sshrl.u32 s1, $0x3;
	s0 =	sshrl.u32 s0, $0x3;
	[sflag:s17] =	ssyncset.done $0x0  }
0x34: {  	s1 =	sadd.s32 s1, s4;
	s0 =	sadd.s32 s4, s0;
	[sflag:s17] =	ssyncadd.s32 $0xFFFFE000  }
0x35: {  	[hbm4b:s0+s18] =	stream.strided.scatter [tilespmem:s13], [sflag:$0x2], $0x2000, s12, s18, $0x38;
	[tilespmem:$0x16400] =	vst v63  }
0x36: {  	s6 =	sadd.s32 $0x800, s1  }
0x37: {  	[hbm4b:s6+s18] =	stream.strided.scatter [tilespmem:s14], [sflag:$0x2], $0x2000, s12, s18, $0x38;
	[tilespmem:$0x16400] =	vst v63  }
0x38: {  	s11 =	sadd.s32 $0x1000, s1  }
0x39: {  	[hbm4b:s11+s18] =	stream.strided.scatter [tilespmem:s15], [sflag:$0x2], $0x2000, s12, s18, $0x38;
	[tilespmem:$0x16400] =	vst v63  }
0x3a: {  	s26 =	sadd.s32 $0x1800, s1;
	s1 =	simm.s32 @!p0 $0x3  }
0x3b: {  	[hbm4b:s26+s18] =	stream.strided.scatter [tilespmem:s16], [sflag:$0x2], $0x2000, s12, s18, $0x38;
	[tilespmem:$0x16400] =	vst v63  }
0x3c: {  	_ =	swait.ge @!p0 [sflag:s1], $0x2000  }
0x3d: {  	[sflag:s1] =	ssyncset.done @!p0 $0x0  }
0x3e: {  	[sflag:s1] =	ssyncadd.s32 @!p0 $0xFFFFE000  }
0x3f: {  	_ =	swait.ge @!p0 [sflag:s1], $0x2000  }
0x40: {  	[sflag:s1] =	ssyncset.done @!p0 $0x0  }
0x41: {  	[sflag:s1] =	ssyncadd.s32 @!p0 $0xFFFFE000  }
0x42: {  	_ =	swait.ge @!p0 [sflag:s1], $0x2000  }
0x43: {  	[sflag:s1] =	ssyncset.done @!p0 $0x0  }
0x44: {  	[sflag:s1] =	ssyncadd.s32 @!p0 $0xFFFFE000  }
0x45: {  	_ =	swait.ge @!p0 [sflag:s1], $0x2000  }
0x46: {  	[sflag:s1] =	ssyncset.done @!p0 $0x0  }
0x47: {  	[sflag:s1] =	ssyncadd.s32 @!p0 $0xFFFFE000;
	s1 =	simm.s32 $0x200  }
0x48: {  	[tilespmem:s19], [sflag:$0x1] =	stream.indirect.gather [hbm4b:s3+s12], $0x40, s1, s12, $0xb8;
	[tilespmem:$0x16400] =	vst v63  }
0x49: {  	s2 =	simm.s32 $0x280  }
0x4a: {  	[tilespmem:s20], [sflag:$0x1] =	stream.indirect.gather [hbm4b:s3+s12], $0x40, s2, s12, $0xb8;
	[tilespmem:$0x16400] =	vst v63  }
0x4b: {  	s5 =	simm.s32 $0x300  }
0x4c: {  	[tilespmem:s21], [sflag:$0x1] =	stream.indirect.gather [hbm4b:s3+s12], $0x40, s5, s12, $0xb8;
	[tilespmem:$0x16400] =	vst v63  }
0x4d: {  	s6 =	simm.s32 $0x380  }
0x4e: {  	[tilespmem:s22], [sflag:$0x1] =	stream.indirect.gather [hbm4b:s3+s12], $0x40, s6, s12, $0xb8;
	[tilespmem:$0x16400] =	vst v63  }
0x4f: {  	_ =	swait.ge [sflag:s17], $0x2000  }
0x50: {  	[sflag:s17] =	ssyncset.done $0x0  }
0x51: {  	[sflag:s17] =	ssyncadd.s32 $0xFFFFE000  }
0x52: {  	_ =	swait.ge [sflag:s17], $0x2000  }
0x53: {  	s31 =	simm.s32 $0x1000;
	[sflag:s17] =	ssyncset.done $0x0  }
0x54: {  	p6 =	por $0x0, $0x0;
	s11 =	sadd.s32 $0x10, s8;
	[sflag:s17] =	ssyncadd.s32 $0xFFFFE000  }
0x55: {  	s2 =	sadd.s32 $0x8000, s7;
	s5 =	sadd.s32 $0x10000, s9;
	_ =	swait.ge [sflag:s17], $0x2000  }
0x56: {  	s1 =	sand.u32 $0x7FFC0000, s2;
	s26 =	sand.u32 $0x30000, s5;
	[sflag:s17] =	ssyncset.done $0x0  }
0x57: {  	s0 =	sand.u32 $0x40, s11;
	s1 =	sor.u32 s26, s1;
	[sflag:s17] =	ssyncadd.s32 $0xFFFFE000  }
0x58: {  	s30 =	sadd.s32 $0x8, s10;
	s0 =	sor.u32 s0, s1;
	_ =	swait.ge [sflag:s17], $0x2000  }
0x59: {  	s29 =	sadd.s32 $0x20, s8;
	s0 =	sshrl.u32 s0, $0x3;
	[sflag:s17] =	ssyncset.done $0x0  }
0x5a: {  	s28 =	sadd.s32 $0x10000, s7;
	s0 =	sadd.s32 s4, s0;
	[sflag:s17] =	ssyncadd.s32 $0xFFFFE000  }
0x5b: {  	[hbm4b:s0+s18] =	stream.strided.scatter [tilespmem:s19], [sflag:$0x3], $0x2000, s12, s18, $0x38;
	[tilespmem:$0x16400] =	vst v63  }
0x5c: {  	p0 =	por p6, p6;
	s26 =	sadd.s32 $0x20000, s9;
	s6 =	sadd.s32 $0x800, s0  }
0x5d: {  	[hbm4b:s6+s18] =	stream.strided.scatter [tilespmem:s20], [sflag:$0x3], $0x2000, s12, s18, $0x38;
	[tilespmem:$0x16400] =	vst v63  }
0x5e: {  	s1 =	simm.s32 $0x2000;
	s11 =	sadd.s32 $0x1000, s0;
	s0 =	sadd.s32 $0x1800, s0  }
0x5f: {  	[hbm4b:s11+s18] =	stream.strided.scatter [tilespmem:s21], [sflag:$0x3], $0x2000, s12, s18, $0x38;
	[tilespmem:$0x16400] =	vst v63  }
.LBB2_2:
0x60: {  	[hbm4b:s0+s18] =	stream.strided.scatter [tilespmem:s22], [sflag:$0x3], $0x2000, s12, s18, $0x38;
	[tilespmem:$0x16400] =	vst v63  }
0x61: {  	s2 =	smov.u32 s1  }
0x62: {  	s1 =	sadd.s32 $0x1000, s1;
	s0 =	simm.s32 @!p0 $0x2;
	p2 =	seq.s32 s2, $0x0  }
0x63: {  	p1 =	sne.s32 s1, $0x19000;
	_ =	swait.ge @!p0 [sflag:s0], $0x2000  }
0x64: {  	[sflag:s0] =	ssyncset.done @!p0 $0x0  }
0x65: {  	[sflag:s0] =	ssyncadd.s32 @!p0 $0xFFFFE000  }
0x66: {  	_ =	swait.ge @!p0 [sflag:s0], $0x2000  }
0x67: {  	[sflag:s0] =	ssyncset.done @!p0 $0x0  }
0x68: {  	[sflag:s0] =	ssyncadd.s32 @!p0 $0xFFFFE000  }
0x69: {  	_ =	swait.ge @!p0 [sflag:s0], $0x2000  }
0x6a: {  	[sflag:s0] =	ssyncset.done @!p0 $0x0  }
0x6b: {  	[sflag:s0] =	ssyncadd.s32 @!p0 $0xFFFFE000  }
0x6c: {  	_ =	swait.ge @!p0 [sflag:s0], $0x2000  }
0x6d: {  	[sflag:s0] =	ssyncset.done @!p0 $0x0  }
0x6e: {  	[sflag:s0] =	ssyncadd.s32 @!p0 $0xFFFFE000;
	s0 =	sshra.s32 s31, $0x2;
	s31 =	smov.u32 s2  }
0x6f: {  	[tilespmem:s13], [sflag:$0x1] =	stream.indirect.gather [hbm4b:s3+s12], $0x40, s0, s12, $0xb8;
	[tilespmem:$0x16400] =	vst v63  }
0x70: {  	s2 =	sadd.s32 $0x80, s0  }
0x71: {  	[tilespmem:s14], [sflag:$0x1] =	stream.indirect.gather [hbm4b:s3+s12], $0x40, s2, s12, $0xb8;
	[tilespmem:$0x16400] =	vst v63  }
0x72: {  	s2 =	sadd.s32 $0x100, s0  }
0x73: {  	[tilespmem:s15], [sflag:$0x1] =	stream.indirect.gather [hbm4b:s3+s12], $0x40, s2, s12, $0xb8;
	[tilespmem:$0x16400] =	vst v63  }
0x74: {  	s2 =	sadd.s32 $0x180, s0  }
0x75: {  	[tilespmem:s16], [sflag:$0x1] =	stream.indirect.gather [hbm4b:s3+s12], $0x40, s2, s12, $0xb8;
	[tilespmem:$0x16400] =	vst v63  }
0x76: {  	_ =	swait.ge [sflag:s17], $0x2000  }
0x77: {  	[sflag:s17] =	ssyncset.done $0x0  }
0x78: {  	[sflag:s17] =	ssyncadd.s32 $0xFFFFE000  }
0x79: {  	_ =	swait.ge [sflag:s17], $0x2000  }
0x7a: {  	s2 =	sshll.u32 s30, $0x2;
	[sflag:s17] =	ssyncset.done $0x0  }
0x7b: {  	s5 =	sand.u32 $0x20000, s26;
	s6 =	sand.u32 $0x40, s29;
	[sflag:s17] =	ssyncadd.s32 $0xFFFFE000  }
0x7c: {  	s11 =	sshll.u32 s30, $0xE;
	s5 =	sor.u32 s6, s5;
	_ =	swait.ge [sflag:s17], $0x2000  }
0x7d: {  	s6 =	sand.u32 $0x20000, s11;
	s2 =	sand.u32 $0x40, s2;
	[sflag:s17] =	ssyncset.done $0x0  }
0x7e: {  	s11 =	sand.u32 $0x7FFC0000, s28;
	s2 =	sor.u32 s6, s2;
	[sflag:s17] =	ssyncadd.s32 $0xFFFFE000  }
0x7f: {  	s5 =	sor.u32 s11, s5;
	s2 =	sor.u32 s11, s2;
	_ =	swait.ge [sflag:s17], $0x2000  }
0x80: {  	s5 =	sshrl.u32 s5, $0x3;
	s2 =	sshrl.u32 s2, $0x3;
	[sflag:s17] =	ssyncset.done $0x0  }
0x81: {  	s5 =	sadd.s32 s5, s4;
	s2 =	sadd.s32 s4, s2;
	[sflag:s17] =	ssyncadd.s32 $0xFFFFE000  }
0x82: {  	[hbm4b:s2+s18] =	stream.strided.scatter [tilespmem:s13], [sflag:$0x2], $0x2000, s12, s18, $0x38;
	[tilespmem:$0x16400] =	vst v63  }
0x83: {  	s2 =	sadd.s32 $0x800, s5  }
0x84: {  	[hbm4b:s2+s18] =	stream.strided.scatter [tilespmem:s14], [sflag:$0x2], $0x2000, s12, s18, $0x38;
	[tilespmem:$0x16400] =	vst v63  }
0x85: {  	s2 =	sadd.s32 $0x1000, s5  }
0x86: {  	[hbm4b:s2+s18] =	stream.strided.scatter [tilespmem:s15], [sflag:$0x2], $0x2000, s12, s18, $0x38;
	[tilespmem:$0x16400] =	vst v63  }
0x87: {  	s2 =	sadd.s32 $0x1800, s5;
	s5 =	simm.s32 @!p0 $0x3  }
0x88: {  	[hbm4b:s2+s18] =	stream.strided.scatter [tilespmem:s16], [sflag:$0x2], $0x2000, s12, s18, $0x38;
	[tilespmem:$0x16400] =	vst v63  }
0x89: {  	_ =	swait.ge @!p0 [sflag:s5], $0x2000  }
0x8a: {  	[sflag:s5] =	ssyncset.done @!p0 $0x0  }
0x8b: {  	[sflag:s5] =	ssyncadd.s32 @!p0 $0xFFFFE000  }
0x8c: {  	_ =	swait.ge @!p0 [sflag:s5], $0x2000  }
0x8d: {  	[sflag:s5] =	ssyncset.done @!p0 $0x0  }
0x8e: {  	[sflag:s5] =	ssyncadd.s32 @!p0 $0xFFFFE000  }
0x8f: {  	_ =	swait.ge @!p0 [sflag:s5], $0x2000  }
0x90: {  	[sflag:s5] =	ssyncset.done @!p0 $0x0  }
0x91: {  	[sflag:s5] =	ssyncadd.s32 @!p0 $0xFFFFE000  }
0x92: {  	_ =	swait.ge @!p0 [sflag:s5], $0x2000  }
0x93: {  	[sflag:s5] =	ssyncset.done @!p0 $0x0  }
0x94: {  	s2 =	sadd.s32 $0x200, s0;
	[sflag:s5] =	ssyncadd.s32 @!p0 $0xFFFFE000;
	p0 =	por p2, p2  }
0x95: {  	[tilespmem:s19], [sflag:$0x1] =	stream.indirect.gather [hbm4b:s3+s12], $0x40, s2, s12, $0xb8;
	[tilespmem:$0x16400] =	vst v63  }
0x96: {  	s2 =	sadd.s32 $0x280, s0  }
0x97: {  	[tilespmem:s20], [sflag:$0x1] =	stream.indirect.gather [hbm4b:s3+s12], $0x40, s2, s12, $0xb8;
	[tilespmem:$0x16400] =	vst v63  }
0x98: {  	s2 =	sadd.s32 $0x300, s0  }
0x99: {  	[tilespmem:s21], [sflag:$0x1] =	stream.indirect.gather [hbm4b:s3+s12], $0x40, s2, s12, $0xb8;
	[tilespmem:$0x16400] =	vst v63  }
0x9a: {  	s0 =	sadd.s32 $0x380, s0  }
0x9b: {  	[tilespmem:s22], [sflag:$0x1] =	stream.indirect.gather [hbm4b:s3+s12], $0x40, s0, s12, $0xb8;
	[tilespmem:$0x16400] =	vst v63  }
0x9c: {  	_ =	swait.ge [sflag:s17], $0x2000  }
0x9d: {  	[sflag:s17] =	ssyncset.done $0x0  }
0x9e: {  	[sflag:s17] =	ssyncadd.s32 $0xFFFFE000  }
0x9f: {  	_ =	swait.ge [sflag:s17], $0x2000  }
0xa0: {  	[sflag:s17] =	ssyncset.done $0x0  }
0xa1: {  	s0 =	sadd.s32 $0x10, s29;
	[sflag:s17] =	ssyncadd.s32 $0xFFFFE000  }
0xa2: {  	s5 =	sadd.s32 $0x10000, s26;
	s2 =	sadd.s32 $0x8000, s28;
	_ =	swait.ge [sflag:s17], $0x2000  }
0xa3: {  	s5 =	sand.u32 $0x30000, s5;
	s2 =	sand.u32 $0x7FFC0000, s2;
	[sflag:s17] =	ssyncset.done $0x0  }
0xa4: {  	s2 =	sor.u32 s5, s2;
	s0 =	sand.u32 $0x40, s0;
	[sflag:s17] =	ssyncadd.s32 $0xFFFFE000  }
0xa5: {  	s0 =	sor.u32 s0, s2;
	_ =	swait.ge [sflag:s17], $0x2000  }
0xa6: {  	s0 =	sshrl.u32 s0, $0x3;
	[sflag:s17] =	ssyncset.done $0x0  }
0xa7: {  	s0 =	sadd.s32 s4, s0;
	[sflag:s17] =	ssyncadd.s32 $0xFFFFE000  }
0xa8: {  	[hbm4b:s0+s18] =	stream.strided.scatter [tilespmem:s19], [sflag:$0x3], $0x2000, s12, s18, $0x38;
	[tilespmem:$0x16400] =	vst v63  }
.Ltmp0:
0xa9: {  	s2 =	sadd.s32 $0x800, s0;
	(pc) =	sbr.rel @p1 .LBB2_2-.Ltmp0, $4  }
0xaa: {  	[hbm4b:s2+s18] =	stream.strided.scatter [tilespmem:s20], [sflag:$0x3], $0x2000, s12, s18, $0x38;
	[tilespmem:$0x16400] =	vst v63  }
0xab: {  	s30 =	sadd.s32 $0x8, s30;
	s26 =	sadd.s32 $0x20000, s26;
	s2 =	sadd.s32 $0x1000, s0  }
0xac: {  	[hbm4b:s2+s18] =	stream.strided.scatter [tilespmem:s21], [sflag:$0x3], $0x2000, s12, s18, $0x38;
	[tilespmem:$0x16400] =	vst v63  }
0xad: {  	s28 =	sadd.s32 $0x10000, s28;
	s29 =	sadd.s32 $0x20, s29;
	s0 =	sadd.s32 $0x1800, s0  }
0xae: {  	[hbm4b:s0+s18] =	stream.strided.scatter [tilespmem:s22], [sflag:$0x3], $0x2000, s12, s18, $0x38;
	[tilespmem:$0x16400] =	vst v63  }
0xaf: {  	s0 =	simm.s32 @!p0 $0x2  }
0xb0: {  	_ =	swait.ge @!p0 [sflag:s0], $0x2000  }
0xb1: {  	[sflag:s0] =	ssyncset.done @!p0 $0x0  }
0xb2: {  	[sflag:s0] =	ssyncadd.s32 @!p0 $0xFFFFE000  }
0xb3: {  	_ =	swait.ge @!p0 [sflag:s0], $0x2000  }
0xb4: {  	[sflag:s0] =	ssyncset.done @!p0 $0x0  }
0xb5: {  	[sflag:s0] =	ssyncadd.s32 @!p0 $0xFFFFE000  }
0xb6: {  	_ =	swait.ge @!p0 [sflag:s0], $0x2000  }
0xb7: {  	[sflag:s0] =	ssyncset.done @!p0 $0x0  }
0xb8: {  	[sflag:s0] =	ssyncadd.s32 @!p0 $0xFFFFE000  }
0xb9: {  	_ =	swait.ge @!p0 [sflag:s0], $0x2000  }
0xba: {  	[sflag:s0] =	ssyncset.done @!p0 $0x0  }
0xbb: {  	[sflag:s0] =	ssyncadd.s32 @!p0 $0xFFFFE000;
	s0 =	sshra.s32 s31, $0x2  }
0xbc: {  	[tilespmem:s13], [sflag:$0x1] =	stream.indirect.gather [hbm4b:s3+s12], $0x40, s0, s12, $0xb8;
	[tilespmem:$0x16400] =	vst v63  }
0xbd: {  	s1 =	sadd.s32 $0x80, s0  }
0xbe: {  	[tilespmem:s14], [sflag:$0x1] =	stream.indirect.gather [hbm4b:s3+s12], $0x40, s1, s12, $0xb8;
	[tilespmem:$0x16400] =	vst v63  }
0xbf: {  	s5 =	sadd.s32 $0x100, s0  }
0xc0: {  	[tilespmem:s15], [sflag:$0x1] =	stream.indirect.gather [hbm4b:s3+s12], $0x40, s5, s12, $0xb8;
	[tilespmem:$0x16400] =	vst v63  }
0xc1: {  	s6 =	sadd.s32 $0x180, s0  }
0xc2: {  	[tilespmem:s16], [sflag:$0x1] =	stream.indirect.gather [hbm4b:s3+s12], $0x40, s6, s12, $0xb8;
	[tilespmem:$0x16400] =	vst v63  }
0xc3: {  	_ =	swait.ge [sflag:s17], $0x2000  }
0xc4: {  	[sflag:s17] =	ssyncset.done $0x0  }
0xc5: {  	[sflag:s17] =	ssyncadd.s32 $0xFFFFE000  }
0xc6: {  	_ =	swait.ge [sflag:s17], $0x2000  }
0xc7: {  	s11 =	sshll.u32 s30, $0x2;
	[sflag:s17] =	ssyncset.done $0x0  }
0xc8: {  	s2 =	sand.u32 $0x20000, s26;
	s31 =	sand.u32 $0x7FFC0000, s28;
	[sflag:s17] =	ssyncadd.s32 $0xFFFFE000  }
0xc9: {  	s1 =	sand.u32 $0x40, s11;
	s6 =	sshll.u32 s30, $0xE;
	_ =	swait.ge [sflag:s17], $0x2000  }
0xca: {  	s5 =	sand.u32 $0x40, s29;
	s30 =	sand.u32 $0x20000, s6;
	[sflag:s17] =	ssyncset.done $0x0  }
0xcb: {  	s2 =	sor.u32 s5, s2;
	s1 =	sor.u32 s30, s1;
	[sflag:s17] =	ssyncadd.s32 $0xFFFFE000  }
0xcc: {  	s2 =	sor.u32 s31, s2;
	s1 =	sor.u32 s31, s1;
	_ =	swait.ge [sflag:s17], $0x2000  }
0xcd: {  	s2 =	sshrl.u32 s2, $0x3;
	s1 =	sshrl.u32 s1, $0x3;
	[sflag:s17] =	ssyncset.done $0x0  }
0xce: {  	s2 =	sadd.s32 s2, s4;
	s1 =	sadd.s32 s4, s1;
	[sflag:s17] =	ssyncadd.s32 $0xFFFFE000  }
0xcf: {  	[hbm4b:s1+s18] =	stream.strided.scatter [tilespmem:s13], [sflag:$0x2], $0x2000, s12, s18, $0x38;
	[tilespmem:$0x16400] =	vst v63  }
0xd0: {  	s6 =	sadd.s32 $0x800, s2  }
0xd1: {  	[hbm4b:s6+s18] =	stream.strided.scatter [tilespmem:s14], [sflag:$0x2], $0x2000, s12, s18, $0x38;
	[tilespmem:$0x16400] =	vst v63  }
0xd2: {  	s11 =	sadd.s32 $0x1000, s2  }
0xd3: {  	[hbm4b:s11+s18] =	stream.strided.scatter [tilespmem:s15], [sflag:$0x2], $0x2000, s12, s18, $0x38;
	[tilespmem:$0x16400] =	vst v63  }
0xd4: {  	s30 =	sadd.s32 $0x1800, s2;
	s2 =	simm.s32 @!p0 $0x3  }
0xd5: {  	[hbm4b:s30+s18] =	stream.strided.scatter [tilespmem:s16], [sflag:$0x2], $0x2000, s12, s18, $0x38;
	[tilespmem:$0x16400] =	vst v63  }
0xd6: {  	_ =	swait.ge @!p0 [sflag:s2], $0x2000  }
0xd7: {  	[sflag:s2] =	ssyncset.done @!p0 $0x0  }
0xd8: {  	[sflag:s2] =	ssyncadd.s32 @!p0 $0xFFFFE000  }
0xd9: {  	_ =	swait.ge @!p0 [sflag:s2], $0x2000  }
0xda: {  	[sflag:s2] =	ssyncset.done @!p0 $0x0  }
0xdb: {  	[sflag:s2] =	ssyncadd.s32 @!p0 $0xFFFFE000  }
0xdc: {  	_ =	swait.ge @!p0 [sflag:s2], $0x2000  }
0xdd: {  	[sflag:s2] =	ssyncset.done @!p0 $0x0  }
0xde: {  	[sflag:s2] =	ssyncadd.s32 @!p0 $0xFFFFE000  }
0xdf: {  	_ =	swait.ge @!p0 [sflag:s2], $0x2000  }
0xe0: {  	[sflag:s2] =	ssyncset.done @!p0 $0x0  }
0xe1: {  	s31 =	sadd.s32 $0x200, s0;
	[sflag:s2] =	ssyncadd.s32 @!p0 $0xFFFFE000  }
0xe2: {  	[tilespmem:s19], [sflag:$0x1] =	stream.indirect.gather [hbm4b:s3+s12], $0x40, s31, s12, $0xb8;
	[tilespmem:$0x16400] =	vst v63  }
0xe3: {  	s2 =	sadd.s32 $0x280, s0  }
0xe4: {  	[tilespmem:s20], [sflag:$0x1] =	stream.indirect.gather [hbm4b:s3+s12], $0x40, s2, s12, $0xb8;
	[tilespmem:$0x16400] =	vst v63  }
0xe5: {  	s5 =	sadd.s32 $0x300, s0  }
0xe6: {  	[tilespmem:s21], [sflag:$0x1] =	stream.indirect.gather [hbm4b:s3+s12], $0x40, s5, s12, $0xb8;
	[tilespmem:$0x16400] =	vst v63  }
0xe7: {  	s0 =	sadd.s32 $0x380, s0  }
0xe8: {  	[tilespmem:s22], [sflag:$0x1] =	stream.indirect.gather [hbm4b:s3+s12], $0x40, s0, s12, $0xb8;
	[tilespmem:$0x16400] =	vst v63  }
0xe9: {  	_ =	swait.ge [sflag:s17], $0x2000  }
0xea: {  	[sflag:s17] =	ssyncset.done $0x0  }
0xeb: {  	[sflag:s17] =	ssyncadd.s32 $0xFFFFE000  }
0xec: {  	_ =	swait.ge [sflag:s17], $0x2000  }
0xed: {  	[sflag:s17] =	ssyncset.done $0x0  }
0xee: {  	s6 =	sadd.s32 $0x10, s29;
	[sflag:s17] =	ssyncadd.s32 $0xFFFFE000  }
0xef: {  	s11 =	sadd.s32 $0x8000, s28;
	s28 =	sadd.s32 $0x10000, s26;
	_ =	swait.ge [sflag:s17], $0x2000  }
0xf0: {  	s1 =	sand.u32 $0x7FFC0000, s11;
	s2 =	sand.u32 $0x30000, s28;
	[sflag:s17] =	ssyncset.done $0x0  }
0xf1: {  	s1 =	sor.u32 s2, s1;
	s0 =	sand.u32 $0x40, s6;
	[sflag:s17] =	ssyncadd.s32 $0xFFFFE000  }
0xf2: {  	s0 =	sor.u32 s0, s1;
	_ =	swait.ge [sflag:s17], $0x2000  }
0xf3: {  	s0 =	sshrl.u32 s0, $0x3;
	[sflag:s17] =	ssyncset.done $0x0  }
0xf4: {  	s0 =	sadd.s32 s4, s0;
	[sflag:s17] =	ssyncadd.s32 $0xFFFFE000  }
0xf5: {  	[hbm4b:s0+s18] =	stream.strided.scatter [tilespmem:s19], [sflag:$0x3], $0x2000, s12, s18, $0x38;
	[tilespmem:$0x16400] =	vst v63  }
0xf6: {  	s29 =	sadd.s32 $0x800, s0  }
0xf7: {  	[hbm4b:s29+s18] =	stream.strided.scatter [tilespmem:s20], [sflag:$0x3], $0x2000, s12, s18, $0x38;
	[tilespmem:$0x16400] =	vst v63  }
0xf8: {  	s30 =	sadd.s32 $0x1000, s0  }
0xf9: {  	[hbm4b:s30+s18] =	stream.strided.scatter [tilespmem:s21], [sflag:$0x3], $0x2000, s12, s18, $0x38;
	[tilespmem:$0x16400] =	vst v63  }
0xfa: {  	s0 =	sadd.s32 $0x1800, s0  }
0xfb: {  	[hbm4b:s0+s18] =	stream.strided.scatter [tilespmem:s22], [sflag:$0x3], $0x2000, s12, s18, $0x38;
	[tilespmem:$0x16400] =	vst v63  }
0xfc: {  	_ =	swait.ge [sflag:s23], $0x2000  }
0xfd: {  	[sflag:s23] =	ssyncset.done $0x0  }
0xfe: {  	[sflag:s23] =	ssyncadd.s32 $0xFFFFE000  }
0xff: {  	_ =	swait.ge [sflag:s23], $0x2000  }
0x100: {  	[sflag:s23] =	ssyncset.done $0x0  }
0x101: {  	[sflag:s23] =	ssyncadd.s32 $0xFFFFE000  }
0x102: {  	_ =	swait.ge [sflag:s23], $0x2000  }
0x103: {  	[sflag:s23] =	ssyncset.done $0x0  }
0x104: {  	[sflag:s23] =	ssyncadd.s32 $0xFFFFE000  }
0x105: {  	_ =	swait.ge [sflag:s23], $0x2000  }
0x106: {  	[sflag:s23] =	ssyncset.done $0x0  }
0x107: {  	[sflag:s23] =	ssyncadd.s32 $0xFFFFE000  }
0x108: {  	_ =	swait.ge [sflag:s24], $0x2000  }
0x109: {  	[sflag:s24] =	ssyncset.done $0x0  }
0x10a: {  	[sflag:s24] =	ssyncadd.s32 $0xFFFFE000  }
0x10b: {  	_ =	swait.ge [sflag:s24], $0x2000  }
0x10c: {  	[sflag:s24] =	ssyncset.done $0x0  }
0x10d: {  	[sflag:s24] =	ssyncadd.s32 $0xFFFFE000  }
0x10e: {  	_ =	swait.ge [sflag:s24], $0x2000  }
0x10f: {  	[sflag:s24] =	ssyncset.done $0x0  }
0x110: {  	[sflag:s24] =	ssyncadd.s32 $0xFFFFE000  }
0x111: {  	_ =	swait.ge [sflag:s24], $0x2000  }
0x112: {  	s25 =	sadd.s32 $0x1, s25;
	s31 =	rddreg [dreg:$0x3]  }
0x113: {  	p0 =	sne.s32 s25, s31  }
.Ltmp1:
0x114: {  	_ = 	snop;
	(pc) =	sbr.rel @p0 .LBB2_1-.Ltmp1, $3  }
0x115: {  	_ =	sdelay $0x1  }
0x116: {  	[sflag:s24] =	ssyncset.done $0x0  }
0x117: {  	[sflag:s24] =	ssyncadd.s32 $0xFFFFE000  }
0x118: {  	_ =	sfence.sel $0x180000  }
0x119: {  	[bflag:$0x0] =	sbarrier.arrive $0xFFFF  }
0x11a: {  	_ =	strace $0x90000047  }
0x11b: {  	s0 =	stileid.u32;
	[bflag:$0x2] =	sbarrier.arrive $0xFFFF  }
0x11c: {  	p0 =	sne.s32 s0, $0x0;
	s0 =	rddreg [dreg:$0x1]  }
0x11d: {  	s0 =	sadd.s32 @!p0 $0x100000, s0  }
0x11e: {  	[sflag:s0] =	ssyncadd.tile.s32 @!p0 $0x1;
	_ =	shalt  }
.Lfunc_end2:
_tile_overlayer_lowered:
.L_overlay_start_2:
0x11f: {  	(tag) =	ssettag $0x2  }
0x120: {  	s0 =	rddreg [dreg:$0x0];
	s2 =	stileid.u32  }
0x121: {  	s1 =	rddreg [dreg:$0x1];
	p0 =	sne.s32 s2, $0x0  }
0x122: {  	s3 =	rddreg [dreg:$0x2];
	[bflag:$0x3] =	sbarrier.arrive $0xFFFF;
	s2 =	simm.s32 @!p0 $0x1C04  }
0x123: {  	[timem:s3], [sflag:s2] =	dma.local @!p0 [hbm:s0], s1  }
0x124: {  	s0 =	simm.s32 @!p0 $0x4  }
0x125: {  	_ =	swait.ge @!p0 [sflag:s0], s1  }
0x126: {  	s1 =	ssub.s32 @!p0 $0x0, s1;
	[sflag:s0] =	ssyncset.done @!p0 $0x0  }
0x127: {  	[sflag:s0] =	ssyncadd.s32 @!p0 s1  }
0x128: {  	[bflag:$0x3] =	sbarrier.arrive $0xFFFF  }
0x129: {  	_ =	shalt  }

</sc_bundles>
